<compile_context>
chip_gen: v7x
topology: tpu7x:2x2x1
jax: 0.10.2.dev20260603
libtpu: 0.0.44.dev20260713+nightly
codegen_flags: <defaults>
</compile_context>

<pallas_src>
import functools

import jax
import jax.numpy as jnp
from jax import lax
from jax.experimental import pallas as pl
from jax.experimental.pallas import tpu as pltpu
from jax.experimental.pallas import tpu_sc as plsc

N = 10000
E = 320000
D = 128
H = 2
C = 32
HC = H * C
G = 256

_NC = 2
_NS = 16
_NW = _NC * _NS
_BC = 128
_EPAD = ((E + _NW * _BC - 1) // (_NW * _BC)) * (_NW * _BC)
_NCHUNK = _EPAD // (_NW * _BC)
_NA = N + 8
_HCP = 128
_NP = 10240
_ISQRTC = 1.0 / (C ** 0.5)



def _mm_body(a_ref, b_ref, o_ref):
    o_ref[...] = jnp.dot(a_ref[...], b_ref[...],
                         preferred_element_type=jnp.float32,
                         precision=lax.Precision.HIGHEST)


def _matmul(a, b, bm=1024):
    m, k = a.shape
    f = b.shape[1]
    mp = ((m + bm - 1) // bm) * bm
    ap = a if mp == m else jnp.zeros((mp, k), jnp.float32).at[:m].set(a)
    out = pl.pallas_call(
        _mm_body,
        grid=(mp // bm,),
        in_specs=[
            pl.BlockSpec((bm, k), lambda i: (i, 0)),
            pl.BlockSpec((k, f), lambda i: (0, 0)),
        ],
        out_specs=pl.BlockSpec((bm, f), lambda i: (i, 0)),
        out_shape=jax.ShapeDtypeStruct((mp, f), jnp.float32),
    )(ap, b)
    return out[:m]



_MESH = plsc.VectorSubcoreMesh(core_axis_name="c", subcore_axis_name="s")


@functools.partial(
    pl.kernel,
    out_type=jax.ShapeDtypeStruct((_NC, _NA, _HCP), jnp.float32),
    scratch_types=[
        pltpu.VMEM((_BC,), jnp.int32),
        pltpu.VMEM((_BC,), jnp.int32),
        pltpu.VMEM((_BC, _HCP), jnp.float32),
        pltpu.VMEM((_BC, _HCP), jnp.float32),
        pltpu.VMEM((_BC, _HCP), jnp.float32),
        pltpu.VMEM_SHARED((_NA, _HCP), jnp.float32),
        pltpu.SemaphoreType.DMA,
    ],
    mesh=_MESH,
)
def _sc_tconv(qd_hbm, kv_hbm, src_hbm, dst_hbm, zeros_hbm, out_hbm,
              srcv, dstv, qrows, krows, rows, acc, sem):
    c = lax.axis_index("c")
    s = lax.axis_index("s")
    wid = s * _NC + c

    @pl.when(s == 0)
    def _():
        pltpu.sync_copy(zeros_hbm, acc)

    def zero_body(j, carry):
        for q in range(5, 8):
            rows[j, pl.ds(q * 16, 16)] = jnp.zeros((16,), jnp.float32)
        return carry

    lax.fori_loop(0, _BC, zero_body, 0)
    plsc.subcore_barrier()
    lane = lax.iota(jnp.int32, 16)

    def chunk_body(i, carry):
        base = (wid * _NCHUNK + i) * _BC
        pltpu.sync_copy(dst_hbm.at[pl.ds(base, _BC)], dstv)
        pltpu.async_copy(qd_hbm.at[dstv], qrows, sem).wait()
        pltpu.sync_copy(src_hbm.at[pl.ds(base, _BC)], srcv)
        pltpu.async_copy(kv_hbm.at[srcv], krows, sem).wait()

        def edge_body(j, carry2):
            q0 = qrows[j, pl.ds(0, 16)]
            q1 = qrows[j, pl.ds(16, 16)]
            q2 = qrows[j, pl.ds(32, 16)]
            q3 = qrows[j, pl.ds(48, 16)]
            k0 = krows[j, pl.ds(0, 16)]
            k1 = krows[j, pl.ds(16, 16)]
            k2 = krows[j, pl.ds(32, 16)]
            k3 = krows[j, pl.ds(48, 16)]
            s0 = q0 * k0 + q1 * k1
            s1 = q2 * k2 + q3 * k3
            dn = lax.GatherDimensionNumbers(
                offset_dims=(), collapsed_slice_dims=(0,),
                start_index_map=(0,))
            for sh in (1, 2, 4, 8):
                idx = (lane ^ sh).reshape(16, 1)
                s0 = s0 + lax.gather(
                    s0, idx, dn, (1,),
                    mode=lax.GatherScatterMode.PROMISE_IN_BOUNDS)
                s1 = s1 + lax.gather(
                    s1, idx, dn, (1,),
                    mode=lax.GatherScatterMode.PROMISE_IN_BOUNDS)
            ex0 = jnp.exp(s0 * _ISQRTC)
            ex1 = jnp.exp(s1 * _ISQRTC)
            rows[j, pl.ds(0, 16)] = krows[j, pl.ds(64, 16)] * ex0
            rows[j, pl.ds(16, 16)] = krows[j, pl.ds(80, 16)] * ex0
            rows[j, pl.ds(32, 16)] = krows[j, pl.ds(96, 16)] * ex1
            rows[j, pl.ds(48, 16)] = krows[j, pl.ds(112, 16)] * ex1
            rows[j, pl.ds(64, 16)] = jnp.where(
                lane == 0, ex0, jnp.where(lane == 1, ex1, 0.0))
            return carry2

        lax.fori_loop(0, _BC, edge_body, 0)
        pltpu.sync_copy(rows, acc.at[dstv], add=True)
        return carry

    lax.fori_loop(0, _NCHUNK, chunk_body, 0)
    plsc.subcore_barrier()

    @pl.when(s == 0)
    def _():
        pltpu.sync_copy(acc, out_hbm.at[c])


@functools.partial(
    pl.kernel,
    out_type=jax.ShapeDtypeStruct((_NC, _NA, _HCP), jnp.float32),
    scratch_types=[
        pltpu.VMEM((_BC,), jnp.int32),
        pltpu.VMEM((_BC,), jnp.int32),
        pltpu.VMEM((_BC, _HCP), jnp.float32),
        pltpu.VMEM_SHARED((_NA, _HCP), jnp.float32),
        pltpu.SemaphoreType.DMA,
    ],
    mesh=_MESH,
)
def _sc_agg(v_hbm, src_hbm, dst_hbm, zeros_hbm, out_hbm,
            srcv, dstv, rows, acc, sem):
    c = lax.axis_index("c")
    s = lax.axis_index("s")
    wid = s * _NC + c

    @pl.when(s == 0)
    def _():
        pltpu.sync_copy(zeros_hbm, acc)

    plsc.subcore_barrier()

    def chunk_body(i, carry):
        base = (wid * _NCHUNK + i) * _BC
        pltpu.sync_copy(src_hbm.at[pl.ds(base, _BC)], srcv)
        pltpu.async_copy(v_hbm.at[srcv], rows, sem).wait()
        pltpu.sync_copy(dst_hbm.at[pl.ds(base, _BC)], dstv)
        pltpu.sync_copy(rows, acc.at[dstv], add=True)
        return carry

    lax.fori_loop(0, _NCHUNK, chunk_body, 0)
    plsc.subcore_barrier()

    @pl.when(s == 0)
    def _():
        pltpu.sync_copy(acc, out_hbm.at[c])


def _pad_edges(src, dst):
    srcp = jnp.zeros((_EPAD,), jnp.int32).at[:E].set(src)
    dstp = jnp.full((_EPAD,), N, jnp.int32).at[:E].set(dst)
    return srcp, dstp



def _tconv_k(x, srcp, dstp, qw, qb, kw, kb, vw, vb, sw, sb):
    wcat = jnp.concatenate([qw, kw, vw, sw], axis=1)
    bcat = jnp.concatenate([qb, kb, vb, sb], axis=0)
    proj = _matmul(x, wcat) + bcat
    q, k, v, skip = jnp.split(proj, 4, axis=1)
    qd_tab = jnp.zeros((N, _HCP), jnp.float32).at[:, :HC].set(q)
    kv_tab = jnp.concatenate([k, v], axis=1)
    zeros = jnp.zeros((_NA, _HCP), jnp.float32)
    parts = _sc_tconv(qd_tab, kv_tab, srcp, dstp, zeros)
    acc = (parts[0] + parts[1])[:N]
    numer = acc[:, :HC].reshape(N, H, C)
    den = acc[:, HC:HC + H]
    agg = (numer / (den[:, :, None] + 1e-16)).reshape(N, HC)
    return agg + skip


def _sag_emb(x, srcp, dstp, batch, rel_w, rel_b, root_w):
    xp128 = jnp.zeros((N, _HCP), jnp.float32).at[:, :HC].set(x)
    zeros = jnp.zeros((_NA, _HCP), jnp.float32)
    parts = _sc_agg(xp128, srcp, dstp, zeros)
    agg = (parts[0] + parts[1])[:N, :HC]
    wcat = jnp.zeros((2 * HC, 128), jnp.float32)
    wcat = wcat.at[:HC, 0].set(rel_w[:, 0]).at[HC:, 0].set(root_w[:, 0])
    score = _matmul(jnp.concatenate([agg, x], axis=1), wcat)[:, 0] + rel_b[0]
    ex = jnp.exp(score - jnp.max(score))
    exp_pad = jnp.zeros((_NP,), jnp.float32).at[:N].set(ex)
    batchp = jnp.full((_NP,), -1, jnp.int32).at[:N].set(batch)
    onehot = (batchp[None, :] == jnp.arange(G, dtype=jnp.int32)[:, None])
    scaled = onehot.astype(jnp.float32) * exp_pad[None, :]
    xp = jnp.zeros((_NP, HC + 1), jnp.float32).at[:N, :HC].set(x)
    xp = xp.at[:N, HC].set(1.0)
    raw = _matmul(scaled, xp, bm=256)
    return raw[:, :HC] / (raw[:, HC:HC + 1] + 1e-16)


def kernel(h_x, t_x, h_edge_index, t_edge_index, h_batch, t_batch,
           dqw, dqb, dkw, dkb, dvw, dvb, dsw, dsb,
           pqw, pqb, pkw, pkb, pvw, pvb, psw, psb,
           iqw, iqb, ikw, ikb, ivw, ivb, isw, isb,
           r1w, r1b, r1r, r2w, r2b, r2r):
    hs, hd = _pad_edges(h_edge_index[0], h_edge_index[1])
    ts, td = _pad_edges(t_edge_index[0], t_edge_index[1])
    h1 = _tconv_k(h_x, hs, hd, dqw, dqb, dkw, dkb, dvw, dvb, dsw, dsb)
    t1 = _tconv_k(t_x, ts, td, pqw, pqb, pkw, pkb, pvw, pvb, psw, psb)
    h1e = jax.nn.elu(h1)
    t1e = jax.nn.elu(t1)
    h2 = _tconv_k(h1e, hs, hd, iqw, iqb, ikw, ikb, ivw, ivb, isw, isb)
    t2 = _tconv_k(t1e, ts, td, iqw, iqb, ikw, ikb, ivw, ivb, isw, isb)
    h_emb = _sag_emb(h2, hs, hd, h_batch, r1w, r1b, r1r)
    t_emb = _sag_emb(t2, ts, td, t_batch, r2w, r2b, r2r)
    return (h2, t2, h_emb, t_emb)

# --- scband reference (transcript-rebuilt; emitter-appended) ---
"""Pipeline reference for scband-mvn-ddi-block-20194936226358 (READ-ONLY COPY).

The authoritative reference and input builder live on the scoring server;
editing this copy changes nothing except your own understanding.
"""

import jax, jax.numpy as jnp
import numpy as np

N = 10000
E = 320000
D = 128
H = 2
C = 32
HC = H * C
G = 256


def _lin_init(key, fan_in, fan_out):
    return jax.random.normal(key, (fan_in, fan_out), dtype=jnp.float32) * (1.0 / np.sqrt(fan_in))


def setup_inputs(seed: int = 0) -> dict:
    key = jax.random.key(seed)
    ks = jax.random.split(key, 48)
    inp = {}
    inp["h_x"] = jax.random.normal(ks[0], (N, D), dtype=jnp.float32)
    inp["t_x"] = jax.random.normal(ks[1], (N, D), dtype=jnp.float32)
    inp["h_edge_index"] = jax.random.randint(ks[2], (2, E), 0, N, dtype=jnp.int32)
    inp["t_edge_index"] = jax.random.randint(ks[3], (2, E), 0, N, dtype=jnp.int32)
    inp["h_batch"] = jnp.sort(jax.random.randint(ks[4], (N,), 0, G, dtype=jnp.int32))
    inp["t_batch"] = jnp.sort(jax.random.randint(ks[5], (N,), 0, G, dtype=jnp.int32))
    # feature_conv_drug: TransformerConv(128 -> 32, heads=2)
    inp["dqw"] = _lin_init(ks[6], D, HC); inp["dqb"] = jnp.zeros((HC,), jnp.float32)
    inp["dkw"] = _lin_init(ks[7], D, HC); inp["dkb"] = jnp.zeros((HC,), jnp.float32)
    inp["dvw"] = _lin_init(ks[8], D, HC); inp["dvb"] = jnp.zeros((HC,), jnp.float32)
    inp["dsw"] = _lin_init(ks[9], D, HC); inp["dsb"] = jnp.zeros((HC,), jnp.float32)
    # feature_conv_protein: TransformerConv(128 -> 32, heads=2)
    inp["pqw"] = _lin_init(ks[10], D, HC); inp["pqb"] = jnp.zeros((HC,), jnp.float32)
    inp["pkw"] = _lin_init(ks[11], D, HC); inp["pkb"] = jnp.zeros((HC,), jnp.float32)
    inp["pvw"] = _lin_init(ks[12], D, HC); inp["pvb"] = jnp.zeros((HC,), jnp.float32)
    inp["psw"] = _lin_init(ks[13], D, HC); inp["psb"] = jnp.zeros((HC,), jnp.float32)
    # intraAtt (shared): TransformerConv(64 -> 32, heads=2)
    inp["iqw"] = _lin_init(ks[14], HC, HC); inp["iqb"] = jnp.zeros((HC,), jnp.float32)
    inp["ikw"] = _lin_init(ks[15], HC, HC); inp["ikb"] = jnp.zeros((HC,), jnp.float32)
    inp["ivw"] = _lin_init(ks[16], HC, HC); inp["ivb"] = jnp.zeros((HC,), jnp.float32)
    inp["isw"] = _lin_init(ks[17], HC, HC); inp["isb"] = jnp.zeros((HC,), jnp.float32)
    # readout_1 / readout_2: SAGPooling scoring GraphConv(64 -> 1)
    inp["r1w"] = _lin_init(ks[18], HC, 1); inp["r1b"] = jnp.zeros((1,), jnp.float32)
    inp["r1r"] = _lin_init(ks[19], HC, 1)
    inp["r2w"] = _lin_init(ks[20], HC, 1); inp["r2b"] = jnp.zeros((1,), jnp.float32)
    inp["r2r"] = _lin_init(ks[21], HC, 1)
    return inp


def _tconv(x_src, x_dst, src, dst, qw, qb, kw, kb, vw, vb, sw, sb, n_dst):
    q = (x_dst @ qw + qb).reshape(-1, H, C)
    k = (x_src @ kw + kb).reshape(-1, H, C)
    v = (x_src @ vw + vb).reshape(-1, H, C)
    alpha = (q[dst] * k[src]).sum(-1) / jnp.sqrt(float(C))  # [E, H]
    amax = jax.ops.segment_max(alpha, dst, num_segments=n_dst)
    amax = jnp.where(jnp.isfinite(amax), amax, 0.0)
    ex = jnp.exp(alpha - amax[dst])
    den = jax.ops.segment_sum(ex, dst, num_segments=n_dst)
    w = ex / (den[dst] + 1e-16)
    out = jax.ops.segment_sum(v[src] * w[:, :, None], dst, num_segments=n_dst)
    return out.reshape(-1, HC) + x_dst @ sw + sb


def _sag_pool(x, src, dst, batch, rel_w, rel_b, root_w, n, g):
    # GraphConv(HC -> 1, aggr='add') score, then softmax over each graph
    agg = jax.ops.segment_sum(x[src], dst, num_segments=n)
    score = (agg @ rel_w + rel_b + x @ root_w)[:, 0]
    m = jax.ops.segment_max(score, batch, num_segments=g)
    m = jnp.where(jnp.isfinite(m), m, 0.0)
    ex = jnp.exp(score - m[batch])
    s = jax.ops.segment_sum(ex, batch, num_segments=g)
    sm = ex / (s[batch] + 1e-16)
    # min_score=-1 keeps all nodes (softmax scores > 0 > -1); x scaled by score
    return x * sm[:, None]


def reference(h_x, t_x, h_edge_index, t_edge_index, h_batch, t_batch,
              dqw, dqb, dkw, dkb, dvw, dvb, dsw, dsb,
              pqw, pqb, pkw, pkb, pvw, pvb, psw, psb,
              iqw, iqb, ikw, ikb, ivw, ivb, isw, isb,
              r1w, r1b, r1r, r2w, r2b, r2r):
    hs, hd = h_edge_index[0], h_edge_index[1]
    ts, td = t_edge_index[0], t_edge_index[1]
    # feature convs
    h1 = _tconv(h_x, h_x, hs, hd, dqw, dqb, dkw, dkb, dvw, dvb, dsw, dsb, N)
    t1 = _tconv(t_x, t_x, ts, td, pqw, pqb, pkw, pkb, pvw, pvb, psw, psb, N)
    # intra attention (shared weights), input passed through ELU
    h1e = jax.nn.elu(h1)
    t1e = jax.nn.elu(t1)
    h2 = _tconv(h1e, h1e, hs, hd, iqw, iqb, ikw, ikb, ivw, ivb, isw, isb, N)
    t2 = _tconv(t1e, t1e, ts, td, iqw, iqb, ikw, ikb, ivw, ivb, isw, isb, N)
    # SAGPooling(min_score=-1) -> score-weighted x, all nodes kept
    h_att = _sag_pool(h2, hs, hd, h_batch, r1w, r1b, r1r, N, G)
    t_att = _sag_pool(t2, ts, td, t_batch, r2w, r2b, r2r, N, G)
    h_emb = jax.ops.segment_sum(h_att, h_batch, num_segments=G)
    t_emb = jax.ops.segment_sum(t_att, t_batch, num_segments=G)
    return (h2, t2, h_emb, t_emb)

if __name__ == "__main__":
    import jax
    _d = setup_inputs()
    print(jax.jit(kernel)(*tuple(_d.values())))

</pallas_src>

<mosaic_0001>
#map = affine_map<(d0, d1) -> (0, 0)>
#map1 = affine_map<(d0, d1) -> (0)>
#map2 = affine_map<(d0, d1) -> (0, 0, 0)>
module attributes {stable_mosaic.version = 14 : i64} {
  func.func @_sc_tconv(%arg0: i32, %arg1: i32, %arg2: memref<10000x128xf32, #tpu.memory_space<hbm>>, %arg3: memref<10000x128xf32, #tpu.memory_space<hbm>>, %arg4: memref<323584xi32, #tpu.memory_space<hbm>>, %arg5: memref<323584xi32, #tpu.memory_space<hbm>>, %arg6: memref<10008x128xf32, #tpu.memory_space<hbm>>, %arg7: memref<2x10008x128xf32, #tpu.memory_space<hbm>>, %arg8: memref<128xi32, #tpu.memory_space<vmem>>, %arg9: memref<128xi32, #tpu.memory_space<vmem>>, %arg10: memref<128x128xf32, #tpu.memory_space<vmem>>, %arg11: memref<128x128xf32, #tpu.memory_space<vmem>>, %arg12: memref<128x128xf32, #tpu.memory_space<vmem>>, %arg13: memref<10008x128xf32, #tpu.memory_space<vmem_shared>>, %arg14: memref<!tpu.dma_semaphore, #tpu.memory_space<semaphore_mem>>) attributes {dimension_semantics = [#tpu.dimension_semantics<core_parallel>, #tpu.dimension_semantics<subcore_parallel>], iteration_bounds = array<i64: 2, 16>, scalar_prefetch = 0 : i64, scratch_operands = 7 : i64, tpu.core_type = #tpu.core_type<sc_vector_subcore>, window_params = [{transform_indices = #map}, {transform_indices = #map}, {transform_indices = #map1}, {transform_indices = #map1}, {transform_indices = #map}, {transform_indices = #map2}]} {
    %mul3A = arith.constant 2 : i32
    %mul3A_0 = arith.muli %arg1, %mul3A : i32
    %add3A = arith.addi %mul3A_0, %arg0 : i32
    %eq3A = arith.constant 0 : i32
    %eq3A_1 = arith.cmpi eq, %arg1, %eq3A : i32
    %convert_element_type3A = arith.extui %eq3A_1 : i1 to i32
    %cond3A = arith.constant 0 : i32
    %cond3A_2 = arith.cmpi ne, %convert_element_type3A, %cond3A : i32
    scf.if %cond3A_2 {
      "tpu.region"() ({
        %run_scoped3A = tpu.sem_alloc : memref<!tpu.dma_semaphore, #tpu.memory_space<semaphore_mem>>
        tpu.enqueue_dma source(%arg6 : memref<10008x128xf32, #tpu.memory_space<hbm>>) target(%arg13 : memref<10008x128xf32, #tpu.memory_space<vmem_shared>>) target_semaphore(%run_scoped3A : memref<!tpu.dma_semaphore, #tpu.memory_space<semaphore_mem>>)
        tpu.wait_dma2 semaphore(%run_scoped3A : memref<!tpu.dma_semaphore, #tpu.memory_space<semaphore_mem>>) src(%arg6 : memref<10008x128xf32, #tpu.memory_space<hbm>>) dst(%arg13 : memref<10008x128xf32, #tpu.memory_space<vmem_shared>>)
        tpu.yield
      }) : () -> ()
    } else {
    }
    %scan3A = arith.constant 0 : i32
    %scan3A_3 = arith.constant 0 : i32
    %scan3A_4 = arith.constant 128 : i32
    %scan3A_5 = arith.addi %scan3A_3, %scan3A_4 : i32
    %scan3A_6 = arith.constant 1 : i32
    scf.for %scan3A_20 = %scan3A_3 to %scan3A_5 step %scan3A_6  : i32 {
      %broadcast_in_dim3A = arith.constant 0.000000e+00 : f32
      %broadcast_in_dim3A_21 = vector.broadcast %broadcast_in_dim3A : f32 to vector<16xf32>
      %swap3A = arith.index_cast %scan3A_20 : i32 to index
      %swap3A_22 = arith.constant 80 : index
      %swap3A_23 = tpu.vector_load %arg12[%swap3A, %swap3A_22] {strides = array<i32>} : memref<128x128xf32, #tpu.memory_space<vmem>>, vector<1x16xf32>,
      %swap3A_24 = vector.shape_cast %swap3A_23 : vector<1x16xf32> to vector<16xf32>
      %swap3A_25 = vector.shape_cast %broadcast_in_dim3A_21 : vector<16xf32> to vector<1x16xf32>
      tpu.vector_store %arg12[%swap3A, %swap3A_22], %swap3A_25 {strides = array<i32>} : memref<128x128xf32, #tpu.memory_space<vmem>>, vector<1x16xf32>,
      %broadcast_in_dim3A_26 = arith.constant 0.000000e+00 : f32
      %broadcast_in_dim3A_27 = vector.broadcast %broadcast_in_dim3A_26 : f32 to vector<16xf32>
      %swap3A_28 = arith.index_cast %scan3A_20 : i32 to index
      %swap3A_29 = arith.constant 96 : index
      %swap3A_30 = tpu.vector_load %arg12[%swap3A_28, %swap3A_29] {strides = array<i32>} : memref<128x128xf32, #tpu.memory_space<vmem>>, vector<1x16xf32>,
      %swap3A_31 = vector.shape_cast %swap3A_30 : vector<1x16xf32> to vector<16xf32>
      %swap3A_32 = vector.shape_cast %broadcast_in_dim3A_27 : vector<16xf32> to vector<1x16xf32>
      tpu.vector_store %arg12[%swap3A_28, %swap3A_29], %swap3A_32 {strides = array<i32>} : memref<128x128xf32, #tpu.memory_space<vmem>>, vector<1x16xf32>,
      %broadcast_in_dim3A_33 = arith.constant 0.000000e+00 : f32
      %broadcast_in_dim3A_34 = vector.broadcast %broadcast_in_dim3A_33 : f32 to vector<16xf32>
      %swap3A_35 = arith.index_cast %scan3A_20 : i32 to index
      %swap3A_36 = arith.constant 112 : index
      %swap3A_37 = tpu.vector_load %arg12[%swap3A_35, %swap3A_36] {strides = array<i32>} : memref<128x128xf32, #tpu.memory_space<vmem>>, vector<1x16xf32>,
      %swap3A_38 = vector.shape_cast %swap3A_37 : vector<1x16xf32> to vector<16xf32>
      %swap3A_39 = vector.shape_cast %broadcast_in_dim3A_34 : vector<16xf32> to vector<1x16xf32>
      tpu.vector_store %arg12[%swap3A_35, %swap3A_36], %swap3A_39 {strides = array<i32>} : memref<128x128xf32, #tpu.memory_space<vmem>>, vector<1x16xf32>,
    }
    %scan3A_7 = arith.constant 128 : i32
    %barrier3A = arith.constant 0 : index
    tpu.barrier barrier_id(%barrier3A)
    %iota3A = tpu.iota {dimensions = array<i32: 0>} : vector<16xi32>
    %scan3A_8 = arith.constant 0 : i32
    %scan3A_9 = arith.constant 0 : i32
    %scan3A_10 = arith.constant 79 : i32
    %scan3A_11 = arith.addi %scan3A_9, %scan3A_10 : i32
    %scan3A_12 = arith.constant 1 : i32
    scf.for %scan3A_20 = %scan3A_9 to %scan3A_11 step %scan3A_12  : i32 {
      %mul3A_21 = arith.constant 79 : i32
      %mul3A_22 = arith.muli %add3A, %mul3A_21 : i32
      %add3A_23 = arith.addi %mul3A_22, %scan3A_20 : i32
      %mul3A_24 = arith.constant 128 : i32
      %mul3A_25 = arith.muli %add3A_23, %mul3A_24 : i32
      "tpu.region"() ({
        %run_scoped3A = tpu.sem_alloc : memref<!tpu.dma_semaphore, #tpu.memory_space<semaphore_mem>>
        %dma_start3A_42 = tpu.memref_slice %arg5[%mul3A_25] : memref<323584xi32, #tpu.memory_space<hbm>> -> memref<128xi32, #tpu.memory_space<hbm>>
        %dma_start3A_43 = tpu.memref_slice %arg5[%mul3A_25] : memref<323584xi32, #tpu.memory_space<hbm>> -> memref<128xi32, #tpu.memory_space<hbm>>
        tpu.enqueue_dma source(%dma_start3A_43 : memref<128xi32, #tpu.memory_space<hbm>>) target(%arg9 : memref<128xi32, #tpu.memory_space<vmem>>) target_semaphore(%run_scoped3A : memref<!tpu.dma_semaphore, #tpu.memory_space<semaphore_mem>>)
        %dma_wait3A_44 = tpu.memref_slice %arg5[%mul3A_25] : memref<323584xi32, #tpu.memory_space<hbm>> -> memref<128xi32, #tpu.memory_space<hbm>>
        %dma_wait3A_45 = tpu.memref_slice %arg5[%mul3A_25] : memref<323584xi32, #tpu.memory_space<hbm>> -> memref<128xi32, #tpu.memory_space<hbm>>
        tpu.wait_dma2 semaphore(%run_scoped3A : memref<!tpu.dma_semaphore, #tpu.memory_space<semaphore_mem>>) src(%dma_wait3A_45 : memref<128xi32, #tpu.memory_space<hbm>>) dst(%arg9 : memref<128xi32, #tpu.memory_space<vmem>>)
        tpu.yield
      }) : () -> ()
      %dma_start3A = arith.constant 0 : i32
      %dma_start3A_26 = arith.constant 0 : i32
      %dma_start3A_27 = tpu.memref_slice %arg2[%dma_start3A, %dma_start3A_26] : memref<10000x128xf32, #tpu.memory_space<hbm>> -> memref<10000x128xf32, #tpu.memory_space<hbm>>
      tpu.enqueue_indirect_dma source(%dma_start3A_27 : memref<10000x128xf32, #tpu.memory_space<hbm>>) target(%arg10 : memref<128x128xf32, #tpu.memory_space<vmem>>) offsets(%arg9 : memref<128xi32, #tpu.memory_space<vmem>>) semaphore(%arg14 : memref<!tpu.dma_semaphore, #tpu.memory_space<semaphore_mem>>)
      %dma_wait3A = arith.constant 0 : i32
      %dma_wait3A_28 = arith.constant 0 : i32
      %dma_wait3A_29 = tpu.memref_slice %arg2[%dma_wait3A, %dma_wait3A_28] : memref<10000x128xf32, #tpu.memory_space<hbm>> -> memref<10000x128xf32, #tpu.memory_space<hbm>>
      tpu.wait_indirect_dma semaphore(%arg14 : memref<!tpu.dma_semaphore, #tpu.memory_space<semaphore_mem>>) src(%dma_wait3A_29 : memref<10000x128xf32, #tpu.memory_space<hbm>>) dst(%arg10 : memref<128x128xf32, #tpu.memory_space<vmem>>)
      "tpu.region"() ({
        %run_scoped3A = tpu.sem_alloc : memref<!tpu.dma_semaphore, #tpu.memory_space<semaphore_mem>>
        %dma_start3A_42 = tpu.memref_slice %arg4[%mul3A_25] : memref<323584xi32, #tpu.memory_space<hbm>> -> memref<128xi32, #tpu.memory_space<hbm>>
        %dma_start3A_43 = tpu.memref_slice %arg4[%mul3A_25] : memref<323584xi32, #tpu.memory_space<hbm>> -> memref<128xi32, #tpu.memory_space<hbm>>
        tpu.enqueue_dma source(%dma_start3A_43 : memref<128xi32, #tpu.memory_space<hbm>>) target(%arg8 : memref<128xi32, #tpu.memory_space<vmem>>) target_semaphore(%run_scoped3A : memref<!tpu.dma_semaphore, #tpu.memory_space<semaphore_mem>>)
        %dma_wait3A_44 = tpu.memref_slice %arg4[%mul3A_25] : memref<323584xi32, #tpu.memory_space<hbm>> -> memref<128xi32, #tpu.memory_space<hbm>>
        %dma_wait3A_45 = tpu.memref_slice %arg4[%mul3A_25] : memref<323584xi32, #tpu.memory_space<hbm>> -> memref<128xi32, #tpu.memory_space<hbm>>
        tpu.wait_dma2 semaphore(%run_scoped3A : memref<!tpu.dma_semaphore, #tpu.memory_space<semaphore_mem>>) src(%dma_wait3A_45 : memref<128xi32, #tpu.memory_space<hbm>>) dst(%arg8 : memref<128xi32, #tpu.memory_space<vmem>>)
        tpu.yield
      }) : () -> ()
      %dma_start3A_30 = arith.constant 0 : i32
      %dma_start3A_31 = arith.constant 0 : i32
      %dma_start3A_32 = tpu.memref_slice %arg3[%dma_start3A_30, %dma_start3A_31] : memref<10000x128xf32, #tpu.memory_space<hbm>> -> memref<10000x128xf32, #tpu.memory_space<hbm>>
      tpu.enqueue_indirect_dma source(%dma_start3A_32 : memref<10000x128xf32, #tpu.memory_space<hbm>>) target(%arg11 : memref<128x128xf32, #tpu.memory_space<vmem>>) offsets(%arg8 : memref<128xi32, #tpu.memory_space<vmem>>) semaphore(%arg14 : memref<!tpu.dma_semaphore, #tpu.memory_space<semaphore_mem>>)
      %dma_wait3A_33 = arith.constant 0 : i32
      %dma_wait3A_34 = arith.constant 0 : i32
      %dma_wait3A_35 = tpu.memref_slice %arg3[%dma_wait3A_33, %dma_wait3A_34] : memref<10000x128xf32, #tpu.memory_space<hbm>> -> memref<10000x128xf32, #tpu.memory_space<hbm>>
      tpu.wait_indirect_dma semaphore(%arg14 : memref<!tpu.dma_semaphore, #tpu.memory_space<semaphore_mem>>) src(%dma_wait3A_35 : memref<10000x128xf32, #tpu.memory_space<hbm>>) dst(%arg11 : memref<128x128xf32, #tpu.memory_space<vmem>>)
      %scan3A_36 = arith.constant 0 : i32
      %scan3A_37 = arith.constant 0 : i32
      %scan3A_38 = arith.constant 128 : i32
      %scan3A_39 = arith.addi %scan3A_37, %scan3A_38 : i32
      %scan3A_40 = arith.constant 1 : i32
      scf.for %scan3A_42 = %scan3A_37 to %scan3A_39 step %scan3A_40  : i32 {
        %get3A = arith.index_cast %scan3A_42 : i32 to index
        %get3A_43 = arith.constant 0 : index
        %get3A_44 = tpu.vector_load %arg10[%get3A, %get3A_43] {strides = array<i32>} : memref<128x128xf32, #tpu.memory_space<vmem>>, vector<1x16xf32>,
        %get3A_45 = vector.shape_cast %get3A_44 : vector<1x16xf32> to vector<16xf32>
        %get3A_46 = arith.index_cast %scan3A_42 : i32 to index
        %get3A_47 = arith.constant 16 : index
        %get3A_48 = tpu.vector_load %arg10[%get3A_46, %get3A_47] {strides = array<i32>} : memref<128x128xf32, #tpu.memory_space<vmem>>, vector<1x16xf32>,
        %get3A_49 = vector.shape_cast %get3A_48 : vector<1x16xf32> to vector<16xf32>
        %get3A_50 = arith.index_cast %scan3A_42 : i32 to index
        %get3A_51 = arith.constant 32 : index
        %get3A_52 = tpu.vector_load %arg10[%get3A_50, %get3A_51] {strides = array<i32>} : memref<128x128xf32, #tpu.memory_space<vmem>>, vector<1x16xf32>,
        %get3A_53 = vector.shape_cast %get3A_52 : vector<1x16xf32> to vector<16xf32>
        %get3A_54 = arith.index_cast %scan3A_42 : i32 to index
        %get3A_55 = arith.constant 48 : index
        %get3A_56 = tpu.vector_load %arg10[%get3A_54, %get3A_55] {strides = array<i32>} : memref<128x128xf32, #tpu.memory_space<vmem>>, vector<1x16xf32>,
        %get3A_57 = vector.shape_cast %get3A_56 : vector<1x16xf32> to vector<16xf32>
        %get3A_58 = arith.index_cast %scan3A_42 : i32 to index
        %get3A_59 = arith.constant 0 : index
        %get3A_60 = tpu.vector_load %arg11[%get3A_58, %get3A_59] {strides = array<i32>} : memref<128x128xf32, #tpu.memory_space<vmem>>, vector<1x16xf32>,
        %get3A_61 = vector.shape_cast %get3A_60 : vector<1x16xf32> to vector<16xf32>
        %get3A_62 = arith.index_cast %scan3A_42 : i32 to index
        %get3A_63 = arith.constant 16 : index
        %get3A_64 = tpu.vector_load %arg11[%get3A_62, %get3A_63] {strides = array<i32>} : memref<128x128xf32, #tpu.memory_space<vmem>>, vector<1x16xf32>,
        %get3A_65 = vector.shape_cast %get3A_64 : vector<1x16xf32> to vector<16xf32>
        %get3A_66 = arith.index_cast %scan3A_42 : i32 to index
        %get3A_67 = arith.constant 32 : index
        %get3A_68 = tpu.vector_load %arg11[%get3A_66, %get3A_67] {strides = array<i32>} : memref<128x128xf32, #tpu.memory_space<vmem>>, vector<1x16xf32>,
        %get3A_69 = vector.shape_cast %get3A_68 : vector<1x16xf32> to vector<16xf32>
        %get3A_70 = arith.index_cast %scan3A_42 : i32 to index
        %get3A_71 = arith.constant 48 : index
        %get3A_72 = tpu.vector_load %arg11[%get3A_70, %get3A_71] {strides = array<i32>} : memref<128x128xf32, #tpu.memory_space<vmem>>, vector<1x16xf32>,
        %get3A_73 = vector.shape_cast %get3A_72 : vector<1x16xf32> to vector<16xf32>
        %mul3A_74 = arith.mulf %get3A_45, %get3A_61 : vector<16xf32>
        %mul3A_75 = arith.mulf %get3A_49, %get3A_65 : vector<16xf32>
        %add3A_76 = arith.addf %mul3A_74, %mul3A_75 : vector<16xf32>
        %mul3A_77 = arith.mulf %get3A_53, %get3A_69 : vector<16xf32>
        %mul3A_78 = arith.mulf %get3A_57, %get3A_73 : vector<16xf32>
        %add3A_79 = arith.addf %mul3A_77, %mul3A_78 : vector<16xf32>
        %xor3A = arith.constant 1 : i32
        %xor3A_80 = vector.broadcast %xor3A : i32 to vector<16xi32>
        %xor3A_81 = arith.xori %iota3A, %xor3A_80 : vector<16xi32>
        %reshape3A = vector.shape_cast %xor3A_81 : vector<16xi32> to vector<16x1xi32>
        %gather3A = vector.shape_cast %reshape3A : vector<16x1xi32> to vector<16xi32>
        %gather3A_82 = tpu.dynamic_gather %add3A_76[%gather3A] in [0] : vector<16xf32>, vector<16xi32> -> vector<16xf32>
        %add3A_83 = arith.addf %add3A_76, %gather3A_82 : vector<16xf32>
        %gather3A_84 = vector.shape_cast %reshape3A : vector<16x1xi32> to vector<16xi32>
        %gather3A_85 = tpu.dynamic_gather %add3A_79[%gather3A_84] in [0] : vector<16xf32>, vector<16xi32> -> vector<16xf32>
        %add3A_86 = arith.addf %add3A_79, %gather3A_85 : vector<16xf32>
        %xor3A_87 = arith.constant 2 : i32
        %xor3A_88 = vector.broadcast %xor3A_87 : i32 to vector<16xi32>
        %xor3A_89 = arith.xori %iota3A, %xor3A_88 : vector<16xi32>
        %reshape3A_90 = vector.shape_cast %xor3A_89 : vector<16xi32> to vector<16x1xi32>
        %gather3A_91 = vector.shape_cast %reshape3A_90 : vector<16x1xi32> to vector<16xi32>
        %gather3A_92 = tpu.dynamic_gather %add3A_83[%gather3A_91] in [0] : vector<16xf32>, vector<16xi32> -> vector<16xf32>
        %add3A_93 = arith.addf %add3A_83, %gather3A_92 : vector<16xf32>
        %gather3A_94 = vector.shape_cast %reshape3A_90 : vector<16x1xi32> to vector<16xi32>
        %gather3A_95 = tpu.dynamic_gather %add3A_86[%gather3A_94] in [0] : vector<16xf32>, vector<16xi32> -> vector<16xf32>
        %add3A_96 = arith.addf %add3A_86, %gather3A_95 : vector<16xf32>
        %xor3A_97 = arith.constant 4 : i32
        %xor3A_98 = vector.broadcast %xor3A_97 : i32 to vector<16xi32>
        %xor3A_99 = arith.xori %iota3A, %xor3A_98 : vector<16xi32>
        %reshape3A_100 = vector.shape_cast %xor3A_99 : vector<16xi32> to vector<16x1xi32>
        %gather3A_101 = vector.shape_cast %reshape3A_100 : vector<16x1xi32> to vector<16xi32>
        %gather3A_102 = tpu.dynamic_gather %add3A_93[%gather3A_101] in [0] : vector<16xf32>, vector<16xi32> -> vector<16xf32>
        %add3A_103 = arith.addf %add3A_93, %gather3A_102 : vector<16xf32>
        %gather3A_104 = vector.shape_cast %reshape3A_100 : vector<16x1xi32> to vector<16xi32>
        %gather3A_105 = tpu.dynamic_gather %add3A_96[%gather3A_104] in [0] : vector<16xf32>, vector<16xi32> -> vector<16xf32>
        %add3A_106 = arith.addf %add3A_96, %gather3A_105 : vector<16xf32>
        %xor3A_107 = arith.constant 8 : i32
        %xor3A_108 = vector.broadcast %xor3A_107 : i32 to vector<16xi32>
        %xor3A_109 = arith.xori %iota3A, %xor3A_108 : vector<16xi32>
        %reshape3A_110 = vector.shape_cast %xor3A_109 : vector<16xi32> to vector<16x1xi32>
        %gather3A_111 = vector.shape_cast %reshape3A_110 : vector<16x1xi32> to vector<16xi32>
        %gather3A_112 = tpu.dynamic_gather %add3A_103[%gather3A_111] in [0] : vector<16xf32>, vector<16xi32> -> vector<16xf32>
        %add3A_113 = arith.addf %add3A_103, %gather3A_112 : vector<16xf32>
        %gather3A_114 = vector.shape_cast %reshape3A_110 : vector<16x1xi32> to vector<16xi32>
        %gather3A_115 = tpu.dynamic_gather %add3A_106[%gather3A_114] in [0] : vector<16xf32>, vector<16xi32> -> vector<16xf32>
        %add3A_116 = arith.addf %add3A_106, %gather3A_115 : vector<16xf32>
        %mul3A_117 = arith.constant 0.176776692 : f32
        %mul3A_118 = vector.broadcast %mul3A_117 : f32 to vector<16xf32>
        %mul3A_119 = arith.mulf %add3A_113, %mul3A_118 : vector<16xf32>
        %exp3A = math.exp %mul3A_119 : vector<16xf32>
        %mul3A_120 = arith.constant 0.176776692 : f32
        %mul3A_121 = vector.broadcast %mul3A_120 : f32 to vector<16xf32>
        %mul3A_122 = arith.mulf %add3A_116, %mul3A_121 : vector<16xf32>
        %exp3A_123 = math.exp %mul3A_122 : vector<16xf32>
        %get3A_124 = arith.index_cast %scan3A_42 : i32 to index
        %get3A_125 = arith.constant 64 : index
        %get3A_126 = tpu.vector_load %arg11[%get3A_124, %get3A_125] {strides = array<i32>} : memref<128x128xf32, #tpu.memory_space<vmem>>, vector<1x16xf32>,
        %get3A_127 = vector.shape_cast %get3A_126 : vector<1x16xf32> to vector<16xf32>
        %mul3A_128 = arith.mulf %get3A_127, %exp3A : vector<16xf32>
        %swap3A = arith.index_cast %scan3A_42 : i32 to index
        %swap3A_129 = arith.constant 0 : index
        %swap3A_130 = tpu.vector_load %arg12[%swap3A, %swap3A_129] {strides = array<i32>} : memref<128x128xf32, #tpu.memory_space<vmem>>, vector<1x16xf32>,
        %swap3A_131 = vector.shape_cast %swap3A_130 : vector<1x16xf32> to vector<16xf32>
        %swap3A_132 = vector.shape_cast %mul3A_128 : vector<16xf32> to vector<1x16xf32>
        tpu.vector_store %arg12[%swap3A, %swap3A_129], %swap3A_132 {strides = array<i32>} : memref<128x128xf32, #tpu.memory_space<vmem>>, vector<1x16xf32>,
        %get3A_133 = arith.index_cast %scan3A_42 : i32 to index
        %get3A_134 = arith.constant 80 : index
        %get3A_135 = tpu.vector_load %arg11[%get3A_133, %get3A_134] {strides = array<i32>} : memref<128x128xf32, #tpu.memory_space<vmem>>, vector<1x16xf32>,
        %get3A_136 = vector.shape_cast %get3A_135 : vector<1x16xf32> to vector<16xf32>
        %mul3A_137 = arith.mulf %get3A_136, %exp3A : vector<16xf32>
        %swap3A_138 = arith.index_cast %scan3A_42 : i32 to index
        %swap3A_139 = arith.constant 16 : index
        %swap3A_140 = tpu.vector_load %arg12[%swap3A_138, %swap3A_139] {strides = array<i32>} : memref<128x128xf32, #tpu.memory_space<vmem>>, vector<1x16xf32>,
        %swap3A_141 = vector.shape_cast %swap3A_140 : vector<1x16xf32> to vector<16xf32>
        %swap3A_142 = vector.shape_cast %mul3A_137 : vector<16xf32> to vector<1x16xf32>
        tpu.vector_store %arg12[%swap3A_138, %swap3A_139], %swap3A_142 {strides = array<i32>} : memref<128x128xf32, #tpu.memory_space<vmem>>, vector<1x16xf32>,
        %get3A_143 = arith.index_cast %scan3A_42 : i32 to index
        %get3A_144 = arith.constant 96 : index
        %get3A_145 = tpu.vector_load %arg11[%get3A_143, %get3A_144] {strides = array<i32>} : memref<128x128xf32, #tpu.memory_space<vmem>>, vector<1x16xf32>,
        %get3A_146 = vector.shape_cast %get3A_145 : vector<1x16xf32> to vector<16xf32>
        %mul3A_147 = arith.mulf %get3A_146, %exp3A_123 : vector<16xf32>
        %swap3A_148 = arith.index_cast %scan3A_42 : i32 to index
        %swap3A_149 = arith.constant 32 : index
        %swap3A_150 = tpu.vector_load %arg12[%swap3A_148, %swap3A_149] {strides = array<i32>} : memref<128x128xf32, #tpu.memory_space<vmem>>, vector<1x16xf32>,
        %swap3A_151 = vector.shape_cast %swap3A_150 : vector<1x16xf32> to vector<16xf32>
        %swap3A_152 = vector.shape_cast %mul3A_147 : vector<16xf32> to vector<1x16xf32>
        tpu.vector_store %arg12[%swap3A_148, %swap3A_149], %swap3A_152 {strides = array<i32>} : memref<128x128xf32, #tpu.memory_space<vmem>>, vector<1x16xf32>,
        %get3A_153 = arith.index_cast %scan3A_42 : i32 to index
        %get3A_154 = arith.constant 112 : index
        %get3A_155 = tpu.vector_load %arg11[%get3A_153, %get3A_154] {strides = array<i32>} : memref<128x128xf32, #tpu.memory_space<vmem>>, vector<1x16xf32>,
        %get3A_156 = vector.shape_cast %get3A_155 : vector<1x16xf32> to vector<16xf32>
        %mul3A_157 = arith.mulf %get3A_156, %exp3A_123 : vector<16xf32>
        %swap3A_158 = arith.index_cast %scan3A_42 : i32 to index
        %swap3A_159 = arith.constant 48 : index
        %swap3A_160 = tpu.vector_load %arg12[%swap3A_158, %swap3A_159] {strides = array<i32>} : memref<128x128xf32, #tpu.memory_space<vmem>>, vector<1x16xf32>,
        %swap3A_161 = vector.shape_cast %swap3A_160 : vector<1x16xf32> to vector<16xf32>
        %swap3A_162 = vector.shape_cast %mul3A_157 : vector<16xf32> to vector<1x16xf32>
        tpu.vector_store %arg12[%swap3A_158, %swap3A_159], %swap3A_162 {strides = array<i32>} : memref<128x128xf32, #tpu.memory_space<vmem>>, vector<1x16xf32>,
        %eq3A_163 = arith.constant 0 : i32
        %eq3A_164 = vector.broadcast %eq3A_163 : i32 to vector<16xi32>
        %eq3A_165 = arith.cmpi eq, %iota3A, %eq3A_164 : vector<16xi32>
        %eq3A_166 = arith.constant 1 : i32
        %eq3A_167 = vector.broadcast %eq3A_166 : i32 to vector<16xi32>
        %eq3A_168 = arith.cmpi eq, %iota3A, %eq3A_167 : vector<16xi32>
        %jit3A = arith.constant 0.000000e+00 : f32
        %broadcast_in_dim3A = vector.broadcast %jit3A : f32 to vector<16xf32>
        %select_n3A = arith.select %eq3A_168, %exp3A_123, %broadcast_in_dim3A : vector<16xi1>, vector<16xf32>
        %select_n3A_169 = arith.select %eq3A_165, %exp3A, %select_n3A : vector<16xi1>, vector<16xf32>
        %swap3A_170 = arith.index_cast %scan3A_42 : i32 to index
        %swap3A_171 = arith.constant 64 : index
        %swap3A_172 = tpu.vector_load %arg12[%swap3A_170, %swap3A_171] {strides = array<i32>} : memref<128x128xf32, #tpu.memory_space<vmem>>, vector<1x16xf32>,
        %swap3A_173 = vector.shape_cast %swap3A_172 : vector<1x16xf32> to vector<16xf32>
        %swap3A_174 = vector.shape_cast %select_n3A_169 : vector<16xf32> to vector<1x16xf32>
        tpu.vector_store %arg12[%swap3A_170, %swap3A_171], %swap3A_174 {strides = array<i32>} : memref<128x128xf32, #tpu.memory_space<vmem>>, vector<1x16xf32>,
      }
      %scan3A_41 = arith.constant 128 : i32
      "tpu.region"() ({
        %run_scoped3A = tpu.sem_alloc : memref<!tpu.dma_semaphore, #tpu.memory_space<semaphore_mem>>
        %dma_start3A_42 = arith.constant 0 : i32
        %dma_start3A_43 = arith.constant 0 : i32
        %dma_start3A_44 = tpu.memref_slice %arg13[%dma_start3A_42, %dma_start3A_43] : memref<10008x128xf32, #tpu.memory_space<vmem_shared>> -> memref<10008x128xf32, #tpu.memory_space<vmem_shared>>
        tpu.enqueue_indirect_dma source(%arg12 : memref<128x128xf32, #tpu.memory_space<vmem>>) target(%dma_start3A_44 : memref<10008x128xf32, #tpu.memory_space<vmem_shared>>) offsets(%arg9 : memref<128xi32, #tpu.memory_space<vmem>>) semaphore(%run_scoped3A : memref<!tpu.dma_semaphore, #tpu.memory_space<semaphore_mem>>) {add = true}
        %dma_wait3A_45 = arith.constant 0 : i32
        %dma_wait3A_46 = arith.constant 0 : i32
        %dma_wait3A_47 = tpu.memref_slice %arg13[%dma_wait3A_45, %dma_wait3A_46] : memref<10008x128xf32, #tpu.memory_space<vmem_shared>> -> memref<10008x128xf32, #tpu.memory_space<vmem_shared>>
        tpu.wait_indirect_dma semaphore(%run_scoped3A : memref<!tpu.dma_semaphore, #tpu.memory_space<semaphore_mem>>) src(%arg12 : memref<128x128xf32, #tpu.memory_space<vmem>>) dst(%dma_wait3A_47 : memref<10008x128xf32, #tpu.memory_space<vmem_shared>>)
        tpu.yield
      }) : () -> ()
    }
    %scan3A_13 = arith.constant 79 : i32
    %barrier3A_14 = arith.constant 0 : index
    tpu.barrier barrier_id(%barrier3A_14)
    %eq3A_15 = arith.constant 0 : i32
    %eq3A_16 = arith.cmpi eq, %arg1, %eq3A_15 : i32
    %convert_element_type3A_17 = arith.extui %eq3A_16 : i1 to i32
    %cond3A_18 = arith.constant 0 : i32
    %cond3A_19 = arith.cmpi ne, %convert_element_type3A_17, %cond3A_18 : i32
    scf.if %cond3A_19 {
      "tpu.region"() ({
        %run_scoped3A = tpu.sem_alloc : memref<!tpu.dma_semaphore, #tpu.memory_space<semaphore_mem>>
        %dma_start3A = arith.constant 0 : i32
        %dma_start3A_20 = arith.constant 0 : i32
        %dma_start3A_21 = tpu.memref_slice %arg7[%arg0, %dma_start3A, %dma_start3A_20] : memref<2x10008x128xf32, #tpu.memory_space<hbm>> -> memref<1x10008x128xf32, #tpu.memory_space<hbm>>
        %dma_start3A_22 = tpu.memref_squeeze %dma_start3A_21 : memref<1x10008x128xf32, #tpu.memory_space<hbm>> -> memref<10008x128xf32, #tpu.memory_space<hbm>>
        tpu.enqueue_dma source(%arg13 : memref<10008x128xf32, #tpu.memory_space<vmem_shared>>) target(%dma_start3A_22 : memref<10008x128xf32, #tpu.memory_space<hbm>>) target_semaphore(%run_scoped3A : memref<!tpu.dma_semaphore, #tpu.memory_space<semaphore_mem>>)
        %dma_wait3A = arith.constant 0 : i32
        %dma_wait3A_23 = arith.constant 0 : i32
        %dma_wait3A_24 = tpu.memref_slice %arg7[%arg0, %dma_wait3A, %dma_wait3A_23] : memref<2x10008x128xf32, #tpu.memory_space<hbm>> -> memref<1x10008x128xf32, #tpu.memory_space<hbm>>
        %dma_wait3A_25 = tpu.memref_squeeze %dma_wait3A_24 : memref<1x10008x128xf32, #tpu.memory_space<hbm>> -> memref<10008x128xf32, #tpu.memory_space<hbm>>
        tpu.wait_dma2 semaphore(%run_scoped3A : memref<!tpu.dma_semaphore, #tpu.memory_space<semaphore_mem>>) src(%arg13 : memref<10008x128xf32, #tpu.memory_space<vmem_shared>>) dst(%dma_wait3A_25 : memref<10008x128xf32, #tpu.memory_space<hbm>>)
        tpu.yield
      }) : () -> ()
    } else {
    }
    return
  }
}

#map = affine_map<(d0, d1) -> (0, 0)>
#map1 = affine_map<(d0, d1) -> (0)>
#map2 = affine_map<(d0, d1) -> (0, 0, 0)>
module attributes {stable_mosaic.version = 14 : i64} {
  func.func @_sc_tconv(%arg0: i32, %arg1: i32, %arg2: memref<10000x128xf32, #tpu.memory_space<hbm>>, %arg3: memref<10000x128xf32, #tpu.memory_space<hbm>>, %arg4: memref<323584xi32, #tpu.memory_space<hbm>>, %arg5: memref<323584xi32, #tpu.memory_space<hbm>>, %arg6: memref<10008x128xf32, #tpu.memory_space<hbm>>, %arg7: memref<2x10008x128xf32, #tpu.memory_space<hbm>>, %arg8: memref<128xi32, #tpu.memory_space<vmem>>, %arg9: memref<128xi32, #tpu.memory_space<vmem>>, %arg10: memref<128x128xf32, #tpu.memory_space<vmem>>, %arg11: memref<128x128xf32, #tpu.memory_space<vmem>>, %arg12: memref<128x128xf32, #tpu.memory_space<vmem>>, %arg13: memref<10008x128xf32, #tpu.memory_space<vmem_shared>>, %arg14: memref<!tpu.dma_semaphore, #tpu.memory_space<semaphore_mem>>) attributes {dimension_semantics = [#tpu.dimension_semantics<core_parallel>, #tpu.dimension_semantics<subcore_parallel>], iteration_bounds = array<i64: 2, 16>, scalar_prefetch = 0 : i64, scratch_operands = 7 : i64, tpu.core_type = #tpu.core_type<sc_vector_subcore>, window_params = [{transform_indices = #map}, {transform_indices = #map}, {transform_indices = #map1}, {transform_indices = #map1}, {transform_indices = #map}, {transform_indices = #map2}]} {
    %mul3A = arith.constant 2 : i32
    %mul3A_0 = arith.muli %arg1, %mul3A : i32
    %add3A = arith.addi %mul3A_0, %arg0 : i32
    %eq3A = arith.constant 0 : i32
    %eq3A_1 = arith.cmpi eq, %arg1, %eq3A : i32
    %convert_element_type3A = arith.extui %eq3A_1 : i1 to i32
    %cond3A = arith.constant 0 : i32
    %cond3A_2 = arith.cmpi ne, %convert_element_type3A, %cond3A : i32
    scf.if %cond3A_2 {
      "tpu.region"() ({
        %run_scoped3A = tpu.sem_alloc : memref<!tpu.dma_semaphore, #tpu.memory_space<semaphore_mem>>
        tpu.enqueue_dma source(%arg6 : memref<10008x128xf32, #tpu.memory_space<hbm>>) target(%arg13 : memref<10008x128xf32, #tpu.memory_space<vmem_shared>>) target_semaphore(%run_scoped3A : memref<!tpu.dma_semaphore, #tpu.memory_space<semaphore_mem>>)
        tpu.wait_dma2 semaphore(%run_scoped3A : memref<!tpu.dma_semaphore, #tpu.memory_space<semaphore_mem>>) src(%arg6 : memref<10008x128xf32, #tpu.memory_space<hbm>>) dst(%arg13 : memref<10008x128xf32, #tpu.memory_space<vmem_shared>>)
        tpu.yield
      }) : () -> ()
    } else {
    }
    %scan3A = arith.constant 0 : i32
    %scan3A_3 = arith.constant 0 : i32
    %scan3A_4 = arith.constant 128 : i32
    %scan3A_5 = arith.addi %scan3A_3, %scan3A_4 : i32
    %scan3A_6 = arith.constant 1 : i32
    scf.for %scan3A_20 = %scan3A_3 to %scan3A_5 step %scan3A_6  : i32 {
      %broadcast_in_dim3A = arith.constant 0.000000e+00 : f32
      %broadcast_in_dim3A_21 = vector.broadcast %broadcast_in_dim3A : f32 to vector<16xf32>
      %swap3A = arith.index_cast %scan3A_20 : i32 to index
      %swap3A_22 = arith.constant 80 : index
      %swap3A_23 = tpu.vector_load %arg12[%swap3A, %swap3A_22] {strides = array<i32>} : memref<128x128xf32, #tpu.memory_space<vmem>>, vector<1x16xf32>,
      %swap3A_24 = vector.shape_cast %swap3A_23 : vector<1x16xf32> to vector<16xf32>
      %swap3A_25 = vector.shape_cast %broadcast_in_dim3A_21 : vector<16xf32> to vector<1x16xf32>
      tpu.vector_store %arg12[%swap3A, %swap3A_22], %swap3A_25 {strides = array<i32>} : memref<128x128xf32, #tpu.memory_space<vmem>>, vector<1x16xf32>,
      %broadcast_in_dim3A_26 = arith.constant 0.000000e+00 : f32
      %broadcast_in_dim3A_27 = vector.broadcast %broadcast_in_dim3A_26 : f32 to vector<16xf32>
      %swap3A_28 = arith.index_cast %scan3A_20 : i32 to index
      %swap3A_29 = arith.constant 96 : index
      %swap3A_30 = tpu.vector_load %arg12[%swap3A_28, %swap3A_29] {strides = array<i32>} : memref<128x128xf32, #tpu.memory_space<vmem>>, vector<1x16xf32>,
      %swap3A_31 = vector.shape_cast %swap3A_30 : vector<1x16xf32> to vector<16xf32>
      %swap3A_32 = vector.shape_cast %broadcast_in_dim3A_27 : vector<16xf32> to vector<1x16xf32>
      tpu.vector_store %arg12[%swap3A_28, %swap3A_29], %swap3A_32 {strides = array<i32>} : memref<128x128xf32, #tpu.memory_space<vmem>>, vector<1x16xf32>,
      %broadcast_in_dim3A_33 = arith.constant 0.000000e+00 : f32
      %broadcast_in_dim3A_34 = vector.broadcast %broadcast_in_dim3A_33 : f32 to vector<16xf32>
      %swap3A_35 = arith.index_cast %scan3A_20 : i32 to index
      %swap3A_36 = arith.constant 112 : index
      %swap3A_37 = tpu.vector_load %arg12[%swap3A_35, %swap3A_36] {strides = array<i32>} : memref<128x128xf32, #tpu.memory_space<vmem>>, vector<1x16xf32>,
      %swap3A_38 = vector.shape_cast %swap3A_37 : vector<1x16xf32> to vector<16xf32>
      %swap3A_39 = vector.shape_cast %broadcast_in_dim3A_34 : vector<16xf32> to vector<1x16xf32>
      tpu.vector_store %arg12[%swap3A_35, %swap3A_36], %swap3A_39 {strides = array<i32>} : memref<128x128xf32, #tpu.memory_space<vmem>>, vector<1x16xf32>,
    }
    %scan3A_7 = arith.constant 128 : i32
    %barrier3A = arith.constant 0 : index
    tpu.barrier barrier_id(%barrier3A)
    %iota3A = tpu.iota {dimensions = array<i32: 0>} : vector<16xi32>
    %scan3A_8 = arith.constant 0 : i32
    %scan3A_9 = arith.constant 0 : i32
    %scan3A_10 = arith.constant 79 : i32
    %scan3A_11 = arith.addi %scan3A_9, %scan3A_10 : i32
    %scan3A_12 = arith.constant 1 : i32
    scf.for %scan3A_20 = %scan3A_9 to %scan3A_11 step %scan3A_12  : i32 {
      %mul3A_21 = arith.constant 79 : i32
      %mul3A_22 = arith.muli %add3A, %mul3A_21 : i32
      %add3A_23 = arith.addi %mul3A_22, %scan3A_20 : i32
      %mul3A_24 = arith.constant 128 : i32
      %mul3A_25 = arith.muli %add3A_23, %mul3A_24 : i32
      "tpu.region"() ({
        %run_scoped3A = tpu.sem_alloc : memref<!tpu.dma_semaphore, #tpu.memory_space<semaphore_mem>>
        %dma_start3A_42 = tpu.memref_slice %arg5[%mul3A_25] : memref<323584xi32, #tpu.memory_space<hbm>> -> memref<128xi32, #tpu.memory_space<hbm>>
        %dma_start3A_43 = tpu.memref_slice %arg5[%mul3A_25] : memref<323584xi32, #tpu.memory_space<hbm>> -> memref<128xi32, #tpu.memory_space<hbm>>
        tpu.enqueue_dma source(%dma_start3A_43 : memref<128xi32, #tpu.memory_space<hbm>>) target(%arg9 : memref<128xi32, #tpu.memory_space<vmem>>) target_semaphore(%run_scoped3A : memref<!tpu.dma_semaphore, #tpu.memory_space<semaphore_mem>>)
        %dma_wait3A_44 = tpu.memref_slice %arg5[%mul3A_25] : memref<323584xi32, #tpu.memory_space<hbm>> -> memref<128xi32, #tpu.memory_space<hbm>>
        %dma_wait3A_45 = tpu.memref_slice %arg5[%mul3A_25] : memref<323584xi32, #tpu.memory_space<hbm>> -> memref<128xi32, #tpu.memory_space<hbm>>
        tpu.wait_dma2 semaphore(%run_scoped3A : memref<!tpu.dma_semaphore, #tpu.memory_space<semaphore_mem>>) src(%dma_wait3A_45 : memref<128xi32, #tpu.memory_space<hbm>>) dst(%arg9 : memref<128xi32, #tpu.memory_space<vmem>>)
        tpu.yield
      }) : () -> ()
      %dma_start3A = arith.constant 0 : i32
      %dma_start3A_26 = arith.constant 0 : i32
      %dma_start3A_27 = tpu.memref_slice %arg2[%dma_start3A, %dma_start3A_26] : memref<10000x128xf32, #tpu.memory_space<hbm>> -> memref<10000x128xf32, #tpu.memory_space<hbm>>
      tpu.enqueue_indirect_dma source(%dma_start3A_27 : memref<10000x128xf32, #tpu.memory_space<hbm>>) target(%arg10 : memref<128x128xf32, #tpu.memory_space<vmem>>) offsets(%arg9 : memref<128xi32, #tpu.memory_space<vmem>>) semaphore(%arg14 : memref<!tpu.dma_semaphore, #tpu.memory_space<semaphore_mem>>)
      %dma_wait3A = arith.constant 0 : i32
      %dma_wait3A_28 = arith.constant 0 : i32
      %dma_wait3A_29 = tpu.memref_slice %arg2[%dma_wait3A, %dma_wait3A_28] : memref<10000x128xf32, #tpu.memory_space<hbm>> -> memref<10000x128xf32, #tpu.memory_space<hbm>>
      tpu.wait_indirect_dma semaphore(%arg14 : memref<!tpu.dma_semaphore, #tpu.memory_space<semaphore_mem>>) src(%dma_wait3A_29 : memref<10000x128xf32, #tpu.memory_space<hbm>>) dst(%arg10 : memref<128x128xf32, #tpu.memory_space<vmem>>)
      "tpu.region"() ({
        %run_scoped3A = tpu.sem_alloc : memref<!tpu.dma_semaphore, #tpu.memory_space<semaphore_mem>>
        %dma_start3A_42 = tpu.memref_slice %arg4[%mul3A_25] : memref<323584xi32, #tpu.memory_space<hbm>> -> memref<128xi32, #tpu.memory_space<hbm>>
        %dma_start3A_43 = tpu.memref_slice %arg4[%mul3A_25] : memref<323584xi32, #tpu.memory_space<hbm>> -> memref<128xi32, #tpu.memory_space<hbm>>
        tpu.enqueue_dma source(%dma_start3A_43 : memref<128xi32, #tpu.memory_space<hbm>>) target(%arg8 : memref<128xi32, #tpu.memory_space<vmem>>) target_semaphore(%run_scoped3A : memref<!tpu.dma_semaphore, #tpu.memory_space<semaphore_mem>>)
        %dma_wait3A_44 = tpu.memref_slice %arg4[%mul3A_25] : memref<323584xi32, #tpu.memory_space<hbm>> -> memref<128xi32, #tpu.memory_space<hbm>>
        %dma_wait3A_45 = tpu.memref_slice %arg4[%mul3A_25] : memref<323584xi32, #tpu.memory_space<hbm>> -> memref<128xi32, #tpu.memory_space<hbm>>
        tpu.wait_dma2 semaphore(%run_scoped3A : memref<!tpu.dma_semaphore, #tpu.memory_space<semaphore_mem>>) src(%dma_wait3A_45 : memref<128xi32, #tpu.memory_space<hbm>>) dst(%arg8 : memref<128xi32, #tpu.memory_space<vmem>>)
        tpu.yield
      }) : () -> ()
      %dma_start3A_30 = arith.constant 0 : i32
      %dma_start3A_31 = arith.constant 0 : i32
      %dma_start3A_32 = tpu.memref_slice %arg3[%dma_start3A_30, %dma_start3A_31] : memref<10000x128xf32, #tpu.memory_space<hbm>> -> memref<10000x128xf32, #tpu.memory_space<hbm>>
      tpu.enqueue_indirect_dma source(%dma_start3A_32 : memref<10000x128xf32, #tpu.memory_space<hbm>>) target(%arg11 : memref<128x128xf32, #tpu.memory_space<vmem>>) offsets(%arg8 : memref<128xi32, #tpu.memory_space<vmem>>) semaphore(%arg14 : memref<!tpu.dma_semaphore, #tpu.memory_space<semaphore_mem>>)
      %dma_wait3A_33 = arith.constant 0 : i32
      %dma_wait3A_34 = arith.constant 0 : i32
      %dma_wait3A_35 = tpu.memref_slice %arg3[%dma_wait3A_33, %dma_wait3A_34] : memref<10000x128xf32, #tpu.memory_space<hbm>> -> memref<10000x128xf32, #tpu.memory_space<hbm>>
      tpu.wait_indirect_dma semaphore(%arg14 : memref<!tpu.dma_semaphore, #tpu.memory_space<semaphore_mem>>) src(%dma_wait3A_35 : memref<10000x128xf32, #tpu.memory_space<hbm>>) dst(%arg11 : memref<128x128xf32, #tpu.memory_space<vmem>>)
      %scan3A_36 = arith.constant 0 : i32
      %scan3A_37 = arith.constant 0 : i32
      %scan3A_38 = arith.constant 128 : i32
      %scan3A_39 = arith.addi %scan3A_37, %scan3A_38 : i32
      %scan3A_40 = arith.constant 1 : i32
      scf.for %scan3A_42 = %scan3A_37 to %scan3A_39 step %scan3A_40  : i32 {
        %get3A = arith.index_cast %scan3A_42 : i32 to index
        %get3A_43 = arith.constant 0 : index
        %get3A_44 = tpu.vector_load %arg10[%get3A, %get3A_43] {strides = array<i32>} : memref<128x128xf32, #tpu.memory_space<vmem>>, vector<1x16xf32>,
        %get3A_45 = vector.shape_cast %get3A_44 : vector<1x16xf32> to vector<16xf32>
        %get3A_46 = arith.index_cast %scan3A_42 : i32 to index
        %get3A_47 = arith.constant 16 : index
        %get3A_48 = tpu.vector_load %arg10[%get3A_46, %get3A_47] {strides = array<i32>} : memref<128x128xf32, #tpu.memory_space<vmem>>, vector<1x16xf32>,
        %get3A_49 = vector.shape_cast %get3A_48 : vector<1x16xf32> to vector<16xf32>
        %get3A_50 = arith.index_cast %scan3A_42 : i32 to index
        %get3A_51 = arith.constant 32 : index
        %get3A_52 = tpu.vector_load %arg10[%get3A_50, %get3A_51] {strides = array<i32>} : memref<128x128xf32, #tpu.memory_space<vmem>>, vector<1x16xf32>,
        %get3A_53 = vector.shape_cast %get3A_52 : vector<1x16xf32> to vector<16xf32>
        %get3A_54 = arith.index_cast %scan3A_42 : i32 to index
        %get3A_55 = arith.constant 48 : index
        %get3A_56 = tpu.vector_load %arg10[%get3A_54, %get3A_55] {strides = array<i32>} : memref<128x128xf32, #tpu.memory_space<vmem>>, vector<1x16xf32>,
        %get3A_57 = vector.shape_cast %get3A_56 : vector<1x16xf32> to vector<16xf32>
        %get3A_58 = arith.index_cast %scan3A_42 : i32 to index
        %get3A_59 = arith.constant 0 : index
        %get3A_60 = tpu.vector_load %arg11[%get3A_58, %get3A_59] {strides = array<i32>} : memref<128x128xf32, #tpu.memory_space<vmem>>, vector<1x16xf32>,
        %get3A_61 = vector.shape_cast %get3A_60 : vector<1x16xf32> to vector<16xf32>
        %get3A_62 = arith.index_cast %scan3A_42 : i32 to index
        %get3A_63 = arith.constant 16 : index
        %get3A_64 = tpu.vector_load %arg11[%get3A_62, %get3A_63] {strides = array<i32>} : memref<128x128xf32, #tpu.memory_space<vmem>>, vector<1x16xf32>,
        %get3A_65 = vector.shape_cast %get3A_64 : vector<1x16xf32> to vector<16xf32>
        %get3A_66 = arith.index_cast %scan3A_42 : i32 to index
        %get3A_67 = arith.constant 32 : index
        %get3A_68 = tpu.vector_load %arg11[%get3A_66, %get3A_67] {strides = array<i32>} : memref<128x128xf32, #tpu.memory_space<vmem>>, vector<1x16xf32>,
        %get3A_69 = vector.shape_cast %get3A_68 : vector<1x16xf32> to vector<16xf32>
        %get3A_70 = arith.index_cast %scan3A_42 : i32 to index
        %get3A_71 = arith.constant 48 : index
        %get3A_72 = tpu.vector_load %arg11[%get3A_70, %get3A_71] {strides = array<i32>} : memref<128x128xf32, #tpu.memory_space<vmem>>, vector<1x16xf32>,
        %get3A_73 = vector.shape_cast %get3A_72 : vector<1x16xf32> to vector<16xf32>
        %mul3A_74 = arith.mulf %get3A_45, %get3A_61 : vector<16xf32>
        %mul3A_75 = arith.mulf %get3A_49, %get3A_65 : vector<16xf32>
        %add3A_76 = arith.addf %mul3A_74, %mul3A_75 : vector<16xf32>
        %mul3A_77 = arith.mulf %get3A_53, %get3A_69 : vector<16xf32>
        %mul3A_78 = arith.mulf %get3A_57, %get3A_73 : vector<16xf32>
        %add3A_79 = arith.addf %mul3A_77, %mul3A_78 : vector<16xf32>
        %xor3A = arith.constant 1 : i32
        %xor3A_80 = vector.broadcast %xor3A : i32 to vector<16xi32>
        %xor3A_81 = arith.xori %iota3A, %xor3A_80 : vector<16xi32>
        %reshape3A = vector.shape_cast %xor3A_81 : vector<16xi32> to vector<16x1xi32>
        %gather3A = vector.shape_cast %reshape3A : vector<16x1xi32> to vector<16xi32>
        %gather3A_82 = tpu.dynamic_gather %add3A_76[%gather3A] in [0] : vector<16xf32>, vector<16xi32> -> vector<16xf32>
        %add3A_83 = arith.addf %add3A_76, %gather3A_82 : vector<16xf32>
        %gather3A_84 = vector.shape_cast %reshape3A : vector<16x1xi32> to vector<16xi32>
        %gather3A_85 = tpu.dynamic_gather %add3A_79[%gather3A_84] in [0] : vector<16xf32>, vector<16xi32> -> vector<16xf32>
        %add3A_86 = arith.addf %add3A_79, %gather3A_85 : vector<16xf32>
        %xor3A_87 = arith.constant 2 : i32
        %xor3A_88 = vector.broadcast %xor3A_87 : i32 to vector<16xi32>
        %xor3A_89 = arith.xori %iota3A, %xor3A_88 : vector<16xi32>
        %reshape3A_90 = vector.shape_cast %xor3A_89 : vector<16xi32> to vector<16x1xi32>
        %gather3A_91 = vector.shape_cast %reshape3A_90 : vector<16x1xi32> to vector<16xi32>
        %gather3A_92 = tpu.dynamic_gather %add3A_83[%gather3A_91] in [0] : vector<16xf32>, vector<16xi32> -> vector<16xf32>
        %add3A_93 = arith.addf %add3A_83, %gather3A_92 : vector<16xf32>
        %gather3A_94 = vector.shape_cast %reshape3A_90 : vector<16x1xi32> to vector<16xi32>
        %gather3A_95 = tpu.dynamic_gather %add3A_86[%gather3A_94] in [0] : vector<16xf32>, vector<16xi32> -> vector<16xf32>
        %add3A_96 = arith.addf %add3A_86, %gather3A_95 : vector<16xf32>
        %xor3A_97 = arith.constant 4 : i32
        %xor3A_98 = vector.broadcast %xor3A_97 : i32 to vector<16xi32>
        %xor3A_99 = arith.xori %iota3A, %xor3A_98 : vector<16xi32>
        %reshape3A_100 = vector.shape_cast %xor3A_99 : vector<16xi32> to vector<16x1xi32>
        %gather3A_101 = vector.shape_cast %reshape3A_100 : vector<16x1xi32> to vector<16xi32>
        %gather3A_102 = tpu.dynamic_gather %add3A_93[%gather3A_101] in [0] : vector<16xf32>, vector<16xi32> -> vector<16xf32>
        %add3A_103 = arith.addf %add3A_93, %gather3A_102 : vector<16xf32>
        %gather3A_104 = vector.shape_cast %reshape3A_100 : vector<16x1xi32> to vector<16xi32>
        %gather3A_105 = tpu.dynamic_gather %add3A_96[%gather3A_104] in [0] : vector<16xf32>, vector<16xi32> -> vector<16xf32>
        %add3A_106 = arith.addf %add3A_96, %gather3A_105 : vector<16xf32>
        %xor3A_107 = arith.constant 8 : i32
        %xor3A_108 = vector.broadcast %xor3A_107 : i32 to vector<16xi32>
        %xor3A_109 = arith.xori %iota3A, %xor3A_108 : vector<16xi32>
        %reshape3A_110 = vector.shape_cast %xor3A_109 : vector<16xi32> to vector<16x1xi32>
        %gather3A_111 = vector.shape_cast %reshape3A_110 : vector<16x1xi32> to vector<16xi32>
        %gather3A_112 = tpu.dynamic_gather %add3A_103[%gather3A_111] in [0] : vector<16xf32>, vector<16xi32> -> vector<16xf32>
        %add3A_113 = arith.addf %add3A_103, %gather3A_112 : vector<16xf32>
        %gather3A_114 = vector.shape_cast %reshape3A_110 : vector<16x1xi32> to vector<16xi32>
        %gather3A_115 = tpu.dynamic_gather %add3A_106[%gather3A_114] in [0] : vector<16xf32>, vector<16xi32> -> vector<16xf32>
        %add3A_116 = arith.addf %add3A_106, %gather3A_115 : vector<16xf32>
        %mul3A_117 = arith.constant 0.176776692 : f32
        %mul3A_118 = vector.broadcast %mul3A_117 : f32 to vector<16xf32>
        %mul3A_119 = arith.mulf %add3A_113, %mul3A_118 : vector<16xf32>
        %exp3A = math.exp %mul3A_119 : vector<16xf32>
        %mul3A_120 = arith.constant 0.176776692 : f32
        %mul3A_121 = vector.broadcast %mul3A_120 : f32 to vector<16xf32>
        %mul3A_122 = arith.mulf %add3A_116, %mul3A_121 : vector<16xf32>
        %exp3A_123 = math.exp %mul3A_122 : vector<16xf32>
        %get3A_124 = arith.index_cast %scan3A_42 : i32 to index
        %get3A_125 = arith.constant 64 : index
        %get3A_126 = tpu.vector_load %arg11[%get3A_124, %get3A_125] {strides = array<i32>} : memref<128x128xf32, #tpu.memory_space<vmem>>, vector<1x16xf32>,
        %get3A_127 = vector.shape_cast %get3A_126 : vector<1x16xf32> to vector<16xf32>
        %mul3A_128 = arith.mulf %get3A_127, %exp3A : vector<16xf32>
        %swap3A = arith.index_cast %scan3A_42 : i32 to index
        %swap3A_129 = arith.constant 0 : index
        %swap3A_130 = tpu.vector_load %arg12[%swap3A, %swap3A_129] {strides = array<i32>} : memref<128x128xf32, #tpu.memory_space<vmem>>, vector<1x16xf32>,
        %swap3A_131 = vector.shape_cast %swap3A_130 : vector<1x16xf32> to vector<16xf32>
        %swap3A_132 = vector.shape_cast %mul3A_128 : vector<16xf32> to vector<1x16xf32>
        tpu.vector_store %arg12[%swap3A, %swap3A_129], %swap3A_132 {strides = array<i32>} : memref<128x128xf32, #tpu.memory_space<vmem>>, vector<1x16xf32>,
        %get3A_133 = arith.index_cast %scan3A_42 : i32 to index
        %get3A_134 = arith.constant 80 : index
        %get3A_135 = tpu.vector_load %arg11[%get3A_133, %get3A_134] {strides = array<i32>} : memref<128x128xf32, #tpu.memory_space<vmem>>, vector<1x16xf32>,
        %get3A_136 = vector.shape_cast %get3A_135 : vector<1x16xf32> to vector<16xf32>
        %mul3A_137 = arith.mulf %get3A_136, %exp3A : vector<16xf32>
        %swap3A_138 = arith.index_cast %scan3A_42 : i32 to index
        %swap3A_139 = arith.constant 16 : index
        %swap3A_140 = tpu.vector_load %arg12[%swap3A_138, %swap3A_139] {strides = array<i32>} : memref<128x128xf32, #tpu.memory_space<vmem>>, vector<1x16xf32>,
        %swap3A_141 = vector.shape_cast %swap3A_140 : vector<1x16xf32> to vector<16xf32>
        %swap3A_142 = vector.shape_cast %mul3A_137 : vector<16xf32> to vector<1x16xf32>
        tpu.vector_store %arg12[%swap3A_138, %swap3A_139], %swap3A_142 {strides = array<i32>} : memref<128x128xf32, #tpu.memory_space<vmem>>, vector<1x16xf32>,
        %get3A_143 = arith.index_cast %scan3A_42 : i32 to index
        %get3A_144 = arith.constant 96 : index
        %get3A_145 = tpu.vector_load %arg11[%get3A_143, %get3A_144] {strides = array<i32>} : memref<128x128xf32, #tpu.memory_space<vmem>>, vector<1x16xf32>,
        %get3A_146 = vector.shape_cast %get3A_145 : vector<1x16xf32> to vector<16xf32>
        %mul3A_147 = arith.mulf %get3A_146, %exp3A_123 : vector<16xf32>
        %swap3A_148 = arith.index_cast %scan3A_42 : i32 to index
        %swap3A_149 = arith.constant 32 : index
        %swap3A_150 = tpu.vector_load %arg12[%swap3A_148, %swap3A_149] {strides = array<i32>} : memref<128x128xf32, #tpu.memory_space<vmem>>, vector<1x16xf32>,
        %swap3A_151 = vector.shape_cast %swap3A_150 : vector<1x16xf32> to vector<16xf32>
        %swap3A_152 = vector.shape_cast %mul3A_147 : vector<16xf32> to vector<1x16xf32>
        tpu.vector_store %arg12[%swap3A_148, %swap3A_149], %swap3A_152 {strides = array<i32>} : memref<128x128xf32, #tpu.memory_space<vmem>>, vector<1x16xf32>,
        %get3A_153 = arith.index_cast %scan3A_42 : i32 to index
        %get3A_154 = arith.constant 112 : index
        %get3A_155 = tpu.vector_load %arg11[%get3A_153, %get3A_154] {strides = array<i32>} : memref<128x128xf32, #tpu.memory_space<vmem>>, vector<1x16xf32>,
        %get3A_156 = vector.shape_cast %get3A_155 : vector<1x16xf32> to vector<16xf32>
        %mul3A_157 = arith.mulf %get3A_156, %exp3A_123 : vector<16xf32>
        %swap3A_158 = arith.index_cast %scan3A_42 : i32 to index
        %swap3A_159 = arith.constant 48 : index
        %swap3A_160 = tpu.vector_load %arg12[%swap3A_158, %swap3A_159] {strides = array<i32>} : memref<128x128xf32, #tpu.memory_space<vmem>>, vector<1x16xf32>,
        %swap3A_161 = vector.shape_cast %swap3A_160 : vector<1x16xf32> to vector<16xf32>
        %swap3A_162 = vector.shape_cast %mul3A_157 : vector<16xf32> to vector<1x16xf32>
        tpu.vector_store %arg12[%swap3A_158, %swap3A_159], %swap3A_162 {strides = array<i32>} : memref<128x128xf32, #tpu.memory_space<vmem>>, vector<1x16xf32>,
        %eq3A_163 = arith.constant 0 : i32
        %eq3A_164 = vector.broadcast %eq3A_163 : i32 to vector<16xi32>
        %eq3A_165 = arith.cmpi eq, %iota3A, %eq3A_164 : vector<16xi32>
        %eq3A_166 = arith.constant 1 : i32
        %eq3A_167 = vector.broadcast %eq3A_166 : i32 to vector<16xi32>
        %eq3A_168 = arith.cmpi eq, %iota3A, %eq3A_167 : vector<16xi32>
        %jit3A = arith.constant 0.000000e+00 : f32
        %broadcast_in_dim3A = vector.broadcast %jit3A : f32 to vector<16xf32>
        %select_n3A = arith.select %eq3A_168, %exp3A_123, %broadcast_in_dim3A : vector<16xi1>, vector<16xf32>
        %select_n3A_169 = arith.select %eq3A_165, %exp3A, %select_n3A : vector<16xi1>, vector<16xf32>
        %swap3A_170 = arith.index_cast %scan3A_42 : i32 to index
        %swap3A_171 = arith.constant 64 : index
        %swap3A_172 = tpu.vector_load %arg12[%swap3A_170, %swap3A_171] {strides = array<i32>} : memref<128x128xf32, #tpu.memory_space<vmem>>, vector<1x16xf32>,
        %swap3A_173 = vector.shape_cast %swap3A_172 : vector<1x16xf32> to vector<16xf32>
        %swap3A_174 = vector.shape_cast %select_n3A_169 : vector<16xf32> to vector<1x16xf32>
        tpu.vector_store %arg12[%swap3A_170, %swap3A_171], %swap3A_174 {strides = array<i32>} : memref<128x128xf32, #tpu.memory_space<vmem>>, vector<1x16xf32>,
      }
      %scan3A_41 = arith.constant 128 : i32
      "tpu.region"() ({
        %run_scoped3A = tpu.sem_alloc : memref<!tpu.dma_semaphore, #tpu.memory_space<semaphore_mem>>
        %dma_start3A_42 = arith.constant 0 : i32
        %dma_start3A_43 = arith.constant 0 : i32
        %dma_start3A_44 = tpu.memref_slice %arg13[%dma_start3A_42, %dma_start3A_43] : memref<10008x128xf32, #tpu.memory_space<vmem_shared>> -> memref<10008x128xf32, #tpu.memory_space<vmem_shared>>
        tpu.enqueue_indirect_dma source(%arg12 : memref<128x128xf32, #tpu.memory_space<vmem>>) target(%dma_start3A_44 : memref<10008x128xf32, #tpu.memory_space<vmem_shared>>) offsets(%arg9 : memref<128xi32, #tpu.memory_space<vmem>>) semaphore(%run_scoped3A : memref<!tpu.dma_semaphore, #tpu.memory_space<semaphore_mem>>) {add = true}
        %dma_wait3A_45 = arith.constant 0 : i32
        %dma_wait3A_46 = arith.constant 0 : i32
        %dma_wait3A_47 = tpu.memref_slice %arg13[%dma_wait3A_45, %dma_wait3A_46] : memref<10008x128xf32, #tpu.memory_space<vmem_shared>> -> memref<10008x128xf32, #tpu.memory_space<vmem_shared>>
        tpu.wait_indirect_dma semaphore(%run_scoped3A : memref<!tpu.dma_semaphore, #tpu.memory_space<semaphore_mem>>) src(%arg12 : memref<128x128xf32, #tpu.memory_space<vmem>>) dst(%dma_wait3A_47 : memref<10008x128xf32, #tpu.memory_space<vmem_shared>>)
        tpu.yield
      }) : () -> ()
    }
    %scan3A_13 = arith.constant 79 : i32
    %barrier3A_14 = arith.constant 0 : index
    tpu.barrier barrier_id(%barrier3A_14)
    %eq3A_15 = arith.constant 0 : i32
    %eq3A_16 = arith.cmpi eq, %arg1, %eq3A_15 : i32
    %convert_element_type3A_17 = arith.extui %eq3A_16 : i1 to i32
    %cond3A_18 = arith.constant 0 : i32
    %cond3A_19 = arith.cmpi ne, %convert_element_type3A_17, %cond3A_18 : i32
    scf.if %cond3A_19 {
      "tpu.region"() ({
        %run_scoped3A = tpu.sem_alloc : memref<!tpu.dma_semaphore, #tpu.memory_space<semaphore_mem>>
        %dma_start3A = arith.constant 0 : i32
        %dma_start3A_20 = arith.constant 0 : i32
        %dma_start3A_21 = tpu.memref_slice %arg7[%arg0, %dma_start3A, %dma_start3A_20] : memref<2x10008x128xf32, #tpu.memory_space<hbm>> -> memref<1x10008x128xf32, #tpu.memory_space<hbm>>
        %dma_start3A_22 = tpu.memref_squeeze %dma_start3A_21 : memref<1x10008x128xf32, #tpu.memory_space<hbm>> -> memref<10008x128xf32, #tpu.memory_space<hbm>>
        tpu.enqueue_dma source(%arg13 : memref<10008x128xf32, #tpu.memory_space<vmem_shared>>) target(%dma_start3A_22 : memref<10008x128xf32, #tpu.memory_space<hbm>>) target_semaphore(%run_scoped3A : memref<!tpu.dma_semaphore, #tpu.memory_space<semaphore_mem>>)
        %dma_wait3A = arith.constant 0 : i32
        %dma_wait3A_23 = arith.constant 0 : i32
        %dma_wait3A_24 = tpu.memref_slice %arg7[%arg0, %dma_wait3A, %dma_wait3A_23] : memref<2x10008x128xf32, #tpu.memory_space<hbm>> -> memref<1x10008x128xf32, #tpu.memory_space<hbm>>
        %dma_wait3A_25 = tpu.memref_squeeze %dma_wait3A_24 : memref<1x10008x128xf32, #tpu.memory_space<hbm>> -> memref<10008x128xf32, #tpu.memory_space<hbm>>
        tpu.wait_dma2 semaphore(%run_scoped3A : memref<!tpu.dma_semaphore, #tpu.memory_space<semaphore_mem>>) src(%arg13 : memref<10008x128xf32, #tpu.memory_space<vmem_shared>>) dst(%dma_wait3A_25 : memref<10008x128xf32, #tpu.memory_space<hbm>>)
        tpu.yield
      }) : () -> ()
    } else {
    }
    return
  }
}

#map = affine_map<(d0, d1) -> (0, 0)>
#map1 = affine_map<(d0, d1) -> (0)>
#map2 = affine_map<(d0, d1) -> (0, 0, 0)>
module attributes {stable_mosaic.version = 14 : i64} {
  func.func @_sc_tconv(%arg0: i32, %arg1: i32, %arg2: memref<10000x128xf32, #tpu.memory_space<hbm>>, %arg3: memref<10000x128xf32, #tpu.memory_space<hbm>>, %arg4: memref<323584xi32, #tpu.memory_space<hbm>>, %arg5: memref<323584xi32, #tpu.memory_space<hbm>>, %arg6: memref<10008x128xf32, #tpu.memory_space<hbm>>, %arg7: memref<2x10008x128xf32, #tpu.memory_space<hbm>>, %arg8: memref<128xi32, #tpu.memory_space<vmem>>, %arg9: memref<128xi32, #tpu.memory_space<vmem>>, %arg10: memref<128x128xf32, #tpu.memory_space<vmem>>, %arg11: memref<128x128xf32, #tpu.memory_space<vmem>>, %arg12: memref<128x128xf32, #tpu.memory_space<vmem>>, %arg13: memref<10008x128xf32, #tpu.memory_space<vmem_shared>>, %arg14: memref<!tpu.dma_semaphore, #tpu.memory_space<semaphore_mem>>) attributes {dimension_semantics = [#tpu.dimension_semantics<core_parallel>, #tpu.dimension_semantics<subcore_parallel>], iteration_bounds = array<i64: 2, 16>, scalar_prefetch = 0 : i64, scratch_operands = 7 : i64, tpu.core_type = #tpu.core_type<sc_vector_subcore>, window_params = [{transform_indices = #map}, {transform_indices = #map}, {transform_indices = #map1}, {transform_indices = #map1}, {transform_indices = #map}, {transform_indices = #map2}]} {
    %mul3A = arith.constant 2 : i32
    %mul3A_0 = arith.muli %arg1, %mul3A : i32
    %add3A = arith.addi %mul3A_0, %arg0 : i32
    %eq3A = arith.constant 0 : i32
    %eq3A_1 = arith.cmpi eq, %arg1, %eq3A : i32
    %convert_element_type3A = arith.extui %eq3A_1 : i1 to i32
    %cond3A = arith.constant 0 : i32
    %cond3A_2 = arith.cmpi ne, %convert_element_type3A, %cond3A : i32
    scf.if %cond3A_2 {
      "tpu.region"() ({
        %run_scoped3A = tpu.sem_alloc : memref<!tpu.dma_semaphore, #tpu.memory_space<semaphore_mem>>
        tpu.enqueue_dma source(%arg6 : memref<10008x128xf32, #tpu.memory_space<hbm>>) target(%arg13 : memref<10008x128xf32, #tpu.memory_space<vmem_shared>>) target_semaphore(%run_scoped3A : memref<!tpu.dma_semaphore, #tpu.memory_space<semaphore_mem>>)
        tpu.wait_dma2 semaphore(%run_scoped3A : memref<!tpu.dma_semaphore, #tpu.memory_space<semaphore_mem>>) src(%arg6 : memref<10008x128xf32, #tpu.memory_space<hbm>>) dst(%arg13 : memref<10008x128xf32, #tpu.memory_space<vmem_shared>>)
        tpu.yield
      }) : () -> ()
    } else {
    }
    %scan3A = arith.constant 0 : i32
    %scan3A_3 = arith.constant 0 : i32
    %scan3A_4 = arith.constant 128 : i32
    %scan3A_5 = arith.addi %scan3A_3, %scan3A_4 : i32
    %scan3A_6 = arith.constant 1 : i32
    scf.for %scan3A_20 = %scan3A_3 to %scan3A_5 step %scan3A_6  : i32 {
      %broadcast_in_dim3A = arith.constant 0.000000e+00 : f32
      %broadcast_in_dim3A_21 = vector.broadcast %broadcast_in_dim3A : f32 to vector<16xf32>
      %swap3A = arith.index_cast %scan3A_20 : i32 to index
      %swap3A_22 = arith.constant 80 : index
      %swap3A_23 = tpu.vector_load %arg12[%swap3A, %swap3A_22] {strides = array<i32>} : memref<128x128xf32, #tpu.memory_space<vmem>>, vector<1x16xf32>,
      %swap3A_24 = vector.shape_cast %swap3A_23 : vector<1x16xf32> to vector<16xf32>
      %swap3A_25 = vector.shape_cast %broadcast_in_dim3A_21 : vector<16xf32> to vector<1x16xf32>
      tpu.vector_store %arg12[%swap3A, %swap3A_22], %swap3A_25 {strides = array<i32>} : memref<128x128xf32, #tpu.memory_space<vmem>>, vector<1x16xf32>,
      %broadcast_in_dim3A_26 = arith.constant 0.000000e+00 : f32
      %broadcast_in_dim3A_27 = vector.broadcast %broadcast_in_dim3A_26 : f32 to vector<16xf32>
      %swap3A_28 = arith.index_cast %scan3A_20 : i32 to index
      %swap3A_29 = arith.constant 96 : index
      %swap3A_30 = tpu.vector_load %arg12[%swap3A_28, %swap3A_29] {strides = array<i32>} : memref<128x128xf32, #tpu.memory_space<vmem>>, vector<1x16xf32>,
      %swap3A_31 = vector.shape_cast %swap3A_30 : vector<1x16xf32> to vector<16xf32>
      %swap3A_32 = vector.shape_cast %broadcast_in_dim3A_27 : vector<16xf32> to vector<1x16xf32>
      tpu.vector_store %arg12[%swap3A_28, %swap3A_29], %swap3A_32 {strides = array<i32>} : memref<128x128xf32, #tpu.memory_space<vmem>>, vector<1x16xf32>,
      %broadcast_in_dim3A_33 = arith.constant 0.000000e+00 : f32
      %broadcast_in_dim3A_34 = vector.broadcast %broadcast_in_dim3A_33 : f32 to vector<16xf32>
      %swap3A_35 = arith.index_cast %scan3A_20 : i32 to index
      %swap3A_36 = arith.constant 112 : index
      %swap3A_37 = tpu.vector_load %arg12[%swap3A_35, %swap3A_36] {strides = array<i32>} : memref<128x128xf32, #tpu.memory_space<vmem>>, vector<1x16xf32>,
      %swap3A_38 = vector.shape_cast %swap3A_37 : vector<1x16xf32> to vector<16xf32>
      %swap3A_39 = vector.shape_cast %broadcast_in_dim3A_34 : vector<16xf32> to vector<1x16xf32>
      tpu.vector_store %arg12[%swap3A_35, %swap3A_36], %swap3A_39 {strides = array<i32>} : memref<128x128xf32, #tpu.memory_space<vmem>>, vector<1x16xf32>,
    }
    %scan3A_7 = arith.constant 128 : i32
    %barrier3A = arith.constant 0 : index
    tpu.barrier barrier_id(%barrier3A)
    %iota3A = tpu.iota {dimensions = array<i32: 0>} : vector<16xi32>
    %scan3A_8 = arith.constant 0 : i32
    %scan3A_9 = arith.constant 0 : i32
    %scan3A_10 = arith.constant 79 : i32
    %scan3A_11 = arith.addi %scan3A_9, %scan3A_10 : i32
    %scan3A_12 = arith.constant 1 : i32
    scf.for %scan3A_20 = %scan3A_9 to %scan3A_11 step %scan3A_12  : i32 {
      %mul3A_21 = arith.constant 79 : i32
      %mul3A_22 = arith.muli %add3A, %mul3A_21 : i32
      %add3A_23 = arith.addi %mul3A_22, %scan3A_20 : i32
      %mul3A_24 = arith.constant 128 : i32
      %mul3A_25 = arith.muli %add3A_23, %mul3A_24 : i32
      "tpu.region"() ({
        %run_scoped3A = tpu.sem_alloc : memref<!tpu.dma_semaphore, #tpu.memory_space<semaphore_mem>>
        %dma_start3A_42 = tpu.memref_slice %arg5[%mul3A_25] : memref<323584xi32, #tpu.memory_space<hbm>> -> memref<128xi32, #tpu.memory_space<hbm>>
        %dma_start3A_43 = tpu.memref_slice %arg5[%mul3A_25] : memref<323584xi32, #tpu.memory_space<hbm>> -> memref<128xi32, #tpu.memory_space<hbm>>
        tpu.enqueue_dma source(%dma_start3A_43 : memref<128xi32, #tpu.memory_space<hbm>>) target(%arg9 : memref<128xi32, #tpu.memory_space<vmem>>) target_semaphore(%run_scoped3A : memref<!tpu.dma_semaphore, #tpu.memory_space<semaphore_mem>>)
        %dma_wait3A_44 = tpu.memref_slice %arg5[%mul3A_25] : memref<323584xi32, #tpu.memory_space<hbm>> -> memref<128xi32, #tpu.memory_space<hbm>>
        %dma_wait3A_45 = tpu.memref_slice %arg5[%mul3A_25] : memref<323584xi32, #tpu.memory_space<hbm>> -> memref<128xi32, #tpu.memory_space<hbm>>
        tpu.wait_dma2 semaphore(%run_scoped3A : memref<!tpu.dma_semaphore, #tpu.memory_space<semaphore_mem>>) src(%dma_wait3A_45 : memref<128xi32, #tpu.memory_space<hbm>>) dst(%arg9 : memref<128xi32, #tpu.memory_space<vmem>>)
        tpu.yield
      }) : () -> ()
      %dma_start3A = arith.constant 0 : i32
      %dma_start3A_26 = arith.constant 0 : i32
      %dma_start3A_27 = tpu.memref_slice %arg2[%dma_start3A, %dma_start3A_26] : memref<10000x128xf32, #tpu.memory_space<hbm>> -> memref<10000x128xf32, #tpu.memory_space<hbm>>
      tpu.enqueue_indirect_dma source(%dma_start3A_27 : memref<10000x128xf32, #tpu.memory_space<hbm>>) target(%arg10 : memref<128x128xf32, #tpu.memory_space<vmem>>) offsets(%arg9 : memref<128xi32, #tpu.memory_space<vmem>>) semaphore(%arg14 : memref<!tpu.dma_semaphore, #tpu.memory_space<semaphore_mem>>)
      %dma_wait3A = arith.constant 0 : i32
      %dma_wait3A_28 = arith.constant 0 : i32
      %dma_wait3A_29 = tpu.memref_slice %arg2[%dma_wait3A, %dma_wait3A_28] : memref<10000x128xf32, #tpu.memory_space<hbm>> -> memref<10000x128xf32, #tpu.memory_space<hbm>>
      tpu.wait_indirect_dma semaphore(%arg14 : memref<!tpu.dma_semaphore, #tpu.memory_space<semaphore_mem>>) src(%dma_wait3A_29 : memref<10000x128xf32, #tpu.memory_space<hbm>>) dst(%arg10 : memref<128x128xf32, #tpu.memory_space<vmem>>)
      "tpu.region"() ({
        %run_scoped3A = tpu.sem_alloc : memref<!tpu.dma_semaphore, #tpu.memory_space<semaphore_mem>>
        %dma_start3A_42 = tpu.memref_slice %arg4[%mul3A_25] : memref<323584xi32, #tpu.memory_space<hbm>> -> memref<128xi32, #tpu.memory_space<hbm>>
        %dma_start3A_43 = tpu.memref_slice %arg4[%mul3A_25] : memref<323584xi32, #tpu.memory_space<hbm>> -> memref<128xi32, #tpu.memory_space<hbm>>
        tpu.enqueue_dma source(%dma_start3A_43 : memref<128xi32, #tpu.memory_space<hbm>>) target(%arg8 : memref<128xi32, #tpu.memory_space<vmem>>) target_semaphore(%run_scoped3A : memref<!tpu.dma_semaphore, #tpu.memory_space<semaphore_mem>>)
        %dma_wait3A_44 = tpu.memref_slice %arg4[%mul3A_25] : memref<323584xi32, #tpu.memory_space<hbm>> -> memref<128xi32, #tpu.memory_space<hbm>>
        %dma_wait3A_45 = tpu.memref_slice %arg4[%mul3A_25] : memref<323584xi32, #tpu.memory_space<hbm>> -> memref<128xi32, #tpu.memory_space<hbm>>
        tpu.wait_dma2 semaphore(%run_scoped3A : memref<!tpu.dma_semaphore, #tpu.memory_space<semaphore_mem>>) src(%dma_wait3A_45 : memref<128xi32, #tpu.memory_space<hbm>>) dst(%arg8 : memref<128xi32, #tpu.memory_space<vmem>>)
        tpu.yield
      }) : () -> ()
      %dma_start3A_30 = arith.constant 0 : i32
      %dma_start3A_31 = arith.constant 0 : i32
      %dma_start3A_32 = tpu.memref_slice %arg3[%dma_start3A_30, %dma_start3A_31] : memref<10000x128xf32, #tpu.memory_space<hbm>> -> memref<10000x128xf32, #tpu.memory_space<hbm>>
      tpu.enqueue_indirect_dma source(%dma_start3A_32 : memref<10000x128xf32, #tpu.memory_space<hbm>>) target(%arg11 : memref<128x128xf32, #tpu.memory_space<vmem>>) offsets(%arg8 : memref<128xi32, #tpu.memory_space<vmem>>) semaphore(%arg14 : memref<!tpu.dma_semaphore, #tpu.memory_space<semaphore_mem>>)
      %dma_wait3A_33 = arith.constant 0 : i32
      %dma_wait3A_34 = arith.constant 0 : i32
      %dma_wait3A_35 = tpu.memref_slice %arg3[%dma_wait3A_33, %dma_wait3A_34] : memref<10000x128xf32, #tpu.memory_space<hbm>> -> memref<10000x128xf32, #tpu.memory_space<hbm>>
      tpu.wait_indirect_dma semaphore(%arg14 : memref<!tpu.dma_semaphore, #tpu.memory_space<semaphore_mem>>) src(%dma_wait3A_35 : memref<10000x128xf32, #tpu.memory_space<hbm>>) dst(%arg11 : memref<128x128xf32, #tpu.memory_space<vmem>>)
      %scan3A_36 = arith.constant 0 : i32
      %scan3A_37 = arith.constant 0 : i32
      %scan3A_38 = arith.constant 128 : i32
      %scan3A_39 = arith.addi %scan3A_37, %scan3A_38 : i32
      %scan3A_40 = arith.constant 1 : i32
      scf.for %scan3A_42 = %scan3A_37 to %scan3A_39 step %scan3A_40  : i32 {
        %get3A = arith.index_cast %scan3A_42 : i32 to index
        %get3A_43 = arith.constant 0 : index
        %get3A_44 = tpu.vector_load %arg10[%get3A, %get3A_43] {strides = array<i32>} : memref<128x128xf32, #tpu.memory_space<vmem>>, vector<1x16xf32>,
        %get3A_45 = vector.shape_cast %get3A_44 : vector<1x16xf32> to vector<16xf32>
        %get3A_46 = arith.index_cast %scan3A_42 : i32 to index
        %get3A_47 = arith.constant 16 : index
        %get3A_48 = tpu.vector_load %arg10[%get3A_46, %get3A_47] {strides = array<i32>} : memref<128x128xf32, #tpu.memory_space<vmem>>, vector<1x16xf32>,
        %get3A_49 = vector.shape_cast %get3A_48 : vector<1x16xf32> to vector<16xf32>
        %get3A_50 = arith.index_cast %scan3A_42 : i32 to index
        %get3A_51 = arith.constant 32 : index
        %get3A_52 = tpu.vector_load %arg10[%get3A_50, %get3A_51] {strides = array<i32>} : memref<128x128xf32, #tpu.memory_space<vmem>>, vector<1x16xf32>,
        %get3A_53 = vector.shape_cast %get3A_52 : vector<1x16xf32> to vector<16xf32>
        %get3A_54 = arith.index_cast %scan3A_42 : i32 to index
        %get3A_55 = arith.constant 48 : index
        %get3A_56 = tpu.vector_load %arg10[%get3A_54, %get3A_55] {strides = array<i32>} : memref<128x128xf32, #tpu.memory_space<vmem>>, vector<1x16xf32>,
        %get3A_57 = vector.shape_cast %get3A_56 : vector<1x16xf32> to vector<16xf32>
        %get3A_58 = arith.index_cast %scan3A_42 : i32 to index
        %get3A_59 = arith.constant 0 : index
        %get3A_60 = tpu.vector_load %arg11[%get3A_58, %get3A_59] {strides = array<i32>} : memref<128x128xf32, #tpu.memory_space<vmem>>, vector<1x16xf32>,
        %get3A_61 = vector.shape_cast %get3A_60 : vector<1x16xf32> to vector<16xf32>
        %get3A_62 = arith.index_cast %scan3A_42 : i32 to index
        %get3A_63 = arith.constant 16 : index
        %get3A_64 = tpu.vector_load %arg11[%get3A_62, %get3A_63] {strides = array<i32>} : memref<128x128xf32, #tpu.memory_space<vmem>>, vector<1x16xf32>,
        %get3A_65 = vector.shape_cast %get3A_64 : vector<1x16xf32> to vector<16xf32>
        %get3A_66 = arith.index_cast %scan3A_42 : i32 to index
        %get3A_67 = arith.constant 32 : index
        %get3A_68 = tpu.vector_load %arg11[%get3A_66, %get3A_67] {strides = array<i32>} : memref<128x128xf32, #tpu.memory_space<vmem>>, vector<1x16xf32>,
        %get3A_69 = vector.shape_cast %get3A_68 : vector<1x16xf32> to vector<16xf32>
        %get3A_70 = arith.index_cast %scan3A_42 : i32 to index
        %get3A_71 = arith.constant 48 : index
        %get3A_72 = tpu.vector_load %arg11[%get3A_70, %get3A_71] {strides = array<i32>} : memref<128x128xf32, #tpu.memory_space<vmem>>, vector<1x16xf32>,
        %get3A_73 = vector.shape_cast %get3A_72 : vector<1x16xf32> to vector<16xf32>
        %mul3A_74 = arith.mulf %get3A_45, %get3A_61 : vector<16xf32>
        %mul3A_75 = arith.mulf %get3A_49, %get3A_65 : vector<16xf32>
        %add3A_76 = arith.addf %mul3A_74, %mul3A_75 : vector<16xf32>
        %mul3A_77 = arith.mulf %get3A_53, %get3A_69 : vector<16xf32>
        %mul3A_78 = arith.mulf %get3A_57, %get3A_73 : vector<16xf32>
        %add3A_79 = arith.addf %mul3A_77, %mul3A_78 : vector<16xf32>
        %xor3A = arith.constant 1 : i32
        %xor3A_80 = vector.broadcast %xor3A : i32 to vector<16xi32>
        %xor3A_81 = arith.xori %iota3A, %xor3A_80 : vector<16xi32>
        %reshape3A = vector.shape_cast %xor3A_81 : vector<16xi32> to vector<16x1xi32>
        %gather3A = vector.shape_cast %reshape3A : vector<16x1xi32> to vector<16xi32>
        %gather3A_82 = tpu.dynamic_gather %add3A_76[%gather3A] in [0] : vector<16xf32>, vector<16xi32> -> vector<16xf32>
        %add3A_83 = arith.addf %add3A_76, %gather3A_82 : vector<16xf32>
        %gather3A_84 = vector.shape_cast %reshape3A : vector<16x1xi32> to vector<16xi32>
        %gather3A_85 = tpu.dynamic_gather %add3A_79[%gather3A_84] in [0] : vector<16xf32>, vector<16xi32> -> vector<16xf32>
        %add3A_86 = arith.addf %add3A_79, %gather3A_85 : vector<16xf32>
        %xor3A_87 = arith.constant 2 : i32
        %xor3A_88 = vector.broadcast %xor3A_87 : i32 to vector<16xi32>
        %xor3A_89 = arith.xori %iota3A, %xor3A_88 : vector<16xi32>
        %reshape3A_90 = vector.shape_cast %xor3A_89 : vector<16xi32> to vector<16x1xi32>
        %gather3A_91 = vector.shape_cast %reshape3A_90 : vector<16x1xi32> to vector<16xi32>
        %gather3A_92 = tpu.dynamic_gather %add3A_83[%gather3A_91] in [0] : vector<16xf32>, vector<16xi32> -> vector<16xf32>
        %add3A_93 = arith.addf %add3A_83, %gather3A_92 : vector<16xf32>
        %gather3A_94 = vector.shape_cast %reshape3A_90 : vector<16x1xi32> to vector<16xi32>
        %gather3A_95 = tpu.dynamic_gather %add3A_86[%gather3A_94] in [0] : vector<16xf32>, vector<16xi32> -> vector<16xf32>
        %add3A_96 = arith.addf %add3A_86, %gather3A_95 : vector<16xf32>
        %xor3A_97 = arith.constant 4 : i32
        %xor3A_98 = vector.broadcast %xor3A_97 : i32 to vector<16xi32>
        %xor3A_99 = arith.xori %iota3A, %xor3A_98 : vector<16xi32>
        %reshape3A_100 = vector.shape_cast %xor3A_99 : vector<16xi32> to vector<16x1xi32>
        %gather3A_101 = vector.shape_cast %reshape3A_100 : vector<16x1xi32> to vector<16xi32>
        %gather3A_102 = tpu.dynamic_gather %add3A_93[%gather3A_101] in [0] : vector<16xf32>, vector<16xi32> -> vector<16xf32>
        %add3A_103 = arith.addf %add3A_93, %gather3A_102 : vector<16xf32>
        %gather3A_104 = vector.shape_cast %reshape3A_100 : vector<16x1xi32> to vector<16xi32>
        %gather3A_105 = tpu.dynamic_gather %add3A_96[%gather3A_104] in [0] : vector<16xf32>, vector<16xi32> -> vector<16xf32>
        %add3A_106 = arith.addf %add3A_96, %gather3A_105 : vector<16xf32>
        %xor3A_107 = arith.constant 8 : i32
        %xor3A_108 = vector.broadcast %xor3A_107 : i32 to vector<16xi32>
        %xor3A_109 = arith.xori %iota3A, %xor3A_108 : vector<16xi32>
        %reshape3A_110 = vector.shape_cast %xor3A_109 : vector<16xi32> to vector<16x1xi32>
        %gather3A_111 = vector.shape_cast %reshape3A_110 : vector<16x1xi32> to vector<16xi32>
        %gather3A_112 = tpu.dynamic_gather %add3A_103[%gather3A_111] in [0] : vector<16xf32>, vector<16xi32> -> vector<16xf32>
        %add3A_113 = arith.addf %add3A_103, %gather3A_112 : vector<16xf32>
        %gather3A_114 = vector.shape_cast %reshape3A_110 : vector<16x1xi32> to vector<16xi32>
        %gather3A_115 = tpu.dynamic_gather %add3A_106[%gather3A_114] in [0] : vector<16xf32>, vector<16xi32> -> vector<16xf32>
        %add3A_116 = arith.addf %add3A_106, %gather3A_115 : vector<16xf32>
        %mul3A_117 = arith.constant 0.176776692 : f32
        %mul3A_118 = vector.broadcast %mul3A_117 : f32 to vector<16xf32>
        %mul3A_119 = arith.mulf %add3A_113, %mul3A_118 : vector<16xf32>
        %exp3A = math.exp %mul3A_119 : vector<16xf32>
        %mul3A_120 = arith.constant 0.176776692 : f32
        %mul3A_121 = vector.broadcast %mul3A_120 : f32 to vector<16xf32>
        %mul3A_122 = arith.mulf %add3A_116, %mul3A_121 : vector<16xf32>
        %exp3A_123 = math.exp %mul3A_122 : vector<16xf32>
        %get3A_124 = arith.index_cast %scan3A_42 : i32 to index
        %get3A_125 = arith.constant 64 : index
        %get3A_126 = tpu.vector_load %arg11[%get3A_124, %get3A_125] {strides = array<i32>} : memref<128x128xf32, #tpu.memory_space<vmem>>, vector<1x16xf32>,
        %get3A_127 = vector.shape_cast %get3A_126 : vector<1x16xf32> to vector<16xf32>
        %mul3A_128 = arith.mulf %get3A_127, %exp3A : vector<16xf32>
        %swap3A = arith.index_cast %scan3A_42 : i32 to index
        %swap3A_129 = arith.constant 0 : index
        %swap3A_130 = tpu.vector_load %arg12[%swap3A, %swap3A_129] {strides = array<i32>} : memref<128x128xf32, #tpu.memory_space<vmem>>, vector<1x16xf32>,
        %swap3A_131 = vector.shape_cast %swap3A_130 : vector<1x16xf32> to vector<16xf32>
        %swap3A_132 = vector.shape_cast %mul3A_128 : vector<16xf32> to vector<1x16xf32>
        tpu.vector_store %arg12[%swap3A, %swap3A_129], %swap3A_132 {strides = array<i32>} : memref<128x128xf32, #tpu.memory_space<vmem>>, vector<1x16xf32>,
        %get3A_133 = arith.index_cast %scan3A_42 : i32 to index
        %get3A_134 = arith.constant 80 : index
        %get3A_135 = tpu.vector_load %arg11[%get3A_133, %get3A_134] {strides = array<i32>} : memref<128x128xf32, #tpu.memory_space<vmem>>, vector<1x16xf32>,
        %get3A_136 = vector.shape_cast %get3A_135 : vector<1x16xf32> to vector<16xf32>
        %mul3A_137 = arith.mulf %get3A_136, %exp3A : vector<16xf32>
        %swap3A_138 = arith.index_cast %scan3A_42 : i32 to index
        %swap3A_139 = arith.constant 16 : index
        %swap3A_140 = tpu.vector_load %arg12[%swap3A_138, %swap3A_139] {strides = array<i32>} : memref<128x128xf32, #tpu.memory_space<vmem>>, vector<1x16xf32>,
        %swap3A_141 = vector.shape_cast %swap3A_140 : vector<1x16xf32> to vector<16xf32>
        %swap3A_142 = vector.shape_cast %mul3A_137 : vector<16xf32> to vector<1x16xf32>
        tpu.vector_store %arg12[%swap3A_138, %swap3A_139], %swap3A_142 {strides = array<i32>} : memref<128x128xf32, #tpu.memory_space<vmem>>, vector<1x16xf32>,
        %get3A_143 = arith.index_cast %scan3A_42 : i32 to index
        %get3A_144 = arith.constant 96 : index
        %get3A_145 = tpu.vector_load %arg11[%get3A_143, %get3A_144] {strides = array<i32>} : memref<128x128xf32, #tpu.memory_space<vmem>>, vector<1x16xf32>,
        %get3A_146 = vector.shape_cast %get3A_145 : vector<1x16xf32> to vector<16xf32>
        %mul3A_147 = arith.mulf %get3A_146, %exp3A_123 : vector<16xf32>
        %swap3A_148 = arith.index_cast %scan3A_42 : i32 to index
        %swap3A_149 = arith.constant 32 : index
        %swap3A_150 = tpu.vector_load %arg12[%swap3A_148, %swap3A_149] {strides = array<i32>} : memref<128x128xf32, #tpu.memory_space<vmem>>, vector<1x16xf32>,
        %swap3A_151 = vector.shape_cast %swap3A_150 : vector<1x16xf32> to vector<16xf32>
        %swap3A_152 = vector.shape_cast %mul3A_147 : vector<16xf32> to vector<1x16xf32>
        tpu.vector_store %arg12[%swap3A_148, %swap3A_149], %swap3A_152 {strides = array<i32>} : memref<128x128xf32, #tpu.memory_space<vmem>>, vector<1x16xf32>,
        %get3A_153 = arith.index_cast %scan3A_42 : i32 to index
        %get3A_154 = arith.constant 112 : index
        %get3A_155 = tpu.vector_load %arg11[%get3A_153, %get3A_154] {strides = array<i32>} : memref<128x128xf32, #tpu.memory_space<vmem>>, vector<1x16xf32>,
        %get3A_156 = vector.shape_cast %get3A_155 : vector<1x16xf32> to vector<16xf32>
        %mul3A_157 = arith.mulf %get3A_156, %exp3A_123 : vector<16xf32>
        %swap3A_158 = arith.index_cast %scan3A_42 : i32 to index
        %swap3A_159 = arith.constant 48 : index
        %swap3A_160 = tpu.vector_load %arg12[%swap3A_158, %swap3A_159] {strides = array<i32>} : memref<128x128xf32, #tpu.memory_space<vmem>>, vector<1x16xf32>,
        %swap3A_161 = vector.shape_cast %swap3A_160 : vector<1x16xf32> to vector<16xf32>
        %swap3A_162 = vector.shape_cast %mul3A_157 : vector<16xf32> to vector<1x16xf32>
        tpu.vector_store %arg12[%swap3A_158, %swap3A_159], %swap3A_162 {strides = array<i32>} : memref<128x128xf32, #tpu.memory_space<vmem>>, vector<1x16xf32>,
        %eq3A_163 = arith.constant 0 : i32
        %eq3A_164 = vector.broadcast %eq3A_163 : i32 to vector<16xi32>
        %eq3A_165 = arith.cmpi eq, %iota3A, %eq3A_164 : vector<16xi32>
        %eq3A_166 = arith.constant 1 : i32
        %eq3A_167 = vector.broadcast %eq3A_166 : i32 to vector<16xi32>
        %eq3A_168 = arith.cmpi eq, %iota3A, %eq3A_167 : vector<16xi32>
        %jit3A = arith.constant 0.000000e+00 : f32
        %broadcast_in_dim3A = vector.broadcast %jit3A : f32 to vector<16xf32>
        %select_n3A = arith.select %eq3A_168, %exp3A_123, %broadcast_in_dim3A : vector<16xi1>, vector<16xf32>
        %select_n3A_169 = arith.select %eq3A_165, %exp3A, %select_n3A : vector<16xi1>, vector<16xf32>
        %swap3A_170 = arith.index_cast %scan3A_42 : i32 to index
        %swap3A_171 = arith.constant 64 : index
        %swap3A_172 = tpu.vector_load %arg12[%swap3A_170, %swap3A_171] {strides = array<i32>} : memref<128x128xf32, #tpu.memory_space<vmem>>, vector<1x16xf32>,
        %swap3A_173 = vector.shape_cast %swap3A_172 : vector<1x16xf32> to vector<16xf32>
        %swap3A_174 = vector.shape_cast %select_n3A_169 : vector<16xf32> to vector<1x16xf32>
        tpu.vector_store %arg12[%swap3A_170, %swap3A_171], %swap3A_174 {strides = array<i32>} : memref<128x128xf32, #tpu.memory_space<vmem>>, vector<1x16xf32>,
      }
      %scan3A_41 = arith.constant 128 : i32
      "tpu.region"() ({
        %run_scoped3A = tpu.sem_alloc : memref<!tpu.dma_semaphore, #tpu.memory_space<semaphore_mem>>
        %dma_start3A_42 = arith.constant 0 : i32
        %dma_start3A_43 = arith.constant 0 : i32
        %dma_start3A_44 = tpu.memref_slice %arg13[%dma_start3A_42, %dma_start3A_43] : memref<10008x128xf32, #tpu.memory_space<vmem_shared>> -> memref<10008x128xf32, #tpu.memory_space<vmem_shared>>
        tpu.enqueue_indirect_dma source(%arg12 : memref<128x128xf32, #tpu.memory_space<vmem>>) target(%dma_start3A_44 : memref<10008x128xf32, #tpu.memory_space<vmem_shared>>) offsets(%arg9 : memref<128xi32, #tpu.memory_space<vmem>>) semaphore(%run_scoped3A : memref<!tpu.dma_semaphore, #tpu.memory_space<semaphore_mem>>) {add = true}
        %dma_wait3A_45 = arith.constant 0 : i32
        %dma_wait3A_46 = arith.constant 0 : i32
        %dma_wait3A_47 = tpu.memref_slice %arg13[%dma_wait3A_45, %dma_wait3A_46] : memref<10008x128xf32, #tpu.memory_space<vmem_shared>> -> memref<10008x128xf32, #tpu.memory_space<vmem_shared>>
        tpu.wait_indirect_dma semaphore(%run_scoped3A : memref<!tpu.dma_semaphore, #tpu.memory_space<semaphore_mem>>) src(%arg12 : memref<128x128xf32, #tpu.memory_space<vmem>>) dst(%dma_wait3A_47 : memref<10008x128xf32, #tpu.memory_space<vmem_shared>>)
        tpu.yield
      }) : () -> ()
    }
    %scan3A_13 = arith.constant 79 : i32
    %barrier3A_14 = arith.constant 0 : index
    tpu.barrier barrier_id(%barrier3A_14)
    %eq3A_15 = arith.constant 0 : i32
    %eq3A_16 = arith.cmpi eq, %arg1, %eq3A_15 : i32
    %convert_element_type3A_17 = arith.extui %eq3A_16 : i1 to i32
    %cond3A_18 = arith.constant 0 : i32
    %cond3A_19 = arith.cmpi ne, %convert_element_type3A_17, %cond3A_18 : i32
    scf.if %cond3A_19 {
      "tpu.region"() ({
        %run_scoped3A = tpu.sem_alloc : memref<!tpu.dma_semaphore, #tpu.memory_space<semaphore_mem>>
        %dma_start3A = arith.constant 0 : i32
        %dma_start3A_20 = arith.constant 0 : i32
        %dma_start3A_21 = tpu.memref_slice %arg7[%arg0, %dma_start3A, %dma_start3A_20] : memref<2x10008x128xf32, #tpu.memory_space<hbm>> -> memref<1x10008x128xf32, #tpu.memory_space<hbm>>
        %dma_start3A_22 = tpu.memref_squeeze %dma_start3A_21 : memref<1x10008x128xf32, #tpu.memory_space<hbm>> -> memref<10008x128xf32, #tpu.memory_space<hbm>>
        tpu.enqueue_dma source(%arg13 : memref<10008x128xf32, #tpu.memory_space<vmem_shared>>) target(%dma_start3A_22 : memref<10008x128xf32, #tpu.memory_space<hbm>>) target_semaphore(%run_scoped3A : memref<!tpu.dma_semaphore, #tpu.memory_space<semaphore_mem>>)
        %dma_wait3A = arith.constant 0 : i32
        %dma_wait3A_23 = arith.constant 0 : i32
        %dma_wait3A_24 = tpu.memref_slice %arg7[%arg0, %dma_wait3A, %dma_wait3A_23] : memref<2x10008x128xf32, #tpu.memory_space<hbm>> -> memref<1x10008x128xf32, #tpu.memory_space<hbm>>
        %dma_wait3A_25 = tpu.memref_squeeze %dma_wait3A_24 : memref<1x10008x128xf32, #tpu.memory_space<hbm>> -> memref<10008x128xf32, #tpu.memory_space<hbm>>
        tpu.wait_dma2 semaphore(%run_scoped3A : memref<!tpu.dma_semaphore, #tpu.memory_space<semaphore_mem>>) src(%arg13 : memref<10008x128xf32, #tpu.memory_space<vmem_shared>>) dst(%dma_wait3A_25 : memref<10008x128xf32, #tpu.memory_space<hbm>>)
        tpu.yield
      }) : () -> ()
    } else {
    }
    return
  }
}

#map = affine_map<(d0, d1) -> (0, 0)>
#map1 = affine_map<(d0, d1) -> (0)>
#map2 = affine_map<(d0, d1) -> (0, 0, 0)>
module attributes {stable_mosaic.version = 14 : i64} {
  func.func @_sc_tconv(%arg0: i32, %arg1: i32, %arg2: memref<10000x128xf32, #tpu.memory_space<hbm>>, %arg3: memref<10000x128xf32, #tpu.memory_space<hbm>>, %arg4: memref<323584xi32, #tpu.memory_space<hbm>>, %arg5: memref<323584xi32, #tpu.memory_space<hbm>>, %arg6: memref<10008x128xf32, #tpu.memory_space<hbm>>, %arg7: memref<2x10008x128xf32, #tpu.memory_space<hbm>>, %arg8: memref<128xi32, #tpu.memory_space<vmem>>, %arg9: memref<128xi32, #tpu.memory_space<vmem>>, %arg10: memref<128x128xf32, #tpu.memory_space<vmem>>, %arg11: memref<128x128xf32, #tpu.memory_space<vmem>>, %arg12: memref<128x128xf32, #tpu.memory_space<vmem>>, %arg13: memref<10008x128xf32, #tpu.memory_space<vmem_shared>>, %arg14: memref<!tpu.dma_semaphore, #tpu.memory_space<semaphore_mem>>) attributes {dimension_semantics = [#tpu.dimension_semantics<core_parallel>, #tpu.dimension_semantics<subcore_parallel>], iteration_bounds = array<i64: 2, 16>, scalar_prefetch = 0 : i64, scratch_operands = 7 : i64, tpu.core_type = #tpu.core_type<sc_vector_subcore>, window_params = [{transform_indices = #map}, {transform_indices = #map}, {transform_indices = #map1}, {transform_indices = #map1}, {transform_indices = #map}, {transform_indices = #map2}]} {
    %mul3A = arith.constant 2 : i32
    %mul3A_0 = arith.muli %arg1, %mul3A : i32
    %add3A = arith.addi %mul3A_0, %arg0 : i32
    %eq3A = arith.constant 0 : i32
    %eq3A_1 = arith.cmpi eq, %arg1, %eq3A : i32
    %convert_element_type3A = arith.extui %eq3A_1 : i1 to i32
    %cond3A = arith.constant 0 : i32
    %cond3A_2 = arith.cmpi ne, %convert_element_type3A, %cond3A : i32
    scf.if %cond3A_2 {
      "tpu.region"() ({
        %run_scoped3A = tpu.sem_alloc : memref<!tpu.dma_semaphore, #tpu.memory_space<semaphore_mem>>
        tpu.enqueue_dma source(%arg6 : memref<10008x128xf32, #tpu.memory_space<hbm>>) target(%arg13 : memref<10008x128xf32, #tpu.memory_space<vmem_shared>>) target_semaphore(%run_scoped3A : memref<!tpu.dma_semaphore, #tpu.memory_space<semaphore_mem>>)
        tpu.wait_dma2 semaphore(%run_scoped3A : memref<!tpu.dma_semaphore, #tpu.memory_space<semaphore_mem>>) src(%arg6 : memref<10008x128xf32, #tpu.memory_space<hbm>>) dst(%arg13 : memref<10008x128xf32, #tpu.memory_space<vmem_shared>>)
        tpu.yield
      }) : () -> ()
    } else {
    }
    %scan3A = arith.constant 0 : i32
    %scan3A_3 = arith.constant 0 : i32
    %scan3A_4 = arith.constant 128 : i32
    %scan3A_5 = arith.addi %scan3A_3, %scan3A_4 : i32
    %scan3A_6 = arith.constant 1 : i32
    scf.for %scan3A_20 = %scan3A_3 to %scan3A_5 step %scan3A_6  : i32 {
      %broadcast_in_dim3A = arith.constant 0.000000e+00 : f32
      %broadcast_in_dim3A_21 = vector.broadcast %broadcast_in_dim3A : f32 to vector<16xf32>
      %swap3A = arith.index_cast %scan3A_20 : i32 to index
      %swap3A_22 = arith.constant 80 : index
      %swap3A_23 = tpu.vector_load %arg12[%swap3A, %swap3A_22] {strides = array<i32>} : memref<128x128xf32, #tpu.memory_space<vmem>>, vector<1x16xf32>,
      %swap3A_24 = vector.shape_cast %swap3A_23 : vector<1x16xf32> to vector<16xf32>
      %swap3A_25 = vector.shape_cast %broadcast_in_dim3A_21 : vector<16xf32> to vector<1x16xf32>
      tpu.vector_store %arg12[%swap3A, %swap3A_22], %swap3A_25 {strides = array<i32>} : memref<128x128xf32, #tpu.memory_space<vmem>>, vector<1x16xf32>,
      %broadcast_in_dim3A_26 = arith.constant 0.000000e+00 : f32
      %broadcast_in_dim3A_27 = vector.broadcast %broadcast_in_dim3A_26 : f32 to vector<16xf32>
      %swap3A_28 = arith.index_cast %scan3A_20 : i32 to index
      %swap3A_29 = arith.constant 96 : index
      %swap3A_30 = tpu.vector_load %arg12[%swap3A_28, %swap3A_29] {strides = array<i32>} : memref<128x128xf32, #tpu.memory_space<vmem>>, vector<1x16xf32>,
      %swap3A_31 = vector.shape_cast %swap3A_30 : vector<1x16xf32> to vector<16xf32>
      %swap3A_32 = vector.shape_cast %broadcast_in_dim3A_27 : vector<16xf32> to vector<1x16xf32>
      tpu.vector_store %arg12[%swap3A_28, %swap3A_29], %swap3A_32 {strides = array<i32>} : memref<128x128xf32, #tpu.memory_space<vmem>>, vector<1x16xf32>,
      %broadcast_in_dim3A_33 = arith.constant 0.000000e+00 : f32
      %broadcast_in_dim3A_34 = vector.broadcast %broadcast_in_dim3A_33 : f32 to vector<16xf32>
      %swap3A_35 = arith.index_cast %scan3A_20 : i32 to index
      %swap3A_36 = arith.constant 112 : index
      %swap3A_37 = tpu.vector_load %arg12[%swap3A_35, %swap3A_36] {strides = array<i32>} : memref<128x128xf32, #tpu.memory_space<vmem>>, vector<1x16xf32>,
      %swap3A_38 = vector.shape_cast %swap3A_37 : vector<1x16xf32> to vector<16xf32>
      %swap3A_39 = vector.shape_cast %broadcast_in_dim3A_34 : vector<16xf32> to vector<1x16xf32>
      tpu.vector_store %arg12[%swap3A_35, %swap3A_36], %swap3A_39 {strides = array<i32>} : memref<128x128xf32, #tpu.memory_space<vmem>>, vector<1x16xf32>,
    }
    %scan3A_7 = arith.constant 128 : i32
    %barrier3A = arith.constant 0 : index
    tpu.barrier barrier_id(%barrier3A)
    %iota3A = tpu.iota {dimensions = array<i32: 0>} : vector<16xi32>
    %scan3A_8 = arith.constant 0 : i32
    %scan3A_9 = arith.constant 0 : i32
    %scan3A_10 = arith.constant 79 : i32
    %scan3A_11 = arith.addi %scan3A_9, %scan3A_10 : i32
    %scan3A_12 = arith.constant 1 : i32
    scf.for %scan3A_20 = %scan3A_9 to %scan3A_11 step %scan3A_12  : i32 {
      %mul3A_21 = arith.constant 79 : i32
      %mul3A_22 = arith.muli %add3A, %mul3A_21 : i32
      %add3A_23 = arith.addi %mul3A_22, %scan3A_20 : i32
      %mul3A_24 = arith.constant 128 : i32
      %mul3A_25 = arith.muli %add3A_23, %mul3A_24 : i32
      "tpu.region"() ({
        %run_scoped3A = tpu.sem_alloc : memref<!tpu.dma_semaphore, #tpu.memory_space<semaphore_mem>>
        %dma_start3A_42 = tpu.memref_slice %arg5[%mul3A_25] : memref<323584xi32, #tpu.memory_space<hbm>> -> memref<128xi32, #tpu.memory_space<hbm>>
        %dma_start3A_43 = tpu.memref_slice %arg5[%mul3A_25] : memref<323584xi32, #tpu.memory_space<hbm>> -> memref<128xi32, #tpu.memory_space<hbm>>
        tpu.enqueue_dma source(%dma_start3A_43 : memref<128xi32, #tpu.memory_space<hbm>>) target(%arg9 : memref<128xi32, #tpu.memory_space<vmem>>) target_semaphore(%run_scoped3A : memref<!tpu.dma_semaphore, #tpu.memory_space<semaphore_mem>>)
        %dma_wait3A_44 = tpu.memref_slice %arg5[%mul3A_25] : memref<323584xi32, #tpu.memory_space<hbm>> -> memref<128xi32, #tpu.memory_space<hbm>>
        %dma_wait3A_45 = tpu.memref_slice %arg5[%mul3A_25] : memref<323584xi32, #tpu.memory_space<hbm>> -> memref<128xi32, #tpu.memory_space<hbm>>
        tpu.wait_dma2 semaphore(%run_scoped3A : memref<!tpu.dma_semaphore, #tpu.memory_space<semaphore_mem>>) src(%dma_wait3A_45 : memref<128xi32, #tpu.memory_space<hbm>>) dst(%arg9 : memref<128xi32, #tpu.memory_space<vmem>>)
        tpu.yield
      }) : () -> ()
      %dma_start3A = arith.constant 0 : i32
      %dma_start3A_26 = arith.constant 0 : i32
      %dma_start3A_27 = tpu.memref_slice %arg2[%dma_start3A, %dma_start3A_26] : memref<10000x128xf32, #tpu.memory_space<hbm>> -> memref<10000x128xf32, #tpu.memory_space<hbm>>
      tpu.enqueue_indirect_dma source(%dma_start3A_27 : memref<10000x128xf32, #tpu.memory_space<hbm>>) target(%arg10 : memref<128x128xf32, #tpu.memory_space<vmem>>) offsets(%arg9 : memref<128xi32, #tpu.memory_space<vmem>>) semaphore(%arg14 : memref<!tpu.dma_semaphore, #tpu.memory_space<semaphore_mem>>)
      %dma_wait3A = arith.constant 0 : i32
      %dma_wait3A_28 = arith.constant 0 : i32
      %dma_wait3A_29 = tpu.memref_slice %arg2[%dma_wait3A, %dma_wait3A_28] : memref<10000x128xf32, #tpu.memory_space<hbm>> -> memref<10000x128xf32, #tpu.memory_space<hbm>>
      tpu.wait_indirect_dma semaphore(%arg14 : memref<!tpu.dma_semaphore, #tpu.memory_space<semaphore_mem>>) src(%dma_wait3A_29 : memref<10000x128xf32, #tpu.memory_space<hbm>>) dst(%arg10 : memref<128x128xf32, #tpu.memory_space<vmem>>)
      "tpu.region"() ({
        %run_scoped3A = tpu.sem_alloc : memref<!tpu.dma_semaphore, #tpu.memory_space<semaphore_mem>>
        %dma_start3A_42 = tpu.memref_slice %arg4[%mul3A_25] : memref<323584xi32, #tpu.memory_space<hbm>> -> memref<128xi32, #tpu.memory_space<hbm>>
        %dma_start3A_43 = tpu.memref_slice %arg4[%mul3A_25] : memref<323584xi32, #tpu.memory_space<hbm>> -> memref<128xi32, #tpu.memory_space<hbm>>
        tpu.enqueue_dma source(%dma_start3A_43 : memref<128xi32, #tpu.memory_space<hbm>>) target(%arg8 : memref<128xi32, #tpu.memory_space<vmem>>) target_semaphore(%run_scoped3A : memref<!tpu.dma_semaphore, #tpu.memory_space<semaphore_mem>>)
        %dma_wait3A_44 = tpu.memref_slice %arg4[%mul3A_25] : memref<323584xi32, #tpu.memory_space<hbm>> -> memref<128xi32, #tpu.memory_space<hbm>>
        %dma_wait3A_45 = tpu.memref_slice %arg4[%mul3A_25] : memref<323584xi32, #tpu.memory_space<hbm>> -> memref<128xi32, #tpu.memory_space<hbm>>
        tpu.wait_dma2 semaphore(%run_scoped3A : memref<!tpu.dma_semaphore, #tpu.memory_space<semaphore_mem>>) src(%dma_wait3A_45 : memref<128xi32, #tpu.memory_space<hbm>>) dst(%arg8 : memref<128xi32, #tpu.memory_space<vmem>>)
        tpu.yield
      }) : () -> ()
      %dma_start3A_30 = arith.constant 0 : i32
      %dma_start3A_31 = arith.constant 0 : i32
      %dma_start3A_32 = tpu.memref_slice %arg3[%dma_start3A_30, %dma_start3A_31] : memref<10000x128xf32, #tpu.memory_space<hbm>> -> memref<10000x128xf32, #tpu.memory_space<hbm>>
      tpu.enqueue_indirect_dma source(%dma_start3A_32 : memref<10000x128xf32, #tpu.memory_space<hbm>>) target(%arg11 : memref<128x128xf32, #tpu.memory_space<vmem>>) offsets(%arg8 : memref<128xi32, #tpu.memory_space<vmem>>) semaphore(%arg14 : memref<!tpu.dma_semaphore, #tpu.memory_space<semaphore_mem>>)
      %dma_wait3A_33 = arith.constant 0 : i32
      %dma_wait3A_34 = arith.constant 0 : i32
      %dma_wait3A_35 = tpu.memref_slice %arg3[%dma_wait3A_33, %dma_wait3A_34] : memref<10000x128xf32, #tpu.memory_space<hbm>> -> memref<10000x128xf32, #tpu.memory_space<hbm>>
      tpu.wait_indirect_dma semaphore(%arg14 : memref<!tpu.dma_semaphore, #tpu.memory_space<semaphore_mem>>) src(%dma_wait3A_35 : memref<10000x128xf32, #tpu.memory_space<hbm>>) dst(%arg11 : memref<128x128xf32, #tpu.memory_space<vmem>>)
      %scan3A_36 = arith.constant 0 : i32
      %scan3A_37 = arith.constant 0 : i32
      %scan3A_38 = arith.constant 128 : i32
      %scan3A_39 = arith.addi %scan3A_37, %scan3A_38 : i32
      %scan3A_40 = arith.constant 1 : i32
      scf.for %scan3A_42 = %scan3A_37 to %scan3A_39 step %scan3A_40  : i32 {
        %get3A = arith.index_cast %scan3A_42 : i32 to index
        %get3A_43 = arith.constant 0 : index
        %get3A_44 = tpu.vector_load %arg10[%get3A, %get3A_43] {strides = array<i32>} : memref<128x128xf32, #tpu.memory_space<vmem>>, vector<1x16xf32>,
        %get3A_45 = vector.shape_cast %get3A_44 : vector<1x16xf32> to vector<16xf32>
        %get3A_46 = arith.index_cast %scan3A_42 : i32 to index
        %get3A_47 = arith.constant 16 : index
        %get3A_48 = tpu.vector_load %arg10[%get3A_46, %get3A_47] {strides = array<i32>} : memref<128x128xf32, #tpu.memory_space<vmem>>, vector<1x16xf32>,
        %get3A_49 = vector.shape_cast %get3A_48 : vector<1x16xf32> to vector<16xf32>
        %get3A_50 = arith.index_cast %scan3A_42 : i32 to index
        %get3A_51 = arith.constant 32 : index
        %get3A_52 = tpu.vector_load %arg10[%get3A_50, %get3A_51] {strides = array<i32>} : memref<128x128xf32, #tpu.memory_space<vmem>>, vector<1x16xf32>,
        %get3A_53 = vector.shape_cast %get3A_52 : vector<1x16xf32> to vector<16xf32>
        %get3A_54 = arith.index_cast %scan3A_42 : i32 to index
        %get3A_55 = arith.constant 48 : index
        %get3A_56 = tpu.vector_load %arg10[%get3A_54, %get3A_55] {strides = array<i32>} : memref<128x128xf32, #tpu.memory_space<vmem>>, vector<1x16xf32>,
        %get3A_57 = vector.shape_cast %get3A_56 : vector<1x16xf32> to vector<16xf32>
        %get3A_58 = arith.index_cast %scan3A_42 : i32 to index
        %get3A_59 = arith.constant 0 : index
        %get3A_60 = tpu.vector_load %arg11[%get3A_58, %get3A_59] {strides = array<i32>} : memref<128x128xf32, #tpu.memory_space<vmem>>, vector<1x16xf32>,
        %get3A_61 = vector.shape_cast %get3A_60 : vector<1x16xf32> to vector<16xf32>
        %get3A_62 = arith.index_cast %scan3A_42 : i32 to index
        %get3A_63 = arith.constant 16 : index
        %get3A_64 = tpu.vector_load %arg11[%get3A_62, %get3A_63] {strides = array<i32>} : memref<128x128xf32, #tpu.memory_space<vmem>>, vector<1x16xf32>,
        %get3A_65 = vector.shape_cast %get3A_64 : vector<1x16xf32> to vector<16xf32>
        %get3A_66 = arith.index_cast %scan3A_42 : i32 to index
        %get3A_67 = arith.constant 32 : index
        %get3A_68 = tpu.vector_load %arg11[%get3A_66, %get3A_67] {strides = array<i32>} : memref<128x128xf32, #tpu.memory_space<vmem>>, vector<1x16xf32>,
        %get3A_69 = vector.shape_cast %get3A_68 : vector<1x16xf32> to vector<16xf32>
        %get3A_70 = arith.index_cast %scan3A_42 : i32 to index
        %get3A_71 = arith.constant 48 : index
        %get3A_72 = tpu.vector_load %arg11[%get3A_70, %get3A_71] {strides = array<i32>} : memref<128x128xf32, #tpu.memory_space<vmem>>, vector<1x16xf32>,
        %get3A_73 = vector.shape_cast %get3A_72 : vector<1x16xf32> to vector<16xf32>
        %mul3A_74 = arith.mulf %get3A_45, %get3A_61 : vector<16xf32>
        %mul3A_75 = arith.mulf %get3A_49, %get3A_65 : vector<16xf32>
        %add3A_76 = arith.addf %mul3A_74, %mul3A_75 : vector<16xf32>
        %mul3A_77 = arith.mulf %get3A_53, %get3A_69 : vector<16xf32>
        %mul3A_78 = arith.mulf %get3A_57, %get3A_73 : vector<16xf32>
        %add3A_79 = arith.addf %mul3A_77, %mul3A_78 : vector<16xf32>
        %xor3A = arith.constant 1 : i32
        %xor3A_80 = vector.broadcast %xor3A : i32 to vector<16xi32>
        %xor3A_81 = arith.xori %iota3A, %xor3A_80 : vector<16xi32>
        %reshape3A = vector.shape_cast %xor3A_81 : vector<16xi32> to vector<16x1xi32>
        %gather3A = vector.shape_cast %reshape3A : vector<16x1xi32> to vector<16xi32>
        %gather3A_82 = tpu.dynamic_gather %add3A_76[%gather3A] in [0] : vector<16xf32>, vector<16xi32> -> vector<16xf32>
        %add3A_83 = arith.addf %add3A_76, %gather3A_82 : vector<16xf32>
        %gather3A_84 = vector.shape_cast %reshape3A : vector<16x1xi32> to vector<16xi32>
        %gather3A_85 = tpu.dynamic_gather %add3A_79[%gather3A_84] in [0] : vector<16xf32>, vector<16xi32> -> vector<16xf32>
        %add3A_86 = arith.addf %add3A_79, %gather3A_85 : vector<16xf32>
        %xor3A_87 = arith.constant 2 : i32
        %xor3A_88 = vector.broadcast %xor3A_87 : i32 to vector<16xi32>
        %xor3A_89 = arith.xori %iota3A, %xor3A_88 : vector<16xi32>
        %reshape3A_90 = vector.shape_cast %xor3A_89 : vector<16xi32> to vector<16x1xi32>
        %gather3A_91 = vector.shape_cast %reshape3A_90 : vector<16x1xi32> to vector<16xi32>
        %gather3A_92 = tpu.dynamic_gather %add3A_83[%gather3A_91] in [0] : vector<16xf32>, vector<16xi32> -> vector<16xf32>
        %add3A_93 = arith.addf %add3A_83, %gather3A_92 : vector<16xf32>
        %gather3A_94 = vector.shape_cast %reshape3A_90 : vector<16x1xi32> to vector<16xi32>
        %gather3A_95 = tpu.dynamic_gather %add3A_86[%gather3A_94] in [0] : vector<16xf32>, vector<16xi32> -> vector<16xf32>
        %add3A_96 = arith.addf %add3A_86, %gather3A_95 : vector<16xf32>
        %xor3A_97 = arith.constant 4 : i32
        %xor3A_98 = vector.broadcast %xor3A_97 : i32 to vector<16xi32>
        %xor3A_99 = arith.xori %iota3A, %xor3A_98 : vector<16xi32>
        %reshape3A_100 = vector.shape_cast %xor3A_99 : vector<16xi32> to vector<16x1xi32>
        %gather3A_101 = vector.shape_cast %reshape3A_100 : vector<16x1xi32> to vector<16xi32>
        %gather3A_102 = tpu.dynamic_gather %add3A_93[%gather3A_101] in [0] : vector<16xf32>, vector<16xi32> -> vector<16xf32>
        %add3A_103 = arith.addf %add3A_93, %gather3A_102 : vector<16xf32>
        %gather3A_104 = vector.shape_cast %reshape3A_100 : vector<16x1xi32> to vector<16xi32>
        %gather3A_105 = tpu.dynamic_gather %add3A_96[%gather3A_104] in [0] : vector<16xf32>, vector<16xi32> -> vector<16xf32>
        %add3A_106 = arith.addf %add3A_96, %gather3A_105 : vector<16xf32>
        %xor3A_107 = arith.constant 8 : i32
        %xor3A_108 = vector.broadcast %xor3A_107 : i32 to vector<16xi32>
        %xor3A_109 = arith.xori %iota3A, %xor3A_108 : vector<16xi32>
        %reshape3A_110 = vector.shape_cast %xor3A_109 : vector<16xi32> to vector<16x1xi32>
        %gather3A_111 = vector.shape_cast %reshape3A_110 : vector<16x1xi32> to vector<16xi32>
        %gather3A_112 = tpu.dynamic_gather %add3A_103[%gather3A_111] in [0] : vector<16xf32>, vector<16xi32> -> vector<16xf32>
        %add3A_113 = arith.addf %add3A_103, %gather3A_112 : vector<16xf32>
        %gather3A_114 = vector.shape_cast %reshape3A_110 : vector<16x1xi32> to vector<16xi32>
        %gather3A_115 = tpu.dynamic_gather %add3A_106[%gather3A_114] in [0] : vector<16xf32>, vector<16xi32> -> vector<16xf32>
        %add3A_116 = arith.addf %add3A_106, %gather3A_115 : vector<16xf32>
        %mul3A_117 = arith.constant 0.176776692 : f32
        %mul3A_118 = vector.broadcast %mul3A_117 : f32 to vector<16xf32>
        %mul3A_119 = arith.mulf %add3A_113, %mul3A_118 : vector<16xf32>
        %exp3A = math.exp %mul3A_119 : vector<16xf32>
        %mul3A_120 = arith.constant 0.176776692 : f32
        %mul3A_121 = vector.broadcast %mul3A_120 : f32 to vector<16xf32>
        %mul3A_122 = arith.mulf %add3A_116, %mul3A_121 : vector<16xf32>
        %exp3A_123 = math.exp %mul3A_122 : vector<16xf32>
        %get3A_124 = arith.index_cast %scan3A_42 : i32 to index
        %get3A_125 = arith.constant 64 : index
        %get3A_126 = tpu.vector_load %arg11[%get3A_124, %get3A_125] {strides = array<i32>} : memref<128x128xf32, #tpu.memory_space<vmem>>, vector<1x16xf32>,
        %get3A_127 = vector.shape_cast %get3A_126 : vector<1x16xf32> to vector<16xf32>
        %mul3A_128 = arith.mulf %get3A_127, %exp3A : vector<16xf32>
        %swap3A = arith.index_cast %scan3A_42 : i32 to index
        %swap3A_129 = arith.constant 0 : index
        %swap3A_130 = tpu.vector_load %arg12[%swap3A, %swap3A_129] {strides = array<i32>} : memref<128x128xf32, #tpu.memory_space<vmem>>, vector<1x16xf32>,
        %swap3A_131 = vector.shape_cast %swap3A_130 : vector<1x16xf32> to vector<16xf32>
        %swap3A_132 = vector.shape_cast %mul3A_128 : vector<16xf32> to vector<1x16xf32>
        tpu.vector_store %arg12[%swap3A, %swap3A_129], %swap3A_132 {strides = array<i32>} : memref<128x128xf32, #tpu.memory_space<vmem>>, vector<1x16xf32>,
        %get3A_133 = arith.index_cast %scan3A_42 : i32 to index
        %get3A_134 = arith.constant 80 : index
        %get3A_135 = tpu.vector_load %arg11[%get3A_133, %get3A_134] {strides = array<i32>} : memref<128x128xf32, #tpu.memory_space<vmem>>, vector<1x16xf32>,
        %get3A_136 = vector.shape_cast %get3A_135 : vector<1x16xf32> to vector<16xf32>
        %mul3A_137 = arith.mulf %get3A_136, %exp3A : vector<16xf32>
        %swap3A_138 = arith.index_cast %scan3A_42 : i32 to index
        %swap3A_139 = arith.constant 16 : index
        %swap3A_140 = tpu.vector_load %arg12[%swap3A_138, %swap3A_139] {strides = array<i32>} : memref<128x128xf32, #tpu.memory_space<vmem>>, vector<1x16xf32>,
        %swap3A_141 = vector.shape_cast %swap3A_140 : vector<1x16xf32> to vector<16xf32>
        %swap3A_142 = vector.shape_cast %mul3A_137 : vector<16xf32> to vector<1x16xf32>
        tpu.vector_store %arg12[%swap3A_138, %swap3A_139], %swap3A_142 {strides = array<i32>} : memref<128x128xf32, #tpu.memory_space<vmem>>, vector<1x16xf32>,
        %get3A_143 = arith.index_cast %scan3A_42 : i32 to index
        %get3A_144 = arith.constant 96 : index
        %get3A_145 = tpu.vector_load %arg11[%get3A_143, %get3A_144] {strides = array<i32>} : memref<128x128xf32, #tpu.memory_space<vmem>>, vector<1x16xf32>,
        %get3A_146 = vector.shape_cast %get3A_145 : vector<1x16xf32> to vector<16xf32>
        %mul3A_147 = arith.mulf %get3A_146, %exp3A_123 : vector<16xf32>
        %swap3A_148 = arith.index_cast %scan3A_42 : i32 to index
        %swap3A_149 = arith.constant 32 : index
        %swap3A_150 = tpu.vector_load %arg12[%swap3A_148, %swap3A_149] {strides = array<i32>} : memref<128x128xf32, #tpu.memory_space<vmem>>, vector<1x16xf32>,
        %swap3A_151 = vector.shape_cast %swap3A_150 : vector<1x16xf32> to vector<16xf32>
        %swap3A_152 = vector.shape_cast %mul3A_147 : vector<16xf32> to vector<1x16xf32>
        tpu.vector_store %arg12[%swap3A_148, %swap3A_149], %swap3A_152 {strides = array<i32>} : memref<128x128xf32, #tpu.memory_space<vmem>>, vector<1x16xf32>,
        %get3A_153 = arith.index_cast %scan3A_42 : i32 to index
        %get3A_154 = arith.constant 112 : index
        %get3A_155 = tpu.vector_load %arg11[%get3A_153, %get3A_154] {strides = array<i32>} : memref<128x128xf32, #tpu.memory_space<vmem>>, vector<1x16xf32>,
        %get3A_156 = vector.shape_cast %get3A_155 : vector<1x16xf32> to vector<16xf32>
        %mul3A_157 = arith.mulf %get3A_156, %exp3A_123 : vector<16xf32>
        %swap3A_158 = arith.index_cast %scan3A_42 : i32 to index
        %swap3A_159 = arith.constant 48 : index
        %swap3A_160 = tpu.vector_load %arg12[%swap3A_158, %swap3A_159] {strides = array<i32>} : memref<128x128xf32, #tpu.memory_space<vmem>>, vector<1x16xf32>,
        %swap3A_161 = vector.shape_cast %swap3A_160 : vector<1x16xf32> to vector<16xf32>
        %swap3A_162 = vector.shape_cast %mul3A_157 : vector<16xf32> to vector<1x16xf32>
        tpu.vector_store %arg12[%swap3A_158, %swap3A_159], %swap3A_162 {strides = array<i32>} : memref<128x128xf32, #tpu.memory_space<vmem>>, vector<1x16xf32>,
        %eq3A_163 = arith.constant 0 : i32
        %eq3A_164 = vector.broadcast %eq3A_163 : i32 to vector<16xi32>
        %eq3A_165 = arith.cmpi eq, %iota3A, %eq3A_164 : vector<16xi32>
        %eq3A_166 = arith.constant 1 : i32
        %eq3A_167 = vector.broadcast %eq3A_166 : i32 to vector<16xi32>
        %eq3A_168 = arith.cmpi eq, %iota3A, %eq3A_167 : vector<16xi32>
        %jit3A = arith.constant 0.000000e+00 : f32
        %broadcast_in_dim3A = vector.broadcast %jit3A : f32 to vector<16xf32>
        %select_n3A = arith.select %eq3A_168, %exp3A_123, %broadcast_in_dim3A : vector<16xi1>, vector<16xf32>
        %select_n3A_169 = arith.select %eq3A_165, %exp3A, %select_n3A : vector<16xi1>, vector<16xf32>
        %swap3A_170 = arith.index_cast %scan3A_42 : i32 to index
        %swap3A_171 = arith.constant 64 : index
        %swap3A_172 = tpu.vector_load %arg12[%swap3A_170, %swap3A_171] {strides = array<i32>} : memref<128x128xf32, #tpu.memory_space<vmem>>, vector<1x16xf32>,
        %swap3A_173 = vector.shape_cast %swap3A_172 : vector<1x16xf32> to vector<16xf32>
        %swap3A_174 = vector.shape_cast %select_n3A_169 : vector<16xf32> to vector<1x16xf32>
        tpu.vector_store %arg12[%swap3A_170, %swap3A_171], %swap3A_174 {strides = array<i32>} : memref<128x128xf32, #tpu.memory_space<vmem>>, vector<1x16xf32>,
      }
      %scan3A_41 = arith.constant 128 : i32
      "tpu.region"() ({
        %run_scoped3A = tpu.sem_alloc : memref<!tpu.dma_semaphore, #tpu.memory_space<semaphore_mem>>
        %dma_start3A_42 = arith.constant 0 : i32
        %dma_start3A_43 = arith.constant 0 : i32
        %dma_start3A_44 = tpu.memref_slice %arg13[%dma_start3A_42, %dma_start3A_43] : memref<10008x128xf32, #tpu.memory_space<vmem_shared>> -> memref<10008x128xf32, #tpu.memory_space<vmem_shared>>
        tpu.enqueue_indirect_dma source(%arg12 : memref<128x128xf32, #tpu.memory_space<vmem>>) target(%dma_start3A_44 : memref<10008x128xf32, #tpu.memory_space<vmem_shared>>) offsets(%arg9 : memref<128xi32, #tpu.memory_space<vmem>>) semaphore(%run_scoped3A : memref<!tpu.dma_semaphore, #tpu.memory_space<semaphore_mem>>) {add = true}
        %dma_wait3A_45 = arith.constant 0 : i32
        %dma_wait3A_46 = arith.constant 0 : i32
        %dma_wait3A_47 = tpu.memref_slice %arg13[%dma_wait3A_45, %dma_wait3A_46] : memref<10008x128xf32, #tpu.memory_space<vmem_shared>> -> memref<10008x128xf32, #tpu.memory_space<vmem_shared>>
        tpu.wait_indirect_dma semaphore(%run_scoped3A : memref<!tpu.dma_semaphore, #tpu.memory_space<semaphore_mem>>) src(%arg12 : memref<128x128xf32, #tpu.memory_space<vmem>>) dst(%dma_wait3A_47 : memref<10008x128xf32, #tpu.memory_space<vmem_shared>>)
        tpu.yield
      }) : () -> ()
    }
    %scan3A_13 = arith.constant 79 : i32
    %barrier3A_14 = arith.constant 0 : index
    tpu.barrier barrier_id(%barrier3A_14)
    %eq3A_15 = arith.constant 0 : i32
    %eq3A_16 = arith.cmpi eq, %arg1, %eq3A_15 : i32
    %convert_element_type3A_17 = arith.extui %eq3A_16 : i1 to i32
    %cond3A_18 = arith.constant 0 : i32
    %cond3A_19 = arith.cmpi ne, %convert_element_type3A_17, %cond3A_18 : i32
    scf.if %cond3A_19 {
      "tpu.region"() ({
        %run_scoped3A = tpu.sem_alloc : memref<!tpu.dma_semaphore, #tpu.memory_space<semaphore_mem>>
        %dma_start3A = arith.constant 0 : i32
        %dma_start3A_20 = arith.constant 0 : i32
        %dma_start3A_21 = tpu.memref_slice %arg7[%arg0, %dma_start3A, %dma_start3A_20] : memref<2x10008x128xf32, #tpu.memory_space<hbm>> -> memref<1x10008x128xf32, #tpu.memory_space<hbm>>
        %dma_start3A_22 = tpu.memref_squeeze %dma_start3A_21 : memref<1x10008x128xf32, #tpu.memory_space<hbm>> -> memref<10008x128xf32, #tpu.memory_space<hbm>>
        tpu.enqueue_dma source(%arg13 : memref<10008x128xf32, #tpu.memory_space<vmem_shared>>) target(%dma_start3A_22 : memref<10008x128xf32, #tpu.memory_space<hbm>>) target_semaphore(%run_scoped3A : memref<!tpu.dma_semaphore, #tpu.memory_space<semaphore_mem>>)
        %dma_wait3A = arith.constant 0 : i32
        %dma_wait3A_23 = arith.constant 0 : i32
        %dma_wait3A_24 = tpu.memref_slice %arg7[%arg0, %dma_wait3A, %dma_wait3A_23] : memref<2x10008x128xf32, #tpu.memory_space<hbm>> -> memref<1x10008x128xf32, #tpu.memory_space<hbm>>
        %dma_wait3A_25 = tpu.memref_squeeze %dma_wait3A_24 : memref<1x10008x128xf32, #tpu.memory_space<hbm>> -> memref<10008x128xf32, #tpu.memory_space<hbm>>
        tpu.wait_dma2 semaphore(%run_scoped3A : memref<!tpu.dma_semaphore, #tpu.memory_space<semaphore_mem>>) src(%arg13 : memref<10008x128xf32, #tpu.memory_space<vmem_shared>>) dst(%dma_wait3A_25 : memref<10008x128xf32, #tpu.memory_space<hbm>>)
        tpu.yield
      }) : () -> ()
    } else {
    }
    return
  }
}

#map = affine_map<(d0, d1) -> (0, 0)>
#map1 = affine_map<(d0, d1) -> (0)>
#map2 = affine_map<(d0, d1) -> (0, 0, 0)>
module attributes {stable_mosaic.version = 14 : i64} {
  func.func @_sc_agg(%arg0: i32, %arg1: i32, %arg2: memref<10000x128xf32, #tpu.memory_space<hbm>>, %arg3: memref<323584xi32, #tpu.memory_space<hbm>>, %arg4: memref<323584xi32, #tpu.memory_space<hbm>>, %arg5: memref<10008x128xf32, #tpu.memory_space<hbm>>, %arg6: memref<2x10008x128xf32, #tpu.memory_space<hbm>>, %arg7: memref<128xi32, #tpu.memory_space<vmem>>, %arg8: memref<128xi32, #tpu.memory_space<vmem>>, %arg9: memref<128x128xf32, #tpu.memory_space<vmem>>, %arg10: memref<10008x128xf32, #tpu.memory_space<vmem_shared>>, %arg11: memref<!tpu.dma_semaphore, #tpu.memory_space<semaphore_mem>>) attributes {dimension_semantics = [#tpu.dimension_semantics<core_parallel>, #tpu.dimension_semantics<subcore_parallel>], iteration_bounds = array<i64: 2, 16>, scalar_prefetch = 0 : i64, scratch_operands = 5 : i64, tpu.core_type = #tpu.core_type<sc_vector_subcore>, window_params = [{transform_indices = #map}, {transform_indices = #map1}, {transform_indices = #map1}, {transform_indices = #map}, {transform_indices = #map2}]} {
    %mul3A = arith.constant 2 : i32
    %mul3A_0 = arith.muli %arg1, %mul3A : i32
    %add3A = arith.addi %mul3A_0, %arg0 : i32
    %eq3A = arith.constant 0 : i32
    %eq3A_1 = arith.cmpi eq, %arg1, %eq3A : i32
    %convert_element_type3A = arith.extui %eq3A_1 : i1 to i32
    %cond3A = arith.constant 0 : i32
    %cond3A_2 = arith.cmpi ne, %convert_element_type3A, %cond3A : i32
    scf.if %cond3A_2 {
      "tpu.region"() ({
        %run_scoped3A = tpu.sem_alloc : memref<!tpu.dma_semaphore, #tpu.memory_space<semaphore_mem>>
        tpu.enqueue_dma source(%arg5 : memref<10008x128xf32, #tpu.memory_space<hbm>>) target(%arg10 : memref<10008x128xf32, #tpu.memory_space<vmem_shared>>) target_semaphore(%run_scoped3A : memref<!tpu.dma_semaphore, #tpu.memory_space<semaphore_mem>>)
        tpu.wait_dma2 semaphore(%run_scoped3A : memref<!tpu.dma_semaphore, #tpu.memory_space<semaphore_mem>>) src(%arg5 : memref<10008x128xf32, #tpu.memory_space<hbm>>) dst(%arg10 : memref<10008x128xf32, #tpu.memory_space<vmem_shared>>)
        tpu.yield
      }) : () -> ()
    } else {
    }
    %barrier3A = arith.constant 0 : index
    tpu.barrier barrier_id(%barrier3A)
    %scan3A = arith.constant 0 : i32
    %scan3A_3 = arith.constant 0 : i32
    %scan3A_4 = arith.constant 79 : i32
    %scan3A_5 = arith.addi %scan3A_3, %scan3A_4 : i32
    %scan3A_6 = arith.constant 1 : i32
    scf.for %scan3A_14 = %scan3A_3 to %scan3A_5 step %scan3A_6  : i32 {
      %mul3A_15 = arith.constant 79 : i32
      %mul3A_16 = arith.muli %add3A, %mul3A_15 : i32
      %add3A_17 = arith.addi %mul3A_16, %scan3A_14 : i32
      %mul3A_18 = arith.constant 128 : i32
      %mul3A_19 = arith.muli %add3A_17, %mul3A_18 : i32
      "tpu.region"() ({
        %run_scoped3A = tpu.sem_alloc : memref<!tpu.dma_semaphore, #tpu.memory_space<semaphore_mem>>
        %dma_start3A_24 = tpu.memref_slice %arg3[%mul3A_19] : memref<323584xi32, #tpu.memory_space<hbm>> -> memref<128xi32, #tpu.memory_space<hbm>>
        %dma_start3A_25 = tpu.memref_slice %arg3[%mul3A_19] : memref<323584xi32, #tpu.memory_space<hbm>> -> memref<128xi32, #tpu.memory_space<hbm>>
        tpu.enqueue_dma source(%dma_start3A_25 : memref<128xi32, #tpu.memory_space<hbm>>) target(%arg7 : memref<128xi32, #tpu.memory_space<vmem>>) target_semaphore(%run_scoped3A : memref<!tpu.dma_semaphore, #tpu.memory_space<semaphore_mem>>)
        %dma_wait3A_26 = tpu.memref_slice %arg3[%mul3A_19] : memref<323584xi32, #tpu.memory_space<hbm>> -> memref<128xi32, #tpu.memory_space<hbm>>
        %dma_wait3A_27 = tpu.memref_slice %arg3[%mul3A_19] : memref<323584xi32, #tpu.memory_space<hbm>> -> memref<128xi32, #tpu.memory_space<hbm>>
        tpu.wait_dma2 semaphore(%run_scoped3A : memref<!tpu.dma_semaphore, #tpu.memory_space<semaphore_mem>>) src(%dma_wait3A_27 : memref<128xi32, #tpu.memory_space<hbm>>) dst(%arg7 : memref<128xi32, #tpu.memory_space<vmem>>)
        tpu.yield
      }) : () -> ()
      %dma_start3A = arith.constant 0 : i32
      %dma_start3A_20 = arith.constant 0 : i32
      %dma_start3A_21 = tpu.memref_slice %arg2[%dma_start3A, %dma_start3A_20] : memref<10000x128xf32, #tpu.memory_space<hbm>> -> memref<10000x128xf32, #tpu.memory_space<hbm>>
      tpu.enqueue_indirect_dma source(%dma_start3A_21 : memref<10000x128xf32, #tpu.memory_space<hbm>>) target(%arg9 : memref<128x128xf32, #tpu.memory_space<vmem>>) offsets(%arg7 : memref<128xi32, #tpu.memory_space<vmem>>) semaphore(%arg11 : memref<!tpu.dma_semaphore, #tpu.memory_space<semaphore_mem>>)
      %dma_wait3A = arith.constant 0 : i32
      %dma_wait3A_22 = arith.constant 0 : i32
      %dma_wait3A_23 = tpu.memref_slice %arg2[%dma_wait3A, %dma_wait3A_22] : memref<10000x128xf32, #tpu.memory_space<hbm>> -> memref<10000x128xf32, #tpu.memory_space<hbm>>
      tpu.wait_indirect_dma semaphore(%arg11 : memref<!tpu.dma_semaphore, #tpu.memory_space<semaphore_mem>>) src(%dma_wait3A_23 : memref<10000x128xf32, #tpu.memory_space<hbm>>) dst(%arg9 : memref<128x128xf32, #tpu.memory_space<vmem>>)
      "tpu.region"() ({
        %run_scoped3A = tpu.sem_alloc : memref<!tpu.dma_semaphore, #tpu.memory_space<semaphore_mem>>
        %dma_start3A_24 = tpu.memref_slice %arg4[%mul3A_19] : memref<323584xi32, #tpu.memory_space<hbm>> -> memref<128xi32, #tpu.memory_space<hbm>>
        %dma_start3A_25 = tpu.memref_slice %arg4[%mul3A_19] : memref<323584xi32, #tpu.memory_space<hbm>> -> memref<128xi32, #tpu.memory_space<hbm>>
        tpu.enqueue_dma source(%dma_start3A_25 : memref<128xi32, #tpu.memory_space<hbm>>) target(%arg8 : memref<128xi32, #tpu.memory_space<vmem>>) target_semaphore(%run_scoped3A : memref<!tpu.dma_semaphore, #tpu.memory_space<semaphore_mem>>)
        %dma_wait3A_26 = tpu.memref_slice %arg4[%mul3A_19] : memref<323584xi32, #tpu.memory_space<hbm>> -> memref<128xi32, #tpu.memory_space<hbm>>
        %dma_wait3A_27 = tpu.memref_slice %arg4[%mul3A_19] : memref<323584xi32, #tpu.memory_space<hbm>> -> memref<128xi32, #tpu.memory_space<hbm>>
        tpu.wait_dma2 semaphore(%run_scoped3A : memref<!tpu.dma_semaphore, #tpu.memory_space<semaphore_mem>>) src(%dma_wait3A_27 : memref<128xi32, #tpu.memory_space<hbm>>) dst(%arg8 : memref<128xi32, #tpu.memory_space<vmem>>)
        tpu.yield
      }) : () -> ()
      "tpu.region"() ({
        %run_scoped3A = tpu.sem_alloc : memref<!tpu.dma_semaphore, #tpu.memory_space<semaphore_mem>>
        %dma_start3A_24 = arith.constant 0 : i32
        %dma_start3A_25 = arith.constant 0 : i32
        %dma_start3A_26 = tpu.memref_slice %arg10[%dma_start3A_24, %dma_start3A_25] : memref<10008x128xf32, #tpu.memory_space<vmem_shared>> -> memref<10008x128xf32, #tpu.memory_space<vmem_shared>>
        tpu.enqueue_indirect_dma source(%arg9 : memref<128x128xf32, #tpu.memory_space<vmem>>) target(%dma_start3A_26 : memref<10008x128xf32, #tpu.memory_space<vmem_shared>>) offsets(%arg8 : memref<128xi32, #tpu.memory_space<vmem>>) semaphore(%run_scoped3A : memref<!tpu.dma_semaphore, #tpu.memory_space<semaphore_mem>>) {add = true}
        %dma_wait3A_27 = arith.constant 0 : i32
        %dma_wait3A_28 = arith.constant 0 : i32
        %dma_wait3A_29 = tpu.memref_slice %arg10[%dma_wait3A_27, %dma_wait3A_28] : memref<10008x128xf32, #tpu.memory_space<vmem_shared>> -> memref<10008x128xf32, #tpu.memory_space<vmem_shared>>
        tpu.wait_indirect_dma semaphore(%run_scoped3A : memref<!tpu.dma_semaphore, #tpu.memory_space<semaphore_mem>>) src(%arg9 : memref<128x128xf32, #tpu.memory_space<vmem>>) dst(%dma_wait3A_29 : memref<10008x128xf32, #tpu.memory_space<vmem_shared>>)
        tpu.yield
      }) : () -> ()
    }
    %scan3A_7 = arith.constant 79 : i32
    %barrier3A_8 = arith.constant 0 : index
    tpu.barrier barrier_id(%barrier3A_8)
    %eq3A_9 = arith.constant 0 : i32
    %eq3A_10 = arith.cmpi eq, %arg1, %eq3A_9 : i32
    %convert_element_type3A_11 = arith.extui %eq3A_10 : i1 to i32
    %cond3A_12 = arith.constant 0 : i32
    %cond3A_13 = arith.cmpi ne, %convert_element_type3A_11, %cond3A_12 : i32
    scf.if %cond3A_13 {
      "tpu.region"() ({
        %run_scoped3A = tpu.sem_alloc : memref<!tpu.dma_semaphore, #tpu.memory_space<semaphore_mem>>
        %dma_start3A = arith.constant 0 : i32
        %dma_start3A_14 = arith.constant 0 : i32
        %dma_start3A_15 = tpu.memref_slice %arg6[%arg0, %dma_start3A, %dma_start3A_14] : memref<2x10008x128xf32, #tpu.memory_space<hbm>> -> memref<1x10008x128xf32, #tpu.memory_space<hbm>>
        %dma_start3A_16 = tpu.memref_squeeze %dma_start3A_15 : memref<1x10008x128xf32, #tpu.memory_space<hbm>> -> memref<10008x128xf32, #tpu.memory_space<hbm>>
        tpu.enqueue_dma source(%arg10 : memref<10008x128xf32, #tpu.memory_space<vmem_shared>>) target(%dma_start3A_16 : memref<10008x128xf32, #tpu.memory_space<hbm>>) target_semaphore(%run_scoped3A : memref<!tpu.dma_semaphore, #tpu.memory_space<semaphore_mem>>)
        %dma_wait3A = arith.constant 0 : i32
        %dma_wait3A_17 = arith.constant 0 : i32
        %dma_wait3A_18 = tpu.memref_slice %arg6[%arg0, %dma_wait3A, %dma_wait3A_17] : memref<2x10008x128xf32, #tpu.memory_space<hbm>> -> memref<1x10008x128xf32, #tpu.memory_space<hbm>>
        %dma_wait3A_19 = tpu.memref_squeeze %dma_wait3A_18 : memref<1x10008x128xf32, #tpu.memory_space<hbm>> -> memref<10008x128xf32, #tpu.memory_space<hbm>>
        tpu.wait_dma2 semaphore(%run_scoped3A : memref<!tpu.dma_semaphore, #tpu.memory_space<semaphore_mem>>) src(%arg10 : memref<10008x128xf32, #tpu.memory_space<vmem_shared>>) dst(%dma_wait3A_19 : memref<10008x128xf32, #tpu.memory_space<hbm>>)
        tpu.yield
      }) : () -> ()
    } else {
    }
    return
  }
}

#map = affine_map<(d0, d1) -> (0, 0)>
#map1 = affine_map<(d0, d1) -> (0)>
#map2 = affine_map<(d0, d1) -> (0, 0, 0)>
module attributes {stable_mosaic.version = 14 : i64} {
  func.func @_sc_agg(%arg0: i32, %arg1: i32, %arg2: memref<10000x128xf32, #tpu.memory_space<hbm>>, %arg3: memref<323584xi32, #tpu.memory_space<hbm>>, %arg4: memref<323584xi32, #tpu.memory_space<hbm>>, %arg5: memref<10008x128xf32, #tpu.memory_space<hbm>>, %arg6: memref<2x10008x128xf32, #tpu.memory_space<hbm>>, %arg7: memref<128xi32, #tpu.memory_space<vmem>>, %arg8: memref<128xi32, #tpu.memory_space<vmem>>, %arg9: memref<128x128xf32, #tpu.memory_space<vmem>>, %arg10: memref<10008x128xf32, #tpu.memory_space<vmem_shared>>, %arg11: memref<!tpu.dma_semaphore, #tpu.memory_space<semaphore_mem>>) attributes {dimension_semantics = [#tpu.dimension_semantics<core_parallel>, #tpu.dimension_semantics<subcore_parallel>], iteration_bounds = array<i64: 2, 16>, scalar_prefetch = 0 : i64, scratch_operands = 5 : i64, tpu.core_type = #tpu.core_type<sc_vector_subcore>, window_params = [{transform_indices = #map}, {transform_indices = #map1}, {transform_indices = #map1}, {transform_indices = #map}, {transform_indices = #map2}]} {
    %mul3A = arith.constant 2 : i32
    %mul3A_0 = arith.muli %arg1, %mul3A : i32
    %add3A = arith.addi %mul3A_0, %arg0 : i32
    %eq3A = arith.constant 0 : i32
    %eq3A_1 = arith.cmpi eq, %arg1, %eq3A : i32
    %convert_element_type3A = arith.extui %eq3A_1 : i1 to i32
    %cond3A = arith.constant 0 : i32
    %cond3A_2 = arith.cmpi ne, %convert_element_type3A, %cond3A : i32
    scf.if %cond3A_2 {
      "tpu.region"() ({
        %run_scoped3A = tpu.sem_alloc : memref<!tpu.dma_semaphore, #tpu.memory_space<semaphore_mem>>
        tpu.enqueue_dma source(%arg5 : memref<10008x128xf32, #tpu.memory_space<hbm>>) target(%arg10 : memref<10008x128xf32, #tpu.memory_space<vmem_shared>>) target_semaphore(%run_scoped3A : memref<!tpu.dma_semaphore, #tpu.memory_space<semaphore_mem>>)
        tpu.wait_dma2 semaphore(%run_scoped3A : memref<!tpu.dma_semaphore, #tpu.memory_space<semaphore_mem>>) src(%arg5 : memref<10008x128xf32, #tpu.memory_space<hbm>>) dst(%arg10 : memref<10008x128xf32, #tpu.memory_space<vmem_shared>>)
        tpu.yield
      }) : () -> ()
    } else {
    }
    %barrier3A = arith.constant 0 : index
    tpu.barrier barrier_id(%barrier3A)
    %scan3A = arith.constant 0 : i32
    %scan3A_3 = arith.constant 0 : i32
    %scan3A_4 = arith.constant 79 : i32
    %scan3A_5 = arith.addi %scan3A_3, %scan3A_4 : i32
    %scan3A_6 = arith.constant 1 : i32
    scf.for %scan3A_14 = %scan3A_3 to %scan3A_5 step %scan3A_6  : i32 {
      %mul3A_15 = arith.constant 79 : i32
      %mul3A_16 = arith.muli %add3A, %mul3A_15 : i32
      %add3A_17 = arith.addi %mul3A_16, %scan3A_14 : i32
      %mul3A_18 = arith.constant 128 : i32
      %mul3A_19 = arith.muli %add3A_17, %mul3A_18 : i32
      "tpu.region"() ({
        %run_scoped3A = tpu.sem_alloc : memref<!tpu.dma_semaphore, #tpu.memory_space<semaphore_mem>>
        %dma_start3A_24 = tpu.memref_slice %arg3[%mul3A_19] : memref<323584xi32, #tpu.memory_space<hbm>> -> memref<128xi32, #tpu.memory_space<hbm>>
        %dma_start3A_25 = tpu.memref_slice %arg3[%mul3A_19] : memref<323584xi32, #tpu.memory_space<hbm>> -> memref<128xi32, #tpu.memory_space<hbm>>
        tpu.enqueue_dma source(%dma_start3A_25 : memref<128xi32, #tpu.memory_space<hbm>>) target(%arg7 : memref<128xi32, #tpu.memory_space<vmem>>) target_semaphore(%run_scoped3A : memref<!tpu.dma_semaphore, #tpu.memory_space<semaphore_mem>>)
        %dma_wait3A_26 = tpu.memref_slice %arg3[%mul3A_19] : memref<323584xi32, #tpu.memory_space<hbm>> -> memref<128xi32, #tpu.memory_space<hbm>>
        %dma_wait3A_27 = tpu.memref_slice %arg3[%mul3A_19] : memref<323584xi32, #tpu.memory_space<hbm>> -> memref<128xi32, #tpu.memory_space<hbm>>
        tpu.wait_dma2 semaphore(%run_scoped3A : memref<!tpu.dma_semaphore, #tpu.memory_space<semaphore_mem>>) src(%dma_wait3A_27 : memref<128xi32, #tpu.memory_space<hbm>>) dst(%arg7 : memref<128xi32, #tpu.memory_space<vmem>>)
        tpu.yield
      }) : () -> ()
      %dma_start3A = arith.constant 0 : i32
      %dma_start3A_20 = arith.constant 0 : i32
      %dma_start3A_21 = tpu.memref_slice %arg2[%dma_start3A, %dma_start3A_20] : memref<10000x128xf32, #tpu.memory_space<hbm>> -> memref<10000x128xf32, #tpu.memory_space<hbm>>
      tpu.enqueue_indirect_dma source(%dma_start3A_21 : memref<10000x128xf32, #tpu.memory_space<hbm>>) target(%arg9 : memref<128x128xf32, #tpu.memory_space<vmem>>) offsets(%arg7 : memref<128xi32, #tpu.memory_space<vmem>>) semaphore(%arg11 : memref<!tpu.dma_semaphore, #tpu.memory_space<semaphore_mem>>)
      %dma_wait3A = arith.constant 0 : i32
      %dma_wait3A_22 = arith.constant 0 : i32
      %dma_wait3A_23 = tpu.memref_slice %arg2[%dma_wait3A, %dma_wait3A_22] : memref<10000x128xf32, #tpu.memory_space<hbm>> -> memref<10000x128xf32, #tpu.memory_space<hbm>>
      tpu.wait_indirect_dma semaphore(%arg11 : memref<!tpu.dma_semaphore, #tpu.memory_space<semaphore_mem>>) src(%dma_wait3A_23 : memref<10000x128xf32, #tpu.memory_space<hbm>>) dst(%arg9 : memref<128x128xf32, #tpu.memory_space<vmem>>)
      "tpu.region"() ({
        %run_scoped3A = tpu.sem_alloc : memref<!tpu.dma_semaphore, #tpu.memory_space<semaphore_mem>>
        %dma_start3A_24 = tpu.memref_slice %arg4[%mul3A_19] : memref<323584xi32, #tpu.memory_space<hbm>> -> memref<128xi32, #tpu.memory_space<hbm>>
        %dma_start3A_25 = tpu.memref_slice %arg4[%mul3A_19] : memref<323584xi32, #tpu.memory_space<hbm>> -> memref<128xi32, #tpu.memory_space<hbm>>
        tpu.enqueue_dma source(%dma_start3A_25 : memref<128xi32, #tpu.memory_space<hbm>>) target(%arg8 : memref<128xi32, #tpu.memory_space<vmem>>) target_semaphore(%run_scoped3A : memref<!tpu.dma_semaphore, #tpu.memory_space<semaphore_mem>>)
        %dma_wait3A_26 = tpu.memref_slice %arg4[%mul3A_19] : memref<323584xi32, #tpu.memory_space<hbm>> -> memref<128xi32, #tpu.memory_space<hbm>>
        %dma_wait3A_27 = tpu.memref_slice %arg4[%mul3A_19] : memref<323584xi32, #tpu.memory_space<hbm>> -> memref<128xi32, #tpu.memory_space<hbm>>
        tpu.wait_dma2 semaphore(%run_scoped3A : memref<!tpu.dma_semaphore, #tpu.memory_space<semaphore_mem>>) src(%dma_wait3A_27 : memref<128xi32, #tpu.memory_space<hbm>>) dst(%arg8 : memref<128xi32, #tpu.memory_space<vmem>>)
        tpu.yield
      }) : () -> ()
      "tpu.region"() ({
        %run_scoped3A = tpu.sem_alloc : memref<!tpu.dma_semaphore, #tpu.memory_space<semaphore_mem>>
        %dma_start3A_24 = arith.constant 0 : i32
        %dma_start3A_25 = arith.constant 0 : i32
        %dma_start3A_26 = tpu.memref_slice %arg10[%dma_start3A_24, %dma_start3A_25] : memref<10008x128xf32, #tpu.memory_space<vmem_shared>> -> memref<10008x128xf32, #tpu.memory_space<vmem_shared>>
        tpu.enqueue_indirect_dma source(%arg9 : memref<128x128xf32, #tpu.memory_space<vmem>>) target(%dma_start3A_26 : memref<10008x128xf32, #tpu.memory_space<vmem_shared>>) offsets(%arg8 : memref<128xi32, #tpu.memory_space<vmem>>) semaphore(%run_scoped3A : memref<!tpu.dma_semaphore, #tpu.memory_space<semaphore_mem>>) {add = true}
        %dma_wait3A_27 = arith.constant 0 : i32
        %dma_wait3A_28 = arith.constant 0 : i32
        %dma_wait3A_29 = tpu.memref_slice %arg10[%dma_wait3A_27, %dma_wait3A_28] : memref<10008x128xf32, #tpu.memory_space<vmem_shared>> -> memref<10008x128xf32, #tpu.memory_space<vmem_shared>>
        tpu.wait_indirect_dma semaphore(%run_scoped3A : memref<!tpu.dma_semaphore, #tpu.memory_space<semaphore_mem>>) src(%arg9 : memref<128x128xf32, #tpu.memory_space<vmem>>) dst(%dma_wait3A_29 : memref<10008x128xf32, #tpu.memory_space<vmem_shared>>)
        tpu.yield
      }) : () -> ()
    }
    %scan3A_7 = arith.constant 79 : i32
    %barrier3A_8 = arith.constant 0 : index
    tpu.barrier barrier_id(%barrier3A_8)
    %eq3A_9 = arith.constant 0 : i32
    %eq3A_10 = arith.cmpi eq, %arg1, %eq3A_9 : i32
    %convert_element_type3A_11 = arith.extui %eq3A_10 : i1 to i32
    %cond3A_12 = arith.constant 0 : i32
    %cond3A_13 = arith.cmpi ne, %convert_element_type3A_11, %cond3A_12 : i32
    scf.if %cond3A_13 {
      "tpu.region"() ({
        %run_scoped3A = tpu.sem_alloc : memref<!tpu.dma_semaphore, #tpu.memory_space<semaphore_mem>>
        %dma_start3A = arith.constant 0 : i32
        %dma_start3A_14 = arith.constant 0 : i32
        %dma_start3A_15 = tpu.memref_slice %arg6[%arg0, %dma_start3A, %dma_start3A_14] : memref<2x10008x128xf32, #tpu.memory_space<hbm>> -> memref<1x10008x128xf32, #tpu.memory_space<hbm>>
        %dma_start3A_16 = tpu.memref_squeeze %dma_start3A_15 : memref<1x10008x128xf32, #tpu.memory_space<hbm>> -> memref<10008x128xf32, #tpu.memory_space<hbm>>
        tpu.enqueue_dma source(%arg10 : memref<10008x128xf32, #tpu.memory_space<vmem_shared>>) target(%dma_start3A_16 : memref<10008x128xf32, #tpu.memory_space<hbm>>) target_semaphore(%run_scoped3A : memref<!tpu.dma_semaphore, #tpu.memory_space<semaphore_mem>>)
        %dma_wait3A = arith.constant 0 : i32
        %dma_wait3A_17 = arith.constant 0 : i32
        %dma_wait3A_18 = tpu.memref_slice %arg6[%arg0, %dma_wait3A, %dma_wait3A_17] : memref<2x10008x128xf32, #tpu.memory_space<hbm>> -> memref<1x10008x128xf32, #tpu.memory_space<hbm>>
        %dma_wait3A_19 = tpu.memref_squeeze %dma_wait3A_18 : memref<1x10008x128xf32, #tpu.memory_space<hbm>> -> memref<10008x128xf32, #tpu.memory_space<hbm>>
        tpu.wait_dma2 semaphore(%run_scoped3A : memref<!tpu.dma_semaphore, #tpu.memory_space<semaphore_mem>>) src(%arg10 : memref<10008x128xf32, #tpu.memory_space<vmem_shared>>) dst(%dma_wait3A_19 : memref<10008x128xf32, #tpu.memory_space<hbm>>)
        tpu.yield
      }) : () -> ()
    } else {
    }
    return
  }
}

module attributes {stable_mosaic.version = 14 : i64} {
  func.func @_mm_body(%arg0: i32, %arg1: memref<1024x128xf32, #tpu.memory_space<vmem>>, %arg2: memref<128x256xf32, #tpu.memory_space<vmem>>, %arg3: memref<1024x256xf32, #tpu.memory_space<vmem>>) attributes {dimension_semantics = [#tpu.dimension_semantics<arbitrary>], iteration_bounds = array<i64: 10>, scalar_prefetch = 0 : i64, scratch_operands = 0 : i64, tpu.core_type = #tpu.core_type<tc>, window_params = [{transform_indices = @transform_0, window_bounds = array<i64: 1024, 128>}, {pipeline_mode = #tpu.pipeline_mode<synchronous>, transform_indices = @transform_1, window_bounds = array<i64: 128, 256>}, {transform_indices = @transform_2, window_bounds = array<i64: 1024, 256>}]} {
    %get3A = arith.constant 0 : index
    %get3A_0 = arith.constant 0 : index
    %get3A_1 = vector.load %arg1[%get3A, %get3A_0] : memref<1024x128xf32, #tpu.memory_space<vmem>>, vector<1024x128xf32>
    %get3A_2 = arith.constant 0 : index
    %get3A_3 = arith.constant 0 : index
    %get3A_4 = vector.load %arg2[%get3A_2, %get3A_3] : memref<128x256xf32, #tpu.memory_space<vmem>>, vector<128x256xf32>
    %dot_general3A = arith.constant dense<0.000000e+00> : vector<1024x256xf32>
    %dot_general3A_5 = tpu.matmul %get3A_1, %get3A_4, %dot_general3A {dimension_numbers = #tpu.dot_dimension_numbers<[1], [0], [0], [1], [0, 0, 1, 1], [], []>, precision = #tpu.contract_precision<fp32>, transpose_lhs_hint = false} : vector<1024x128xf32>, vector<128x256xf32>, vector<1024x256xf32> -> vector<1024x256xf32>
    %swap3A = arith.constant 0 : index
    %swap3A_6 = arith.constant 0 : index
    %swap3A_7 = vector.load %arg3[%swap3A, %swap3A_6] : memref<1024x256xf32, #tpu.memory_space<vmem>>, vector<1024x256xf32>
    tpu.vector_store %arg3[%swap3A, %swap3A_6], %dot_general3A_5 {strides = array<i32>} : memref<1024x256xf32, #tpu.memory_space<vmem>>, vector<1024x256xf32>,
    return
  }
  func.func @transform_0(%arg0: i32) -> (i32, i32) {
    %c0_i32 = arith.constant 0 : i32
    %c0_i32_0 = arith.constant 0 : i32
    return %arg0, %c0_i32 : i32, i32
  }
  func.func @transform_1(%arg0: i32) -> (i32, i32) {
    %c0_i32 = arith.constant 0 : i32
    %c0_i32_0 = arith.constant 0 : i32
    %c0_i32_1 = arith.constant 0 : i32
    return %c0_i32, %c0_i32_0 : i32, i32
  }
  func.func @transform_2(%arg0: i32) -> (i32, i32) {
    %c0_i32 = arith.constant 0 : i32
    %c0_i32_0 = arith.constant 0 : i32
    return %arg0, %c0_i32 : i32, i32
  }
}

module attributes {stable_mosaic.version = 14 : i64} {
  func.func @_mm_body(%arg0: i32, %arg1: memref<1024x64xf32, #tpu.memory_space<vmem>>, %arg2: memref<64x256xf32, #tpu.memory_space<vmem>>, %arg3: memref<1024x256xf32, #tpu.memory_space<vmem>>) attributes {dimension_semantics = [#tpu.dimension_semantics<arbitrary>], iteration_bounds = array<i64: 10>, scalar_prefetch = 0 : i64, scratch_operands = 0 : i64, tpu.core_type = #tpu.core_type<tc>, window_params = [{transform_indices = @transform_0, window_bounds = array<i64: 1024, 64>}, {pipeline_mode = #tpu.pipeline_mode<synchronous>, transform_indices = @transform_1, window_bounds = array<i64: 64, 256>}, {transform_indices = @transform_2, window_bounds = array<i64: 1024, 256>}]} {
    %get3A = arith.constant 0 : index
    %get3A_0 = arith.constant 0 : index
    %get3A_1 = vector.load %arg1[%get3A, %get3A_0] : memref<1024x64xf32, #tpu.memory_space<vmem>>, vector<1024x64xf32>
    %get3A_2 = arith.constant 0 : index
    %get3A_3 = arith.constant 0 : index
    %get3A_4 = vector.load %arg2[%get3A_2, %get3A_3] : memref<64x256xf32, #tpu.memory_space<vmem>>, vector<64x256xf32>
    %dot_general3A = arith.constant dense<0.000000e+00> : vector<1024x256xf32>
    %dot_general3A_5 = tpu.matmul %get3A_1, %get3A_4, %dot_general3A {dimension_numbers = #tpu.dot_dimension_numbers<[1], [0], [0], [1], [0, 0, 1, 1], [], []>, precision = #tpu.contract_precision<fp32>, transpose_lhs_hint = false} : vector<1024x64xf32>, vector<64x256xf32>, vector<1024x256xf32> -> vector<1024x256xf32>
    %swap3A = arith.constant 0 : index
    %swap3A_6 = arith.constant 0 : index
    %swap3A_7 = vector.load %arg3[%swap3A, %swap3A_6] : memref<1024x256xf32, #tpu.memory_space<vmem>>, vector<1024x256xf32>
    tpu.vector_store %arg3[%swap3A, %swap3A_6], %dot_general3A_5 {strides = array<i32>} : memref<1024x256xf32, #tpu.memory_space<vmem>>, vector<1024x256xf32>,
    return
  }
  func.func @transform_0(%arg0: i32) -> (i32, i32) {
    %c0_i32 = arith.constant 0 : i32
    %c0_i32_0 = arith.constant 0 : i32
    return %arg0, %c0_i32 : i32, i32
  }
  func.func @transform_1(%arg0: i32) -> (i32, i32) {
    %c0_i32 = arith.constant 0 : i32
    %c0_i32_0 = arith.constant 0 : i32
    %c0_i32_1 = arith.constant 0 : i32
    return %c0_i32, %c0_i32_0 : i32, i32
  }
  func.func @transform_2(%arg0: i32) -> (i32, i32) {
    %c0_i32 = arith.constant 0 : i32
    %c0_i32_0 = arith.constant 0 : i32
    return %arg0, %c0_i32 : i32, i32
  }
}

module attributes {stable_mosaic.version = 14 : i64} {
  func.func @_mm_body(%arg0: i32, %arg1: memref<1024x128xf32, #tpu.memory_space<vmem>>, %arg2: memref<128x128xf32, #tpu.memory_space<vmem>>, %arg3: memref<1024x128xf32, #tpu.memory_space<vmem>>) attributes {dimension_semantics = [#tpu.dimension_semantics<arbitrary>], iteration_bounds = array<i64: 10>, scalar_prefetch = 0 : i64, scratch_operands = 0 : i64, tpu.core_type = #tpu.core_type<tc>, window_params = [{transform_indices = @transform_0, window_bounds = array<i64: 1024, 128>}, {pipeline_mode = #tpu.pipeline_mode<synchronous>, transform_indices = @transform_1, window_bounds = array<i64: 128, 128>}, {transform_indices = @transform_2, window_bounds = array<i64: 1024, 128>}]} {
    %get3A = arith.constant 0 : index
    %get3A_0 = arith.constant 0 : index
    %get3A_1 = vector.load %arg1[%get3A, %get3A_0] : memref<1024x128xf32, #tpu.memory_space<vmem>>, vector<1024x128xf32>
    %get3A_2 = arith.constant 0 : index
    %get3A_3 = arith.constant 0 : index
    %get3A_4 = vector.load %arg2[%get3A_2, %get3A_3] : memref<128x128xf32, #tpu.memory_space<vmem>>, vector<128x128xf32>
    %dot_general3A = arith.constant dense<0.000000e+00> : vector<1024x128xf32>
    %dot_general3A_5 = tpu.matmul %get3A_1, %get3A_4, %dot_general3A {dimension_numbers = #tpu.dot_dimension_numbers<[1], [0], [0], [1], [0, 0, 1, 1], [], []>, precision = #tpu.contract_precision<fp32>, transpose_lhs_hint = false} : vector<1024x128xf32>, vector<128x128xf32>, vector<1024x128xf32> -> vector<1024x128xf32>
    %swap3A = arith.constant 0 : index
    %swap3A_6 = arith.constant 0 : index
    %swap3A_7 = vector.load %arg3[%swap3A, %swap3A_6] : memref<1024x128xf32, #tpu.memory_space<vmem>>, vector<1024x128xf32>
    tpu.vector_store %arg3[%swap3A, %swap3A_6], %dot_general3A_5 {strides = array<i32>} : memref<1024x128xf32, #tpu.memory_space<vmem>>, vector<1024x128xf32>,
    return
  }
  func.func @transform_0(%arg0: i32) -> (i32, i32) {
    %c0_i32 = arith.constant 0 : i32
    %c0_i32_0 = arith.constant 0 : i32
    return %arg0, %c0_i32 : i32, i32
  }
  func.func @transform_1(%arg0: i32) -> (i32, i32) {
    %c0_i32 = arith.constant 0 : i32
    %c0_i32_0 = arith.constant 0 : i32
    %c0_i32_1 = arith.constant 0 : i32
    return %c0_i32, %c0_i32_0 : i32, i32
  }
  func.func @transform_2(%arg0: i32) -> (i32, i32) {
    %c0_i32 = arith.constant 0 : i32
    %c0_i32_0 = arith.constant 0 : i32
    return %arg0, %c0_i32 : i32, i32
  }
}

module attributes {stable_mosaic.version = 14 : i64} {
  func.func @_mm_body(%arg0: i32, %arg1: memref<256x10240xf32, #tpu.memory_space<vmem>>, %arg2: memref<10240x65xf32, #tpu.memory_space<vmem>>, %arg3: memref<256x65xf32, #tpu.memory_space<vmem>>) attributes {dimension_semantics = [#tpu.dimension_semantics<arbitrary>], iteration_bounds = array<i64: 1>, scalar_prefetch = 0 : i64, scratch_operands = 0 : i64, tpu.core_type = #tpu.core_type<tc>, window_params = [{transform_indices = @transform_0, window_bounds = array<i64: 256, 10240>}, {pipeline_mode = #tpu.pipeline_mode<synchronous>, transform_indices = @transform_1, window_bounds = array<i64: 10240, 65>}, {transform_indices = @transform_2, window_bounds = array<i64: 256, 65>}]} {
    %get3A = arith.constant 0 : index
    %get3A_0 = arith.constant 0 : index
    %get3A_1 = vector.load %arg1[%get3A, %get3A_0] : memref<256x10240xf32, #tpu.memory_space<vmem>>, vector<256x10240xf32>
    %get3A_2 = arith.constant 0 : index
    %get3A_3 = arith.constant 0 : index
    %get3A_4 = vector.load %arg2[%get3A_2, %get3A_3] : memref<10240x65xf32, #tpu.memory_space<vmem>>, vector<10240x65xf32>
    %dot_general3A = arith.constant dense<0.000000e+00> : vector<256x65xf32>
    %dot_general3A_5 = tpu.matmul %get3A_1, %get3A_4, %dot_general3A {dimension_numbers = #tpu.dot_dimension_numbers<[1], [0], [0], [1], [0, 0, 1, 1], [], []>, precision = #tpu.contract_precision<fp32>, transpose_lhs_hint = false} : vector<256x10240xf32>, vector<10240x65xf32>, vector<256x65xf32> -> vector<256x65xf32>
    %swap3A = arith.constant 0 : index
    %swap3A_6 = arith.constant 0 : index
    %swap3A_7 = vector.load %arg3[%swap3A, %swap3A_6] : memref<256x65xf32, #tpu.memory_space<vmem>>, vector<256x65xf32>
    tpu.vector_store %arg3[%swap3A, %swap3A_6], %dot_general3A_5 {strides = array<i32>} : memref<256x65xf32, #tpu.memory_space<vmem>>, vector<256x65xf32>,
    return
  }
  func.func @transform_0(%arg0: i32) -> (i32, i32) {
    %c0_i32 = arith.constant 0 : i32
    %c0_i32_0 = arith.constant 0 : i32
    return %arg0, %c0_i32 : i32, i32
  }
  func.func @transform_1(%arg0: i32) -> (i32, i32) {
    %c0_i32 = arith.constant 0 : i32
    %c0_i32_0 = arith.constant 0 : i32
    %c0_i32_1 = arith.constant 0 : i32
    return %c0_i32, %c0_i32_0 : i32, i32
  }
  func.func @transform_2(%arg0: i32) -> (i32, i32) {
    %c0_i32 = arith.constant 0 : i32
    %c0_i32_0 = arith.constant 0 : i32
    return %arg0, %c0_i32 : i32, i32
  }
}

</mosaic_0001>

<sc_bundles>
// kernel: kernel.16.cloned.1.call-start
scs
__scs_entry_jumppad:
0x0: {  	(pc) =	sbr.rel $0x88, $3  }
0x1: {  	(tag) =	ssettag $0x0;
	lr =	simm.s32 $0x1  }
0x2: {  	[smem:$0x3F7D] =	sst lr;
	_ =	strace $0xD0000000  }
0x3: {  	_ = 	snop  }
0x4: {  	_ = 	snop  }
0x5: {  	_ = 	snop  }
0x6: {  	_ = 	snop  }
0x7: {  	_ = 	snop  }
__scs_overlays_trampoline_lowered:
0x8: {  	[smem:$0x3F8C] =	sst s0  }
0x9: {  	[smem:$0x3F8D] =	sst s1  }
0xa: {  	[smem:$0x3F8E] =	sst s2  }
0xb: {  	[smem:$0x3F8F] =	sst s3  }
0xc: {  	[smem:$0x3F90] =	sst s4  }
0xd: {  	[smem:$0x3F91] =	sst s5  }
0xe: {  	[smem:$0x3F92] =	sst s6  }
0xf: {  	[smem:$0x3F93] =	sst s7  }
0x10: {  	[smem:$0x3F94] =	sst s8  }
0x11: {  	[smem:$0x3F95] =	sst s9;
	s0 =	simm.s32 @!p0 $0x0  }
0x12: {  	s1 =	sld [smem:$0x3F7B];
	s0 =	simm.s32 @p0 $0x1  }
0x13: {  	[smem:$0x3F96] =	sst s0;
	s0 =	simm.s32 @!p1 $0x0  }
0x14: {  	s2 =	sld [smem:$0x3F7A];
	s0 =	simm.s32 @p1 $0x1  }
0x15: {  	[smem:$0x3F97] =	sst s0;
	s0 =	simm.s32 @!p2 $0x0  }
0x16: {  	s3 =	sld [smem:$0x3FDB];
	s0 =	simm.s32 @p2 $0x1  }
0x17: {  	s4 =	simm.s32 $0x1BF5;
	[smem:$0x3F99] =	sst s0  }
0x18: {  	s0 =	sld [smem:$0x3F7C];
	_ =	swait.ge [sflag:s4], $0x0  }
0x19: {  	s7 =	sld [smem:$0x3F7D]  }
0x1a: {  	s8 =	sadd.s32 $0xFFFFE003, lr  }
0x1b: {  	s9 =	sadd.s32 $0xFFFFFEF7, lr;
	s5 =	simm.s32 $0xFFFFFFFF;
	p2 =	slt.u32 s8, $0xFFFFF086  }
0x1c: {  	p1 =	slt.u32 s9, $0xF7A;
	s5 =	simm.s32 @!p2 $0x0  }
0x1d: {  	s5 =	simm.s32 @p1 $0x1;
	p0 =	seq.s32 s7, s2  }
0x1e: {  	s7 =	smul.u32 @!p0 $0xF7A, s2;
	p2 =	seq.s32 @!p0 s5, $0x0  }
0x1f: {  	s9 =	smul.u32 $0xF7A, s1;
	s8 =	simm.s32 @!p0 $0x1BF5;
	p2 =	por !p2, p0  }
0x20: {  	[sflag:s8] =	ssyncset.s32 @!p0 $0xFFFFF086;
	s6 =	sadd.s32 @!p0 s3, s7;
	s7 =	simm.s32 @!p0 $0x108  }
0x21: {  	s3 =	sadd.s32 s3, s9;
	s6 =	sadd.s32 @!p0 $0x88, s6;
	s7 =	simm.s32 @p2 $0x1082  }
0x22: {  	[simem:s7], [sflag:s8] =	dma.local @!p0 [hbm:s6], $0xF7A  }
0x23: {  	s9 =	sor.u32 $0xD0000000, s2;
	s6 =	simm.s32 $0x108;
	_ =	swait.ge @!p0 [sflag:s8], $0x0  }
0x24: {  	s3 =	sadd.s32 $0x88, s3;
	s6 =	simm.s32 @!p1 $0x1082;
	[sflag:s4] =	ssyncset.s32 $0xFFFFF086  }
0x25: {  	[simem:s6], [sflag:s4] =	dma.local [hbm:s3], $0xF7A  }
0x26: {  	[smem:$0x3F7D] =	sst s1;
	(tag) =	ssettag s2;
	_ =	strace s9  }
0x27: {  	s1 =	sld [smem:$0x3F8D]  }
0x28: {  	s2 =	sld [smem:$0x3F8E]  }
0x29: {  	s4 =	sld [smem:$0x3F90]  }
0x2a: {  	p0 =	seq.s32 s5, $0x0;
	s5 =	sld [smem:$0x3F91]  }
0x2b: {  	s6 =	sld [smem:$0x3F92]  }
0x2c: {  	s7 =	sld [smem:$0x3F93]  }
0x2d: {  	s3 =	simm.s32 $0x108;
	s8 =	sld [smem:$0x3F94]  }
0x2e: {  	s3 =	simm.s32 @!p0 $0x1082;
	s9 =	sld [smem:$0x3F95]  }
0x2f: {  	lr =	sadd.s32 s0, s3;
	s0 =	sld [smem:$0x3F8C]  }
0x30: {  	s3 =	sld [smem:$0x3F8F]  }
0x31: {  	[smem:$0x3F98] =	sst s10  }
0x32: {  	s10 =	sld [smem:$0x3F96];
	_ =	sdelay $0x3  }
0x33: {  	p0 =	seq.s32 s10, $0x1;
	s10 =	sld [smem:$0x3F98];
	_ =	sdelay $0x3  }
0x34: {  	[smem:$0x3F98] =	sst s10  }
0x35: {  	s10 =	sld [smem:$0x3F97];
	_ =	sdelay $0x3  }
0x36: {  	p1 =	seq.s32 s10, $0x1;
	s10 =	sld [smem:$0x3F98];
	_ =	sdelay $0x3  }
0x37: {  	[smem:$0x3F98] =	sst s10  }
0x38: {  	s10 =	sld [smem:$0x3F99]  }
0x39: {  	_ = 	snop;
	(pc) =	sbr.ind lr, $3  }
0x3a: {  	_ = 	snop  }
0x3b: {  	_ = 	snop  }
0x3c: {  	p2 =	seq.s32 s10, $0x1;
	s10 =	sld [smem:$0x3F98]  }
0x3d: {  	_ =	shalt  }
0x3e: {  	_ =	shalt  }
0x3f: {  	_ =	shalt  }
0x40: {  	_ =	shalt  }
0x41: {  	_ =	shalt  }
0x42: {  	_ =	shalt  }
0x43: {  	_ =	shalt  }
0x44: {  	_ =	shalt  }
0x45: {  	_ =	shalt  }
0x46: {  	_ =	shalt  }
0x47: {  	_ =	shalt  }
0x48: {  	_ =	shalt  }
0x49: {  	_ =	shalt  }
0x4a: {  	_ =	shalt  }
0x4b: {  	_ =	shalt  }
0x4c: {  	_ =	shalt  }
0x4d: {  	_ =	shalt  }
0x4e: {  	_ =	shalt  }
0x4f: {  	_ =	shalt  }
0x50: {  	_ =	shalt  }
0x51: {  	_ =	shalt  }
0x52: {  	_ =	shalt  }
0x53: {  	_ =	shalt  }
0x54: {  	_ =	shalt  }
0x55: {  	_ =	shalt  }
0x56: {  	_ =	shalt  }
0x57: {  	_ =	shalt  }
0x58: {  	_ =	shalt  }
0x59: {  	_ =	shalt  }
0x5a: {  	_ =	shalt  }
0x5b: {  	_ =	shalt  }
0x5c: {  	_ =	shalt  }
0x5d: {  	_ =	shalt  }
0x5e: {  	_ =	shalt  }
0x5f: {  	_ =	shalt  }
0x60: {  	_ =	shalt  }
0x61: {  	_ =	shalt  }
0x62: {  	_ =	shalt  }
0x63: {  	_ =	shalt  }
0x64: {  	_ =	shalt  }
0x65: {  	_ =	shalt  }
0x66: {  	_ =	shalt  }
0x67: {  	_ =	shalt  }
0x68: {  	_ =	shalt  }
0x69: {  	_ =	shalt  }
0x6a: {  	_ =	shalt  }
0x6b: {  	_ =	shalt  }
0x6c: {  	_ =	shalt  }
0x6d: {  	_ =	shalt  }
0x6e: {  	_ =	shalt  }
0x6f: {  	_ =	shalt  }
0x70: {  	_ =	shalt  }
0x71: {  	_ =	shalt  }
0x72: {  	_ =	shalt  }
0x73: {  	_ =	shalt  }
0x74: {  	_ =	shalt  }
0x75: {  	_ =	shalt  }
0x76: {  	_ =	shalt  }
0x77: {  	_ =	shalt  }
0x78: {  	_ =	shalt  }
0x79: {  	_ =	shalt  }
0x7a: {  	_ =	shalt  }
0x7b: {  	_ =	shalt  }
0x7c: {  	_ =	shalt  }
0x7d: {  	_ =	shalt  }
0x7e: {  	_ =	shalt  }
0x7f: {  	_ =	shalt  }
0x80: {  	_ =	shalt  }
0x81: {  	_ =	shalt  }
0x82: {  	_ =	shalt  }
0x83: {  	_ =	shalt  }
0x84: {  	_ =	shalt  }
0x85: {  	_ =	shalt  }
0x86: {  	_ =	shalt  }
0x87: {  	_ =	shalt  }
.Lfunc_end0:
.L_simem_size_0:
called_computation_lowered:
.L_overlay_start_0:
0x88: {  	s2 =	sld [smem:$0x3FD9]  }
0x89: {  	s3 =	sld [smem:$0x3FFE];
	_ =	sdelay $0x1  }
0x8a: {  	s1 =	srdreg.scid  }
0x8b: {  	s0 =	sand.u32 $0x1, s1  }
0x8c: {  	s16 =	sshll.u32 s0, $0xA;
	s2 =	sadd.s32 s3, s2  }
0x8d: {  	s2 =	sadd.s32 s2, s16  }
0x8e: {  	[smem:$0x3FA4] =	sst s2  }
0x8f: {  	_ = 	snop  }
0x90: {  	(tm) =	ssettm $0x1  }
0x91: {  	s17 =	sld [smem:$0x3FFB];
	_ =	sdelay $0x3  }
0x92: {  	_ =	strace s17  }
0x93: {  	s2 =	sld [smem:$0x3FFC];
	_ =	sdelay $0x3  }
0x94: {  	_ =	strace s2  }
0x95: {  	s2 =	sld [smem:$0x3FFD];
	_ =	sdelay $0x3  }
0x96: {  	_ =	strace s2  }
0x97: {  	_ =	strace $0x8FFFFFFF  }
0x98: {  	s18 =	sld [smem:$0x3FDB];
	_ =	sdelay $0x1  }
0x99: {  	s19 =	simm.s32 $_scs_section_size  }
0x9a: {  	s4 =	simm.s32 $_size__tile_overlayer_lowered;
	s5 =	simm.s32 $_tile_overlayer_lowered  }
0x9b: {  	s22 =	simm.s32 $0x1BFF;
	s21 =	sshll.u32 s5, $0x1;
	s2 =	sadd.s32 s19, s18  }
0x9c: {  	s6 =	simm.s32 $0x0;
	s20 =	sshll.u32 s4, $0x1;
	s4 =	sadd.s32 s21, s2  }
0x9d: {  	[timem:s6], [sflag:s22] =	dma.local [hbm:s4], s20  }
0x9e: {  	_ =	swait.ge [sflag:s22], s20  }
0x9f: {  	s3 =	ssub.s32 $0x0, s20;
	[sflag:s22] =	ssyncset.done $0x0  }
0xa0: {  	[sflag:s22] =	ssyncadd.s32 s3;
	_ =	sdelay $0x1  }
0xa1: {  	s23 =	simm.s32 $0x1B8B  }
0xa2: {  	_ =	swait.ge [sflag:s23], $0x1  }
0xa3: {  	[sflag:s23] =	ssyncset.done $0x0  }
0xa4: {  	s25 =	simm.s32 $0x1B8E;
	s24 =	sld [smem:$0x3FFE];
	[sflag:s23] =	ssyncadd.s32 $0xFFFFFFFF  }
0xa5: {  	s26 =	simm.s32 $execute0_lowered;
	[smem:$0x3FD2] =	sst s25  }
0xa6: {  	s4 =	sshll.u32 s26, $0x1;
	_ =	strace $0x80000046;
	[dreg:$0x1] =	wrdreg $0xFFFFFFFF  }
0xa7: {  	s28 =	simm.s32 $_size_execute0_lowered;
	s2 =	sadd.s32 s2, s4;
	[dreg:$0x0] =	wrdreg $0x0  }
0xa8: {  	s4 =	sshll.u32 s28, $0x1;
	[dreg:$0x2] =	wrdreg s2  }
0xa9: {  	[dreg:$0x3] =	wrdreg s4  }
0xaa: {  	[dreg:$0x4] =	wrdreg $0xC0  }
0xab: {  	_ =	task [dreg:s6], $0x5FFFF  }
0xac: {  	[dreg:$0x1] =	wrdreg $0xFFFFFFFF  }
0xad: {  	[dreg:$0x0] =	wrdreg $0x60  }
0xae: {  	[dreg:$0x2] =	wrdreg s24  }
0xaf: {  	[dreg:$0x3] =	wrdreg $0xC1000  }
0xb0: {  	[dreg:$0x4] =	wrdreg $0x9  }
0xb1: {  	_ =	task.clear_ibuf [dreg:s6], $0x5FFFF;
	_ =	strace $0x90000046  }
0xb2: {  	s29 =	simm.s32 $0x9;
	_ =	strace $0x80000048  }
0xb3: {  	_ =	swait.ge [sflag:s29], $0x1  }
0xb4: {  	[sflag:s29] =	ssyncadd.s32 $0xFFFFFFFF  }
0xb5: {  	_ =	strace $0x90000048  }
0xb6: {  	_ =	sfence  }
0xb7: {  	s30 =	sld [smem:$0x0];
	_ =	sdelay $0x2  }
0xb8: {  	s31 =	sshll.u32 s1, $0xD;
	s1 =	sshrl.u32 s1, $0x2  }
0xb9: {  	s3 =	sand.u32 $0x4000, s31;
	s1 =	sadd.s32 s1, s30  }
0xba: {  	s0 =	sor.u32 s3, s0;
	s1 =	sshll.u32 s1, $0x11  }
0xbb: {  	s0 =	sor.u32 s1, s0  }
0xbc: {  	s0 =	sadd.s32 $0x8F2B, s0  }
0xbd: {  	[sflag:s0] =	ssyncadd.remote.s32 $0x1  }
0xbe: {  	_ =	sfence.sel $0xFFFF  }
0xbf: {  	[dreg:$0x0] =	wrdreg $0xFFFFFFFF;
	(pc) =	sbr.abs _section_cstart, $3  }
0xc0: {  	[dreg:$0x1] =	wrdreg $0xFFFFFFFF  }
0xc1: {  	_ =	task.clear_ibuf [dreg:s6], $0x2FFFF;
	_ =	strace $0x9FFFFFFF  }
0xc2: {  	(tm) =	ssettm $0x7FFFFFFF  }
0xc3: {  	_ =	shalt  }
tec
execute0_lowered:
.L_overlay_start_1:
0x0: {  	(tag) =	ssettag $0x1  }
0x1: {  	v0 =	vimm.s32 $0xEFCDAB89;
	s8 =	rddreg [dreg:$0x0];
	v1 =	vimm.s32 $0x67452301;
	v2 =	vimm.s32 $0xDCFE98BA  }
0x2: {  	s1 =	rddreg [dreg:$0x1];
	v3 =	vimm.s32 $0x54761032;
	v4 =	vimm.s32 $0xBA98FEDC;
	v5 =	vimm.s32 $0x32107654  }
0x3: {  	s0 =	rddreg [dreg:$0x2];
	s2 =	simm.s32 $0x0;
	s6 =	srdreg.scid;
	v6 =	vimm.s32 $0xFEDCBA98;
	v7 =	vimm.s32 $0x76543210;
	v0 =	vunpack.c.l.s4.s8 v0  }
0x4: {  	s11 =	stileid.u32;
	s14 =	simm.s32 $0x100;
	s15 =	simm.s32 $0x1;
	v1 =	vunpack.c.l.s4.s8 v1;
	v2 =	vunpack.c.l.s4.s8 v2;
	v3 =	vunpack.c.l.s4.s8 v3  }
0x5: {  	s16 =	simm.s32 $0x4100;
	s17 =	simm.s32 $0x8100;
	[smem:$0x7FF] =	sst s2;
	v4 =	vunpack.c.l.s4.s8 v4;
	v5 =	vunpack.c.l.s4.s8 v5;
	v6 =	vunpack.c.l.s4.s8 v6  }
0x6: {  	s3 =	sadd.s32 $0x2A400, s8;
	s4 =	sadd.s32 $0x3200, s8;
	s5 =	sadd.s32 $0x51600, s8;
	v0 =	vunpack.c.0.s8.s32 v0;
	v1 =	vunpack.c.0.s8.s32 v1;
	v2 =	vunpack.c.0.s8.s32 v2  }
0x7: {  	s9 =	sand.u32 $0x1, s6;
	s6 =	sadd.s32 $0x5B400, s8;
	s7 =	sadd.s32 $0x65200, s8;
	v3 =	vunpack.c.0.s8.s32 v3;
	v4 =	vunpack.c.0.s8.s32 v4;
	v5 =	vunpack.c.0.s8.s32 v5  }
0x8: {  	s13 =	sshll.u32 s11, $0x1;
	v7 =	vunpack.c.l.s4.s8 v7;
	p0 =	sne.s32 s11, $0x0;
	_ =	strace $0x80000047;
	v1 =	vcombine.low v1, v0  }
0x9: {  	s10 =	smul.u32 $0x27180, s9;
	s12 =	ssub.s32 $0x2, s9;
	s9 =	sor.u32 s9, s13;
	v2 =	vcombine.low v3, v2;
	v3 =	vcombine.low v5, v4;
	v4 =	vunpack.c.0.s8.s32 v6  }
0xa: {  	vm0 =	vcmask $0x3F08;
	vm1 =	vmmov $0x1;
	s11 =	sshrl.u32 @!p0 s1, $0x3;
	s13 =	simm.s32 $0x2;
	s31 =	sshrl.u32 s12, $0x1;
	v5 =	vunpack.c.0.s8.s32 v7  }
0xb: {  	s10 =	sadd.s32 s10, s8;
	s12 =	ssub.s32 s12, s31;
	s8 =	smul.u32 $0x4F, s9;
	v0 =	vimm.f32 $0.0e+00;
	v1 =	vand.u32 $0xF, v1;
	v4 =	vand.u32 $0xF, v4  }
0xc: {  	s9 =	sadd.s32 $0x8C400, s10;
	s10 =	smax.u32 s12, $0x1;
	s12 =	simm.s32 $0x80;
	v2 =	vand.u32 $0xF, v2;
	v3 =	vand.u32 $0xF, v3;
	v4 =	vcombine.low v4, v5  }
.LBB2_1:
0xd: {  	s18 =	simm.s32 @!p0 $0x1C02  }
0xe: {  	[spmem:s11], [sflag:s18] =	dma.local @!p0 [hbm:s7], $0x27180  }
0xf: {  	s18 =	simm.s32 @!p0 $0x2  }
0x10: {  	_ =	swait.ge @!p0 [sflag:s18], $0x27180  }
0x11: {  	[sflag:s18] =	ssyncset.done @!p0 $0x0  }
0x12: {  	s19 =	simm.s32 $0xFFFFC000;
	[sflag:s18] =	ssyncadd.s32 @!p0 $0xFFFD8E80;
	s18 =	simm.s32 $0xFFFF0200  }
.LBB2_2:
0x13: {  	p1 =	sne.s32 s18, $0xFFFFFE00;
	[tilespmem:s19+$0xC170] =	vst v0;
	s20 =	smov.u32 s18;
	s18 =	sadd.s32 $0x200, s18  }
.Ltmp0:
0x14: {  	[tilespmem:s19+$0xC150] =	vst v0;
	(pc) =	sbr.rel @p1 .LBB2_2-.Ltmp0, $2  }
0x15: {  	[tilespmem:s19+$0xC160] =	vst v0;
	_ =	sdelay $0x2  }
0x16: {  	s19 =	sshra.s32 s20, $0x2  }
0x17: {  	[tilespmem:s19+$0xC170] =	vst v0  }
0x18: {  	[tilespmem:s19+$0xC150] =	vst v0  }
0x19: {  	[tilespmem:s19+$0xC160] =	vst v0  }
0x1a: {  	s18 =	simm.s32 $0x0;
	s19 =	simm.s32 $0x0;
	[bflag:$0x0] =	sbarrier.arrive $0xFFFF  }
.LBB2_4:
0x1b: {  	s20 =	sadd.s32 s8, s19  }
0x1c: {  	s20 =	sshll.u32 s20, $0x4  }
0x1d: {  	s21 =	sadd.s32 s6, s20  }
0x1e: {  	[tilespmem:s12], [sflag:$0x2] =	stream.linear.gather [hbm4b:s21+s18], $0x80, $0x38;
	[tilespmem:$0x1F9C0] =	vst v63  }
0x1f: {  	_ =	swait.ge [sflag:s13], $0x80  }
0x20: {  	[sflag:s13] =	ssyncset.done $0x0  }
0x21: {  	[sflag:s13] =	ssyncadd.s32 $0xFFFFFF80  }
0x22: {  	[tilespmem:s14], [sflag:$0x1] =	stream.indirect.gather [hbm4b:s3+s12], $0x80, s12, s12, $0xb8;
	[tilespmem:$0x1F9C0] =	vst v63  }
0x23: {  	_ =	swait.ge [sflag:s15], $0x4000  }
0x24: {  	[sflag:s15] =	ssyncset.done $0x0  }
0x25: {  	s20 =	sadd.s32 s5, s20;
	[sflag:s15] =	ssyncadd.s32 $0xFFFFC000  }
0x26: {  	[tilespmem:s18], [sflag:$0x2] =	stream.linear.gather [hbm4b:s20+s18], $0x80, $0x38;
	[tilespmem:$0x1F9C0] =	vst v63  }
0x27: {  	_ =	swait.ge [sflag:s13], $0x80  }
0x28: {  	[sflag:s13] =	ssyncset.done $0x0  }
0x29: {  	[sflag:s13] =	ssyncadd.s32 $0xFFFFFF80  }
0x2a: {  	[tilespmem:s16], [sflag:$0x1] =	stream.indirect.gather [hbm4b:s4+s12], $0x80, s18, s12, $0xb8;
	[tilespmem:$0x1F9C0] =	vst v63  }
0x2b: {  	_ =	swait.ge [sflag:s15], $0x4000  }
0x2c: {  	[sflag:s15] =	ssyncset.done $0x0  }
0x2d: {  	s21 =	simm.s32 $0x0;
	[sflag:s15] =	ssyncadd.s32 $0xFFFFC000  }
0x2e: {  	v6 =	vld [tilespmem:s21+$0x120]  }
0x2f: {  	v7 =	vld [tilespmem:s21+$0x130]  }
0x30: {  	v8 =	vld [tilespmem:s21+$0x4120]  }
0x31: {  	v9 =	vld [tilespmem:s21+$0x4130];
	_ =	sdelay $0x1  }
0x32: {  	v10 =	vld [tilespmem:s21+$0x100]  }
0x33: {  	v11 =	vld [tilespmem:s21+$0x110]  }
0x34: {  	v12 =	vld [tilespmem:s21+$0x4100]  }
0x35: {  	s20 =	simm.s32 $0x80;
	v13 =	vld [tilespmem:s21+$0x4110];
	v8 =	vmul.f32 v8, v6;
	v7 =	vmul.f32 v9, v7  }
0x36: {  	v14 =	vld [tilespmem:s20+$0x100]  }
0x37: {  	v15 =	vld [tilespmem:s20+$0x110];
	v7 =	vadd.f32 v7, v8  }
0x38: {  	v16 =	vld [tilespmem:s20+$0x130]  }
0x39: {  	v17 =	vld [tilespmem:s20+$0x4120];
	v8 =	vperm.xlane v7, v1  }
0x3a: {  	v20 =	vld [tilespmem:s20+$0x4110]  }
0x3b: {  	v9 =	vld [tilespmem:s20+$0x120];
	v7 =	vadd.f32 v8, v7;
	v8 =	vmul.f32 v12, v10;
	v10 =	vmul.f32 v13, v11  }
0x3c: {  	v13 =	vld [tilespmem:s20+$0x4130]  }
0x3d: {  	v12 =	vld [tilespmem:s20+$0x4100];
	v18 =	vperm.xlane v7, v2;
	v19 =	vadd.f32 v10, v8;
	_ =	sdelay $0x1  }
0x3e: {  	v18 =	vadd.f32 v18, v7;
	v7 =	vperm.xlane v19, v1  }
0x3f: {  	v17 =	vmul.f32 v17, v9  }
0x40: {  	v13 =	vmul.f32 v13, v16;
	v21 =	vperm.xlane v18, v3;
	v19 =	vadd.f32 v7, v19  }
0x41: {  	s22 =	simm.s32 $0x100;
	v5 =	vld [tilespmem:s21+$0x4140];
	v12 =	vmul.f32 v12, v14;
	v14 =	vmul.f32 v20, v15  }
0x42: {  	v23 =	vld [tilespmem:s22+$0x4120];
	v13 =	vadd.f32 v13, v17;
	v15 =	vadd.f32 v21, v18;
	v16 =	vperm.xlane v19, v2  }
0x43: {  	v25 =	vld [tilespmem:s22+$0x4110];
	v12 =	vadd.f32 v14, v12  }
0x44: {  	v6 =	vld [tilespmem:s21+$0x4150];
	v21 =	vperm.xlane v13, v1;
	v14 =	vperm.xlane v15, v4;
	v16 =	vadd.f32 v16, v19  }
0x45: {  	v9 =	vld [tilespmem:s20+$0x4150]  }
0x46: {  	v11 =	vld [tilespmem:s21+$0x4160];
	v14 =	vadd.f32 v14, v15;
	v15 =	vadd.f32 v21, v13;
	v13 =	vperm.xlane v16, v3  }
0x47: {  	v20 =	vld [tilespmem:s22+$0x120]  }
0x48: {  	v10 =	vld [tilespmem:s21+$0x4170];
	v24 =	vperm.xlane v15, v2;
	v16 =	vadd.f32 v13, v16  }
0x49: {  	v8 =	vld [tilespmem:s20+$0x4140]  }
0x4a: {  	v7 =	vld [tilespmem:s20+$0x4160];
	v24 =	vadd.f32 v24, v15;
	v27 =	vperm.xlane v16, v4  }
0x4b: {  	v18 =	vld [tilespmem:s22+$0x100];
	v22 =	vperm.xlane v12, v1  }
0x4c: {  	v19 =	vld [tilespmem:s22+$0x130];
	v20 =	vmul.f32 v23, v20;
	v23 =	vperm.xlane v24, v3;
	v27 =	vadd.f32 v27, v16  }
0x4d: {  	v12 =	vadd.f32 v22, v12;
	v22 =	vld [tilespmem:s22+$0x4130];
	v14 =	vmul.f32 $1.767766920e-01, v14  }
0x4e: {  	v21 =	vld [tilespmem:s22+$0x4100];
	v23 =	vadd.f32 v23, v24;
	v24 =	vmul.f32 $1.767766920e-01, v27  }
0x4f: {  	v17 =	vld [tilespmem:s22+$0x110];
	v26 =	vperm.xlane v12, v2;
	v14 =	vmul.f32 $1.442695020e+00, v14  }
0x50: {  	v13 =	vld [tilespmem:s20+$0x4170];
	v24 =	vmul.f32 $1.442695020e+00, v24  }
0x51: {  	v26 =	vadd.f32 v26, v12;
	v12 =	vld [tilespmem:s22+$0x4150];
	(erf) = vpow2.f32 v14  }
0x52: {  	s23 =	simm.s32 $0x180;
	v15 =	vld [tilespmem:s22+$0x4140];
	v19 =	vmul.f32 v22, v19;
	(erf) = vpow2.f32 v24  }
0x53: {  	v22 =	vperm.xlane v26, v3;
	v21 =	vmul.f32 v21, v18;
	v18 =	vld [tilespmem:s23+$0x100]  }
0x54: {  	v17 =	vmul.f32 v25, v17;
	v14 =	vld [tilespmem:s22+$0x4160]  }
0x55: {  	v16 =	vld [tilespmem:s22+$0x4170];
	v25 =	vadd.f32 v19, v20;
	v22 =	vadd.f32 v22, v26  }
0x56: {  	v19 =	vld [tilespmem:s23+$0x110];
	v17 =	vadd.f32 v17, v21;
	v26 =	vperm.xlane v23, v4  }
0x57: {  	v20 =	vld [tilespmem:s23+$0x130];
	v27 =	vperm.xlane v25, v1;
	v28 =	vperm.xlane v22, v4  }
0x58: {  	v21 =	vld [tilespmem:s23+$0x120];
	v30 =	vperm.xlane v17, v1;
	v29 =	vadd.f32 v26, v23  }
0x59: {  	v24 =	vld [tilespmem:s23+$0x4120];
	v23 =	vadd.f32 v27, v25;
	v26 =	vadd.f32 v28, v22  }
0x5a: {  	s24 =	simm.s32 $0x800;
	v22 =	vld [tilespmem:s23+$0x4100];
	v25 =	vadd.f32 v30, v17;
	v27 =	vmul.f32 $1.767766920e-01, v29;
	v17 =	vpop (erf)  }
.LBB2_5:
0x5b: {  	p1 =	sne.s32 s24, $0xFE00;
	v28 =	vld [tilespmem:s23+$0x4130];
	v29 =	vperm.xlane v23, v2;
	v26 =	vmul.f32 $1.767766920e-01, v26;
	v30 =	vsel vm0, $0x0, v17;
	v31 =	vpop (erf);
	s25 =	smov.u32 s22;
	s22 =	smov.u32 s23  }
0x5c: {  	v34 =	vmovc v13;
	v13 =	vmovc v16;
	v32 =	vld [tilespmem:s22+$0x4110];
	v33 =	vperm.xlane v25, v2;
	v27 =	vmul.f32 $1.442695020e+00, v27;
	v30 =	vsel vm1, v31, v30  }
0x5d: {  	v35 =	vld [tilespmem:s22+$0x4140];
	v23 =	vadd.f32 v29, v23;
	v16 =	vmul.f32 $1.442695020e+00, v26;
	v26 =	vmul.f32 v31, v5;
	[tilespmem:s21+$0x8140] =	vst v30;
	v5 =	vmovc v8  }
0x5e: {  	v8 =	vmovc v15;
	v21 =	vmul.f32 v24, v21;
	v24 =	vld [tilespmem:s22+$0x4150];
	v25 =	vadd.f32 v33, v25;
	(erf) = vpow2.f32 v27  }
0x5f: {  	v27 =	vld [tilespmem:s22+$0x4160];
	v30 =	vperm.xlane v23, v3;
	(erf) = vpow2.f32 v16;
	[tilespmem:s21+$0x8100] =	vst v26  }
0x60: {  	v20 =	vmul.f32 v28, v20;
	v16 =	vld [tilespmem:s22+$0x4170];
	v26 =	vperm.xlane v25, v3  }
0x61: {  	s23 =	sshra.s32 s24, $0x2;
	v22 =	vmul.f32 v22, v18;
	v28 =	vmul.f32 v32, v19;
	v23 =	vadd.f32 v30, v23  }
0x62: {  	v18 =	vld [tilespmem:s23+$0x100];
	v29 =	vadd.f32 v20, v21;
	v25 =	vadd.f32 v26, v25;
	v20 =	vmul.f32 v31, v6;
	v15 =	vmovc v35  }
.Ltmp1:
0x63: {  	v33 =	vmul.f32 v11, v17;
	v6 =	vmovc v9;
	v19 =	vld [tilespmem:s23+$0x110];
	v28 =	vadd.f32 v28, v22;
	v22 =	vperm.xlane v23, v4;
	(pc) =	sbr.rel @p1 .LBB2_5-.Ltmp1, $4  }
0x64: {  	v9 =	vmovc v12;
	v12 =	vmov v24;
	v21 =	vld [tilespmem:s23+$0x120];
	v26 =	vperm.xlane v29, v1;
	v30 =	vperm.xlane v25, v4;
	[tilespmem:s21+$0x8110] =	vst v20  }
0x65: {  	v20 =	vld [tilespmem:s23+$0x130];
	v31 =	vperm.xlane v28, v1;
	v32 =	vadd.f32 v22, v23;
	[tilespmem:s21+$0x8120] =	vst v33;
	v33 =	vmul.f32 v10, v17  }
0x66: {  	v11 =	vmovc v7;
	v7 =	vmovc v14;
	v14 =	vmov v27;
	v24 =	vld [tilespmem:s23+$0x4120];
	v23 =	vadd.f32 v26, v29;
	v26 =	vadd.f32 v30, v25  }
0x67: {  	s24 =	sadd.s32 $0x200, s24;
	v10 =	vmov v34;
	v22 =	vld [tilespmem:s23+$0x4100];
	v25 =	vadd.f32 v31, v28;
	v27 =	vmul.f32 $1.767766920e-01, v32;
	v17 =	vpop (erf);
	[tilespmem:s21+$0x8130] =	vst v33;
	s21 =	smov.u32 s20;
	s20 =	smov.u32 s25  }
0x68: {  	v28 =	vld [tilespmem:s23+$0x4130]  }
0x69: {  	v29 =	vld [tilespmem:s23+$0x4110];
	_ =	sdelay $0x3  }
0x6a: {  	v21 =	vmul.f32 v24, v21;
	v20 =	vmul.f32 v28, v20  }
0x6b: {  	v18 =	vmul.f32 v22, v18;
	v19 =	vmul.f32 v29, v19  }
0x6c: {  	v20 =	vadd.f32 v20, v21  }
0x6d: {  	v37 =	vperm.xlane v23, v2;
	v18 =	vadd.f32 v19, v18  }
0x6e: {  	v38 =	vperm.xlane v25, v2;
	v39 =	vperm.xlane v20, v1  }
0x6f: {  	v21 =	vadd.f32 v37, v23;
	v40 =	vperm.xlane v18, v1  }
0x70: {  	v19 =	vadd.f32 v38, v25;
	v20 =	vadd.f32 v39, v20  }
0x71: {  	v41 =	vperm.xlane v21, v3;
	v18 =	vadd.f32 v40, v18  }
0x72: {  	v42 =	vperm.xlane v19, v3;
	v43 =	vperm.xlane v20, v2  }
0x73: {  	v21 =	vadd.f32 v41, v21;
	v44 =	vperm.xlane v18, v2  }
0x74: {  	v45 =	vmul.f32 $1.767766920e-01, v26;
	v19 =	vadd.f32 v42, v19;
	v20 =	vadd.f32 v43, v20  }
0x75: {  	v46 =	vmul.f32 $1.442695020e+00, v27;
	v47 =	vperm.xlane v21, v4;
	v18 =	vadd.f32 v44, v18  }
0x76: {  	v48 =	vperm.xlane v19, v4;
	v49 =	vperm.xlane v20, v3  }
0x77: {  	v25 =	vmul.f32 $1.442695020e+00, v45;
	v21 =	vadd.f32 v47, v21;
	v50 =	vperm.xlane v18, v3  }
0x78: {  	(erf) = vpow2.f32 v46;
	v19 =	vadd.f32 v48, v19;
	v20 =	vadd.f32 v49, v20  }
0x79: {  	(erf) = vpow2.f32 v25;
	v21 =	vmul.f32 $1.767766920e-01, v21;
	v18 =	vadd.f32 v50, v18  }
0x7a: {  	v19 =	vmul.f32 $1.767766920e-01, v19;
	v53 =	vperm.xlane v20, v4  }
0x7b: {  	v51 =	vsel vm0, $0x0, v17;
	v52 =	vpop (erf);
	v21 =	vmul.f32 $1.442695020e+00, v21;
	v55 =	vperm.xlane v18, v4  }
0x7c: {  	v22 =	vsel vm1, v52, v51;
	v19 =	vmul.f32 $1.442695020e+00, v19;
	v20 =	vadd.f32 v53, v20  }
0x7d: {  	v54 =	vld [tilespmem:s23+$0x4140];
	v5 =	vmul.f32 v52, v5;
	[tilespmem:s21+$0x8140] =	vst v22;
	(erf) = vpow2.f32 v21;
	v18 =	vadd.f32 v55, v18  }
0x7e: {  	v22 =	vld [tilespmem:s23+$0x4150];
	(erf) = vpow2.f32 v19;
	v57 =	vmul.f32 $1.767766920e-01, v20  }
0x7f: {  	v56 =	vld [tilespmem:s23+$0x4160];
	[tilespmem:s21+$0x8100] =	vst v5;
	v5 =	vmul.f32 v52, v6;
	v6 =	vmul.f32 $1.767766920e-01, v18  }
0x80: {  	v11 =	vmul.f32 v11, v17;
	v19 =	vmul.f32 $1.442695020e+00, v57  }
0x81: {  	v58 =	vld [tilespmem:s23+$0x4170];
	[tilespmem:s21+$0x8110] =	vst v5;
	v5 =	vmul.f32 v10, v17;
	v59 =	vpop (erf);
	v6 =	vmul.f32 $1.442695020e+00, v6  }
0x82: {  	[tilespmem:s21+$0x8120] =	vst v11;
	v60 =	vsel vm0, $0x0, v59;
	v61 =	vpop (erf);
	(erf) = vpow2.f32 v19  }
0x83: {  	[tilespmem:s21+$0x8130] =	vst v5;
	v5 =	vsel vm1, v61, v60;
	v8 =	vmul.f32 v61, v8;
	(erf) = vpow2.f32 v6  }
0x84: {  	[tilespmem:s20+$0x8140] =	vst v5;
	v5 =	vmul.f32 v61, v9  }
0x85: {  	[tilespmem:s20+$0x8100] =	vst v8;
	v6 =	vmul.f32 v7, v59  }
0x86: {  	[tilespmem:s20+$0x8110] =	vst v5;
	v5 =	vmul.f32 v13, v59;
	v7 =	vpop (erf)  }
0x87: {  	v62 =	vpop (erf);
	[tilespmem:s20+$0x8120] =	vst v6;
	v6 =	vsel vm0, $0x0, v7  }
0x88: {  	[tilespmem:s20+$0x8130] =	vst v5;
	v5 =	vsel vm1, v62, v6;
	v6 =	vmul.f32 v62, v15  }
0x89: {  	[tilespmem:s22+$0x8140] =	vst v5;
	v5 =	vmul.f32 v62, v12  }
0x8a: {  	[tilespmem:s22+$0x8100] =	vst v6;
	v6 =	vmul.f32 v14, v7  }
0x8b: {  	[tilespmem:s22+$0x8110] =	vst v5;
	v5 =	vmul.f32 v16, v7;
	v7 =	vpop (erf)  }
0x8c: {  	[tilespmem:s22+$0x8120] =	vst v6;
	v6 =	vsel vm0, $0x0, v7;
	v63 =	vpop (erf)  }
0x8d: {  	[tilespmem:s22+$0x8130] =	vst v5;
	v5 =	vsel vm1, v63, v6;
	v6 =	vmul.f32 v63, v54  }
0x8e: {  	[tilespmem:s23+$0x8140] =	vst v5;
	v5 =	vmul.f32 v63, v22  }
0x8f: {  	[tilespmem:s23+$0x8100] =	vst v6;
	v6 =	vmul.f32 v56, v7  }
0x90: {  	s19 =	sadd.s32 $0x1, s19;
	[tilespmem:s23+$0x8110] =	vst v5;
	v5 =	vmul.f32 v58, v7  }
0x91: {  	p1 =	sne.s32 s19, $0x4F;
	[tilespmem:s23+$0x8120] =	vst v6  }
.Ltmp2:
0x92: {  	[tilespmem:s23+$0x8130] =	vst v5;
	(pc) =	sbr.rel @p1 .LBB2_4-.Ltmp2, $4  }
0x93: {  	[spmem:s1] =	stream.indirect.scatter.add.f32 [tilespmem:s17], [sflag:$0x2], $0x80, s12, s12, $0xb8;
	[tilespmem:$0x1F9C0] =	vst v63  }
0x94: {  	_ =	swait.ge [sflag:s13], $0x4000  }
0x95: {  	[sflag:s13] =	ssyncset.done $0x0  }
0x96: {  	[sflag:s13] =	ssyncadd.s32 $0xFFFFC000  }
0x97: {  	[bflag:$0x0] =	sbarrier.arrive $0xFFFF;
	s18 =	simm.s32 @!p0 $0x1C02;
	s2 =	sadd.s32 $0x1, s2  }
0x98: {  	[hbm:s9], [sflag:s18] =	dma.local @!p0 [spmem:s11], $0x27180  }
0x99: {  	p1 =	sne.s32 s2, s10  }
.Ltmp3:
0x9a: {  	_ = 	snop;
	(pc) =	sbr.rel @p1 .LBB2_1-.Ltmp3, $4  }
0x9b: {  	s18 =	simm.s32 @!p0 $0x2  }
0x9c: {  	_ =	swait.ge @!p0 [sflag:s18], $0x27180  }
0x9d: {  	[sflag:s18] =	ssyncset.done @!p0 $0x0  }
0x9e: {  	[sflag:s18] =	ssyncadd.s32 @!p0 $0xFFFD8E80  }
0x9f: {  	_ =	sfence.sel $0x180000  }
0xa0: {  	[bflag:$0x0] =	sbarrier.arrive $0xFFFF  }
0xa1: {  	_ =	strace $0x90000047  }
0xa2: {  	s0 =	sadd.s32 @!p0 $0x100000, s0;
	[bflag:$0x2] =	sbarrier.arrive $0xFFFF  }
0xa3: {  	[sflag:s0] =	ssyncadd.tile.s32 @!p0 $0x1;
	_ =	shalt  }
.Lfunc_end2:
_tile_overlayer_lowered:
.L_overlay_start_2:
0xa4: {  	(tag) =	ssettag $0x2  }
0xa5: {  	s0 =	rddreg [dreg:$0x0];
	s2 =	stileid.u32  }
0xa6: {  	s1 =	rddreg [dreg:$0x1];
	p0 =	sne.s32 s2, $0x0  }
0xa7: {  	s3 =	rddreg [dreg:$0x2];
	[bflag:$0x3] =	sbarrier.arrive $0xFFFF;
	s2 =	simm.s32 @!p0 $0x1C02  }
0xa8: {  	[timem:s3], [sflag:s2] =	dma.local @!p0 [hbm:s0], s1  }
0xa9: {  	s0 =	simm.s32 @!p0 $0x2  }
0xaa: {  	_ =	swait.ge @!p0 [sflag:s0], s1  }
0xab: {  	s1 =	ssub.s32 @!p0 $0x0, s1;
	[sflag:s0] =	ssyncset.done @!p0 $0x0  }
0xac: {  	[sflag:s0] =	ssyncadd.s32 @!p0 s1  }
0xad: {  	[bflag:$0x3] =	sbarrier.arrive $0xFFFF  }
0xae: {  	_ =	shalt  }

// kernel: kernel.19.cloned.1.call-start
scs
__scs_entry_jumppad:
0x0: {  	(pc) =	sbr.rel $0x88, $3  }
0x1: {  	(tag) =	ssettag $0x0;
	lr =	simm.s32 $0x1  }
0x2: {  	[smem:$0x3F7D] =	sst lr;
	_ =	strace $0xD0000000  }
0x3: {  	_ = 	snop  }
0x4: {  	_ = 	snop  }
0x5: {  	_ = 	snop  }
0x6: {  	_ = 	snop  }
0x7: {  	_ = 	snop  }
__scs_overlays_trampoline_lowered:
0x8: {  	[smem:$0x3F8C] =	sst s0  }
0x9: {  	[smem:$0x3F8D] =	sst s1  }
0xa: {  	[smem:$0x3F8E] =	sst s2  }
0xb: {  	[smem:$0x3F8F] =	sst s3  }
0xc: {  	[smem:$0x3F90] =	sst s4  }
0xd: {  	[smem:$0x3F91] =	sst s5  }
0xe: {  	[smem:$0x3F92] =	sst s6  }
0xf: {  	[smem:$0x3F93] =	sst s7  }
0x10: {  	[smem:$0x3F94] =	sst s8  }
0x11: {  	[smem:$0x3F95] =	sst s9;
	s0 =	simm.s32 @!p0 $0x0  }
0x12: {  	s1 =	sld [smem:$0x3F7B];
	s0 =	simm.s32 @p0 $0x1  }
0x13: {  	[smem:$0x3F96] =	sst s0;
	s0 =	simm.s32 @!p1 $0x0  }
0x14: {  	s2 =	sld [smem:$0x3F7A];
	s0 =	simm.s32 @p1 $0x1  }
0x15: {  	[smem:$0x3F97] =	sst s0;
	s0 =	simm.s32 @!p2 $0x0  }
0x16: {  	s3 =	sld [smem:$0x3FDB];
	s0 =	simm.s32 @p2 $0x1  }
0x17: {  	s4 =	simm.s32 $0x1BF5;
	[smem:$0x3F99] =	sst s0  }
0x18: {  	s0 =	sld [smem:$0x3F7C];
	_ =	swait.ge [sflag:s4], $0x0  }
0x19: {  	s7 =	sld [smem:$0x3F7D]  }
0x1a: {  	s8 =	sadd.s32 $0xFFFFE003, lr  }
0x1b: {  	s9 =	sadd.s32 $0xFFFFFEF7, lr;
	s5 =	simm.s32 $0xFFFFFFFF;
	p2 =	slt.u32 s8, $0xFFFFF086  }
0x1c: {  	p1 =	slt.u32 s9, $0xF7A;
	s5 =	simm.s32 @!p2 $0x0  }
0x1d: {  	s5 =	simm.s32 @p1 $0x1;
	p0 =	seq.s32 s7, s2  }
0x1e: {  	s7 =	smul.u32 @!p0 $0xF7A, s2;
	p2 =	seq.s32 @!p0 s5, $0x0  }
0x1f: {  	s9 =	smul.u32 $0xF7A, s1;
	s8 =	simm.s32 @!p0 $0x1BF5;
	p2 =	por !p2, p0  }
0x20: {  	[sflag:s8] =	ssyncset.s32 @!p0 $0xFFFFF086;
	s6 =	sadd.s32 @!p0 s3, s7;
	s7 =	simm.s32 @!p0 $0x108  }
0x21: {  	s3 =	sadd.s32 s3, s9;
	s6 =	sadd.s32 @!p0 $0x88, s6;
	s7 =	simm.s32 @p2 $0x1082  }
0x22: {  	[simem:s7], [sflag:s8] =	dma.local @!p0 [hbm:s6], $0xF7A  }
0x23: {  	s9 =	sor.u32 $0xD0000000, s2;
	s6 =	simm.s32 $0x108;
	_ =	swait.ge @!p0 [sflag:s8], $0x0  }
0x24: {  	s3 =	sadd.s32 $0x88, s3;
	s6 =	simm.s32 @!p1 $0x1082;
	[sflag:s4] =	ssyncset.s32 $0xFFFFF086  }
0x25: {  	[simem:s6], [sflag:s4] =	dma.local [hbm:s3], $0xF7A  }
0x26: {  	[smem:$0x3F7D] =	sst s1;
	(tag) =	ssettag s2;
	_ =	strace s9  }
0x27: {  	s1 =	sld [smem:$0x3F8D]  }
0x28: {  	s2 =	sld [smem:$0x3F8E]  }
0x29: {  	s4 =	sld [smem:$0x3F90]  }
0x2a: {  	p0 =	seq.s32 s5, $0x0;
	s5 =	sld [smem:$0x3F91]  }
0x2b: {  	s6 =	sld [smem:$0x3F92]  }
0x2c: {  	s7 =	sld [smem:$0x3F93]  }
0x2d: {  	s3 =	simm.s32 $0x108;
	s8 =	sld [smem:$0x3F94]  }
0x2e: {  	s3 =	simm.s32 @!p0 $0x1082;
	s9 =	sld [smem:$0x3F95]  }
0x2f: {  	lr =	sadd.s32 s0, s3;
	s0 =	sld [smem:$0x3F8C]  }
0x30: {  	s3 =	sld [smem:$0x3F8F]  }
0x31: {  	[smem:$0x3F98] =	sst s10  }
0x32: {  	s10 =	sld [smem:$0x3F96];
	_ =	sdelay $0x3  }
0x33: {  	p0 =	seq.s32 s10, $0x1;
	s10 =	sld [smem:$0x3F98];
	_ =	sdelay $0x3  }
0x34: {  	[smem:$0x3F98] =	sst s10  }
0x35: {  	s10 =	sld [smem:$0x3F97];
	_ =	sdelay $0x3  }
0x36: {  	p1 =	seq.s32 s10, $0x1;
	s10 =	sld [smem:$0x3F98];
	_ =	sdelay $0x3  }
0x37: {  	[smem:$0x3F98] =	sst s10  }
0x38: {  	s10 =	sld [smem:$0x3F99]  }
0x39: {  	_ = 	snop;
	(pc) =	sbr.ind lr, $3  }
0x3a: {  	_ = 	snop  }
0x3b: {  	_ = 	snop  }
0x3c: {  	p2 =	seq.s32 s10, $0x1;
	s10 =	sld [smem:$0x3F98]  }
0x3d: {  	_ =	shalt  }
0x3e: {  	_ =	shalt  }
0x3f: {  	_ =	shalt  }
0x40: {  	_ =	shalt  }
0x41: {  	_ =	shalt  }
0x42: {  	_ =	shalt  }
0x43: {  	_ =	shalt  }
0x44: {  	_ =	shalt  }
0x45: {  	_ =	shalt  }
0x46: {  	_ =	shalt  }
0x47: {  	_ =	shalt  }
0x48: {  	_ =	shalt  }
0x49: {  	_ =	shalt  }
0x4a: {  	_ =	shalt  }
0x4b: {  	_ =	shalt  }
0x4c: {  	_ =	shalt  }
0x4d: {  	_ =	shalt  }
0x4e: {  	_ =	shalt  }
0x4f: {  	_ =	shalt  }
0x50: {  	_ =	shalt  }
0x51: {  	_ =	shalt  }
0x52: {  	_ =	shalt  }
0x53: {  	_ =	shalt  }
0x54: {  	_ =	shalt  }
0x55: {  	_ =	shalt  }
0x56: {  	_ =	shalt  }
0x57: {  	_ =	shalt  }
0x58: {  	_ =	shalt  }
0x59: {  	_ =	shalt  }
0x5a: {  	_ =	shalt  }
0x5b: {  	_ =	shalt  }
0x5c: {  	_ =	shalt  }
0x5d: {  	_ =	shalt  }
0x5e: {  	_ =	shalt  }
0x5f: {  	_ =	shalt  }
0x60: {  	_ =	shalt  }
0x61: {  	_ =	shalt  }
0x62: {  	_ =	shalt  }
0x63: {  	_ =	shalt  }
0x64: {  	_ =	shalt  }
0x65: {  	_ =	shalt  }
0x66: {  	_ =	shalt  }
0x67: {  	_ =	shalt  }
0x68: {  	_ =	shalt  }
0x69: {  	_ =	shalt  }
0x6a: {  	_ =	shalt  }
0x6b: {  	_ =	shalt  }
0x6c: {  	_ =	shalt  }
0x6d: {  	_ =	shalt  }
0x6e: {  	_ =	shalt  }
0x6f: {  	_ =	shalt  }
0x70: {  	_ =	shalt  }
0x71: {  	_ =	shalt  }
0x72: {  	_ =	shalt  }
0x73: {  	_ =	shalt  }
0x74: {  	_ =	shalt  }
0x75: {  	_ =	shalt  }
0x76: {  	_ =	shalt  }
0x77: {  	_ =	shalt  }
0x78: {  	_ =	shalt  }
0x79: {  	_ =	shalt  }
0x7a: {  	_ =	shalt  }
0x7b: {  	_ =	shalt  }
0x7c: {  	_ =	shalt  }
0x7d: {  	_ =	shalt  }
0x7e: {  	_ =	shalt  }
0x7f: {  	_ =	shalt  }
0x80: {  	_ =	shalt  }
0x81: {  	_ =	shalt  }
0x82: {  	_ =	shalt  }
0x83: {  	_ =	shalt  }
0x84: {  	_ =	shalt  }
0x85: {  	_ =	shalt  }
0x86: {  	_ =	shalt  }
0x87: {  	_ =	shalt  }
.Lfunc_end0:
.L_simem_size_0:
called_computation.1_lowered:
.L_overlay_start_0:
0x88: {  	s2 =	sld [smem:$0x3FD9]  }
0x89: {  	s3 =	sld [smem:$0x3FFE];
	_ =	sdelay $0x1  }
0x8a: {  	s1 =	srdreg.scid  }
0x8b: {  	s0 =	sand.u32 $0x1, s1  }
0x8c: {  	s17 =	sshll.u32 s0, $0xA;
	s2 =	sadd.s32 s3, s2  }
0x8d: {  	s2 =	sadd.s32 s2, s17  }
0x8e: {  	[smem:$0x3FA4] =	sst s2  }
0x8f: {  	_ = 	snop  }
0x90: {  	(tm) =	ssettm $0x1  }
0x91: {  	s18 =	sld [smem:$0x3FFB];
	_ =	sdelay $0x3  }
0x92: {  	_ =	strace s18  }
0x93: {  	s2 =	sld [smem:$0x3FFC];
	_ =	sdelay $0x3  }
0x94: {  	_ =	strace s2  }
0x95: {  	s2 =	sld [smem:$0x3FFD];
	_ =	sdelay $0x3  }
0x96: {  	_ =	strace s2  }
0x97: {  	_ =	strace $0x8FFFFFFF  }
0x98: {  	s19 =	sld [smem:$0x3FDB];
	_ =	sdelay $0x1  }
0x99: {  	s20 =	simm.s32 $_scs_section_size  }
0x9a: {  	s4 =	simm.s32 $_size__tile_overlayer_lowered;
	s5 =	simm.s32 $_tile_overlayer_lowered  }
0x9b: {  	s6 =	simm.s32 $0x1BFF;
	s21 =	sshll.u32 s5, $0x1;
	s3 =	sadd.s32 s20, s19  }
0x9c: {  	s22 =	simm.s32 $0x0;
	s4 =	sshll.u32 s4, $0x1;
	s5 =	sadd.s32 s21, s3  }
0x9d: {  	[timem:s22], [sflag:s6] =	dma.local [hbm:s5], s4  }
0x9e: {  	_ =	swait.ge [sflag:s6], s4  }
0x9f: {  	s4 =	ssub.s32 $0x0, s4;
	[sflag:s6] =	ssyncset.done $0x0  }
0xa0: {  	[sflag:s6] =	ssyncadd.s32 s4;
	_ =	sdelay $0x1  }
0xa1: {  	s23 =	simm.s32 $0x1B8B  }
0xa2: {  	_ =	swait.ge [sflag:s23], $0x1  }
0xa3: {  	[sflag:s23] =	ssyncset.done $0x0  }
0xa4: {  	[sflag:s23] =	ssyncadd.s32 $0xFFFFFFFF  }
0xa5: {  	s4 =	sld [smem:$0x0]  }
0xa6: {  	s5 =	sand.u32 $0xFFFFFFFE, s1  }
0xa7: {  	p0 =	sne.s32 s1, s5  }
0xa8: {  	s5 =	sshll.u32 @p0 s5, $0xE  }
0xa9: {  	s5 =	sadd.s32 @p0 $0x11B8D, s5;
	s6 =	sshll.u32 @p0 s4, $0x11  }
0xaa: {  	s5 =	sor.u32 @p0 s6, s5  }
0xab: {  	[sflag:s5] =	ssyncadd.remote.s32 @p0 $0x1;
	_ =	sdelay $0x1  }
0xac: {  	s5 =	simm.s32 @p0 $0x1B8D  }
0xad: {  	_ =	swait.eq @p0 [sflag:s5], $0x1  }
0xae: {  	[sflag:s5] =	ssyncadd.s32 @p0 $0xFFFFFFFF  }
0xaf: {  	s6 =	sshll.u32 @!p0 s1, $0xE  }
0xb0: {  	s6 =	sor.u32 @!p0 $0x4000, s6;
	s5 =	simm.s32 @!p0 $0x1B8D  }
0xb1: {  	s4 =	sshll.u32 @!p0 s4, $0x11;
	s6 =	sadd.s32 @!p0 $0x11B8D, s6;
	_ =	swait.eq @!p0 [sflag:s5], $0x1  }
0xb2: {  	s4 =	sor.u32 @!p0 s4, s6;
	[sflag:s5] =	ssyncadd.s32 @!p0 $0xFFFFFFFF  }
0xb3: {  	s25 =	simm.s32 $0x1B8E;
	s24 =	sld [smem:$0x3FFE];
	[sflag:s4] =	ssyncadd.remote.s32 @!p0 $0x1  }
0xb4: {  	s26 =	simm.s32 $execute0_lowered;
	[smem:$0x3FD2] =	sst s25  }
0xb5: {  	s5 =	sshll.u32 s26, $0x1;
	_ =	strace $0x80000049;
	[dreg:$0x1] =	wrdreg $0xFFFFFFFF  }
0xb6: {  	s28 =	simm.s32 $_size_execute0_lowered;
	s3 =	sadd.s32 s3, s5;
	[dreg:$0x0] =	wrdreg $0x0  }
0xb7: {  	s5 =	sshll.u32 s28, $0x1;
	[dreg:$0x2] =	wrdreg s3  }
0xb8: {  	[dreg:$0x3] =	wrdreg s5  }
0xb9: {  	[dreg:$0x4] =	wrdreg $0xC0  }
0xba: {  	_ =	task [dreg:s22], $0x5FFFF  }
0xbb: {  	[dreg:$0x1] =	wrdreg $0xFFFFFFFF  }
0xbc: {  	[dreg:$0x0] =	wrdreg $0x60  }
0xbd: {  	[dreg:$0x2] =	wrdreg s24  }
0xbe: {  	[dreg:$0x3] =	wrdreg $0xC1000  }
0xbf: {  	[dreg:$0x4] =	wrdreg $0xA  }
0xc0: {  	_ =	task.clear_ibuf [dreg:s22], $0x5FFFF;
	_ =	strace $0x90000049  }
0xc1: {  	s29 =	simm.s32 $0xA;
	_ =	strace $0x8000004B  }
0xc2: {  	_ =	swait.ge [sflag:s29], $0x1  }
0xc3: {  	[sflag:s29] =	ssyncadd.s32 $0xFFFFFFFF  }
0xc4: {  	_ =	strace $0x9000004B  }
0xc5: {  	_ =	sfence  }
0xc6: {  	s30 =	sld [smem:$0x0];
	_ =	sdelay $0x2  }
0xc7: {  	s31 =	sshll.u32 s1, $0xD;
	s1 =	sshrl.u32 s1, $0x2  }
0xc8: {  	s4 =	sand.u32 $0x4000, s31;
	s1 =	sadd.s32 s1, s30  }
0xc9: {  	s0 =	sor.u32 s4, s0;
	s1 =	sshll.u32 s1, $0x11  }
0xca: {  	s0 =	sor.u32 s1, s0  }
0xcb: {  	s0 =	sadd.s32 $0x8F2B, s0  }
0xcc: {  	[sflag:s0] =	ssyncadd.remote.s32 $0x1  }
0xcd: {  	_ =	sfence.sel $0xFFFF  }
0xce: {  	[dreg:$0x0] =	wrdreg $0xFFFFFFFF;
	(pc) =	sbr.abs _section_cstart, $3  }
0xcf: {  	[dreg:$0x1] =	wrdreg $0xFFFFFFFF  }
0xd0: {  	_ =	task.clear_ibuf [dreg:s22], $0x2FFFF;
	_ =	strace $0x9FFFFFFF  }
0xd1: {  	(tm) =	ssettm $0x7FFFFFFF  }
tec
execute0_lowered:
.L_overlay_start_1:
0x0: {  	(tag) =	ssettag $0x1  }
0x1: {  	v0 =	vimm.s32 $0xEFCDAB89;
	s8 =	rddreg [dreg:$0x0];
	v1 =	vimm.s32 $0x67452301;
	v2 =	vimm.s32 $0xDCFE98BA  }
0x2: {  	s1 =	rddreg [dreg:$0x1];
	v3 =	vimm.s32 $0x54761032;
	v4 =	vimm.s32 $0xBA98FEDC;
	v5 =	vimm.s32 $0x32107654  }
0x3: {  	s0 =	rddreg [dreg:$0x2];
	s2 =	simm.s32 $0x0;
	s6 =	srdreg.scid;
	v6 =	vimm.s32 $0xFEDCBA98;
	v7 =	vimm.s32 $0x76543210;
	v0 =	vunpack.c.l.s4.s8 v0  }
0x4: {  	s11 =	stileid.u32;
	s14 =	simm.s32 $0x100;
	s16 =	simm.s32 $0x4100;
	v1 =	vunpack.c.l.s4.s8 v1;
	v2 =	vunpack.c.l.s4.s8 v2;
	v3 =	vunpack.c.l.s4.s8 v3  }
0x5: {  	s17 =	simm.s32 $0x8100;
	[smem:$0x7FF] =	sst s2;
	s3 =	sadd.s32 $0x14FC00, s8;
	v4 =	vunpack.c.l.s4.s8 v4;
	v5 =	vunpack.c.l.s4.s8 v5;
	v6 =	vunpack.c.l.s4.s8 v6  }
0x6: {  	s15 =	simm.s32 $0x1;
	s4 =	sadd.s32 $0x128A00, s8;
	s5 =	sadd.s32 $0x176E00, s8;
	v0 =	vunpack.c.0.s8.s32 v0;
	v1 =	vunpack.c.0.s8.s32 v1;
	v2 =	vunpack.c.0.s8.s32 v2  }
0x7: {  	s9 =	sand.u32 $0x1, s6;
	s6 =	sadd.s32 $0x180C00, s8;
	s7 =	sadd.s32 $0x65200, s8;
	v3 =	vunpack.c.0.s8.s32 v3;
	v4 =	vunpack.c.0.s8.s32 v4;
	v5 =	vunpack.c.0.s8.s32 v5  }
0x8: {  	s13 =	sshll.u32 s11, $0x1;
	v7 =	vunpack.c.l.s4.s8 v7;
	p0 =	sne.s32 s11, $0x0;
	_ =	strace $0x8000004A;
	v1 =	vcombine.low v1, v0  }
0x9: {  	s10 =	smul.u32 $0x27180, s9;
	s12 =	ssub.s32 $0x2, s9;
	s9 =	sor.u32 s9, s13;
	v2 =	vcombine.low v3, v2;
	v3 =	vcombine.low v5, v4;
	v4 =	vunpack.c.0.s8.s32 v6  }
0xa: {  	vm0 =	vcmask $0x3F08;
	vm1 =	vmmov $0x1;
	s11 =	sshrl.u32 @!p0 s1, $0x3;
	s13 =	simm.s32 $0x2;
	s31 =	sshrl.u32 s12, $0x1;
	v5 =	vunpack.c.0.s8.s32 v7  }
0xb: {  	s10 =	sadd.s32 s10, s8;
	s12 =	ssub.s32 s12, s31;
	s8 =	smul.u32 $0x4F, s9;
	v0 =	vimm.f32 $0.0e+00;
	v1 =	vand.u32 $0xF, v1;
	v4 =	vand.u32 $0xF, v4  }
0xc: {  	s9 =	sadd.s32 $0x18AA00, s10;
	s10 =	smax.u32 s12, $0x1;
	s12 =	simm.s32 $0x80;
	v2 =	vand.u32 $0xF, v2;
	v3 =	vand.u32 $0xF, v3;
	v4 =	vcombine.low v4, v5  }
.LBB2_1:
0xd: {  	s18 =	simm.s32 @!p0 $0x1C02  }
0xe: {  	[spmem:s11], [sflag:s18] =	dma.local @!p0 [hbm:s7], $0x27180  }
0xf: {  	s18 =	simm.s32 @!p0 $0x2  }
0x10: {  	_ =	swait.ge @!p0 [sflag:s18], $0x27180  }
0x11: {  	[sflag:s18] =	ssyncset.done @!p0 $0x0  }
0x12: {  	s19 =	simm.s32 $0xFFFFC000;
	[sflag:s18] =	ssyncadd.s32 @!p0 $0xFFFD8E80;
	s18 =	simm.s32 $0xFFFF0200  }
.LBB2_2:
0x13: {  	p1 =	sne.s32 s18, $0xFFFFFE00;
	[tilespmem:s19+$0xC170] =	vst v0;
	s20 =	smov.u32 s18;
	s18 =	sadd.s32 $0x200, s18  }
.Ltmp0:
0x14: {  	[tilespmem:s19+$0xC150] =	vst v0;
	(pc) =	sbr.rel @p1 .LBB2_2-.Ltmp0, $2  }
0x15: {  	[tilespmem:s19+$0xC160] =	vst v0;
	_ =	sdelay $0x2  }
0x16: {  	s19 =	sshra.s32 s20, $0x2  }
0x17: {  	[tilespmem:s19+$0xC170] =	vst v0  }
0x18: {  	[tilespmem:s19+$0xC150] =	vst v0  }
0x19: {  	[tilespmem:s19+$0xC160] =	vst v0  }
0x1a: {  	s18 =	simm.s32 $0x0;
	s19 =	simm.s32 $0x0;
	[bflag:$0x0] =	sbarrier.arrive $0xFFFF  }
.LBB2_4:
0x1b: {  	s20 =	sadd.s32 s8, s19  }
0x1c: {  	s20 =	sshll.u32 s20, $0x4  }
0x1d: {  	s21 =	sadd.s32 s6, s20  }
0x1e: {  	[tilespmem:s12], [sflag:$0x2] =	stream.linear.gather [hbm4b:s21+s18], $0x80, $0x38;
	[tilespmem:$0x1F9C0] =	vst v63  }
0x1f: {  	_ =	swait.ge [sflag:s13], $0x80  }
0x20: {  	[sflag:s13] =	ssyncset.done $0x0  }
0x21: {  	[sflag:s13] =	ssyncadd.s32 $0xFFFFFF80  }
0x22: {  	[tilespmem:s14], [sflag:$0x1] =	stream.indirect.gather [hbm4b:s3+s12], $0x80, s12, s12, $0xb8;
	[tilespmem:$0x1F9C0] =	vst v63  }
0x23: {  	_ =	swait.ge [sflag:s15], $0x4000  }
0x24: {  	[sflag:s15] =	ssyncset.done $0x0  }
0x25: {  	s20 =	sadd.s32 s5, s20;
	[sflag:s15] =	ssyncadd.s32 $0xFFFFC000  }
0x26: {  	[tilespmem:s18], [sflag:$0x2] =	stream.linear.gather [hbm4b:s20+s18], $0x80, $0x38;
	[tilespmem:$0x1F9C0] =	vst v63  }
0x27: {  	_ =	swait.ge [sflag:s13], $0x80  }
0x28: {  	[sflag:s13] =	ssyncset.done $0x0  }
0x29: {  	[sflag:s13] =	ssyncadd.s32 $0xFFFFFF80  }
0x2a: {  	[tilespmem:s16], [sflag:$0x1] =	stream.indirect.gather [hbm4b:s4+s12], $0x80, s18, s12, $0xb8;
	[tilespmem:$0x1F9C0] =	vst v63  }
0x2b: {  	_ =	swait.ge [sflag:s15], $0x4000  }
0x2c: {  	[sflag:s15] =	ssyncset.done $0x0  }
0x2d: {  	s21 =	simm.s32 $0x0;
	[sflag:s15] =	ssyncadd.s32 $0xFFFFC000  }
0x2e: {  	v6 =	vld [tilespmem:s21+$0x120]  }
0x2f: {  	v7 =	vld [tilespmem:s21+$0x130]  }
0x30: {  	v8 =	vld [tilespmem:s21+$0x4120]  }
0x31: {  	v9 =	vld [tilespmem:s21+$0x4130];
	_ =	sdelay $0x1  }
0x32: {  	v10 =	vld [tilespmem:s21+$0x100]  }
0x33: {  	v11 =	vld [tilespmem:s21+$0x110]  }
0x34: {  	v12 =	vld [tilespmem:s21+$0x4100]  }
0x35: {  	s20 =	simm.s32 $0x80;
	v13 =	vld [tilespmem:s21+$0x4110];
	v8 =	vmul.f32 v8, v6;
	v7 =	vmul.f32 v9, v7  }
0x36: {  	v14 =	vld [tilespmem:s20+$0x100]  }
0x37: {  	v15 =	vld [tilespmem:s20+$0x110];
	v7 =	vadd.f32 v7, v8  }
0x38: {  	v16 =	vld [tilespmem:s20+$0x130]  }
0x39: {  	v17 =	vld [tilespmem:s20+$0x4120];
	v8 =	vperm.xlane v7, v1  }
0x3a: {  	v20 =	vld [tilespmem:s20+$0x4110]  }
0x3b: {  	v9 =	vld [tilespmem:s20+$0x120];
	v7 =	vadd.f32 v8, v7;
	v8 =	vmul.f32 v12, v10;
	v10 =	vmul.f32 v13, v11  }
0x3c: {  	v13 =	vld [tilespmem:s20+$0x4130]  }
0x3d: {  	v12 =	vld [tilespmem:s20+$0x4100];
	v18 =	vperm.xlane v7, v2;
	v19 =	vadd.f32 v10, v8;
	_ =	sdelay $0x1  }
0x3e: {  	v18 =	vadd.f32 v18, v7;
	v7 =	vperm.xlane v19, v1  }
0x3f: {  	v17 =	vmul.f32 v17, v9  }
0x40: {  	v13 =	vmul.f32 v13, v16;
	v21 =	vperm.xlane v18, v3;
	v19 =	vadd.f32 v7, v19  }
0x41: {  	s22 =	simm.s32 $0x100;
	v5 =	vld [tilespmem:s21+$0x4140];
	v12 =	vmul.f32 v12, v14;
	v14 =	vmul.f32 v20, v15  }
0x42: {  	v23 =	vld [tilespmem:s22+$0x4120];
	v13 =	vadd.f32 v13, v17;
	v15 =	vadd.f32 v21, v18;
	v16 =	vperm.xlane v19, v2  }
0x43: {  	v25 =	vld [tilespmem:s22+$0x4110];
	v12 =	vadd.f32 v14, v12  }
0x44: {  	v6 =	vld [tilespmem:s21+$0x4150];
	v21 =	vperm.xlane v13, v1;
	v14 =	vperm.xlane v15, v4;
	v16 =	vadd.f32 v16, v19  }
0x45: {  	v9 =	vld [tilespmem:s20+$0x4150]  }
0x46: {  	v11 =	vld [tilespmem:s21+$0x4160];
	v14 =	vadd.f32 v14, v15;
	v15 =	vadd.f32 v21, v13;
	v13 =	vperm.xlane v16, v3  }
0x47: {  	v20 =	vld [tilespmem:s22+$0x120]  }
0x48: {  	v10 =	vld [tilespmem:s21+$0x4170];
	v24 =	vperm.xlane v15, v2;
	v16 =	vadd.f32 v13, v16  }
0x49: {  	v8 =	vld [tilespmem:s20+$0x4140]  }
0x4a: {  	v7 =	vld [tilespmem:s20+$0x4160];
	v24 =	vadd.f32 v24, v15;
	v27 =	vperm.xlane v16, v4  }
0x4b: {  	v18 =	vld [tilespmem:s22+$0x100];
	v22 =	vperm.xlane v12, v1  }
0x4c: {  	v19 =	vld [tilespmem:s22+$0x130];
	v20 =	vmul.f32 v23, v20;
	v23 =	vperm.xlane v24, v3;
	v27 =	vadd.f32 v27, v16  }
0x4d: {  	v12 =	vadd.f32 v22, v12;
	v22 =	vld [tilespmem:s22+$0x4130];
	v14 =	vmul.f32 $1.767766920e-01, v14  }
0x4e: {  	v21 =	vld [tilespmem:s22+$0x4100];
	v23 =	vadd.f32 v23, v24;
	v24 =	vmul.f32 $1.767766920e-01, v27  }
0x4f: {  	v17 =	vld [tilespmem:s22+$0x110];
	v26 =	vperm.xlane v12, v2;
	v14 =	vmul.f32 $1.442695020e+00, v14  }
0x50: {  	v13 =	vld [tilespmem:s20+$0x4170];
	v24 =	vmul.f32 $1.442695020e+00, v24  }
0x51: {  	v26 =	vadd.f32 v26, v12;
	v12 =	vld [tilespmem:s22+$0x4150];
	(erf) = vpow2.f32 v14  }
0x52: {  	s23 =	simm.s32 $0x180;
	v15 =	vld [tilespmem:s22+$0x4140];
	v19 =	vmul.f32 v22, v19;
	(erf) = vpow2.f32 v24  }
0x53: {  	v22 =	vperm.xlane v26, v3;
	v21 =	vmul.f32 v21, v18;
	v18 =	vld [tilespmem:s23+$0x100]  }
0x54: {  	v17 =	vmul.f32 v25, v17;
	v14 =	vld [tilespmem:s22+$0x4160]  }
0x55: {  	v16 =	vld [tilespmem:s22+$0x4170];
	v25 =	vadd.f32 v19, v20;
	v22 =	vadd.f32 v22, v26  }
0x56: {  	v19 =	vld [tilespmem:s23+$0x110];
	v17 =	vadd.f32 v17, v21;
	v26 =	vperm.xlane v23, v4  }
0x57: {  	v20 =	vld [tilespmem:s23+$0x130];
	v27 =	vperm.xlane v25, v1;
	v28 =	vperm.xlane v22, v4  }
0x58: {  	v21 =	vld [tilespmem:s23+$0x120];
	v30 =	vperm.xlane v17, v1;
	v29 =	vadd.f32 v26, v23  }
0x59: {  	v24 =	vld [tilespmem:s23+$0x4120];
	v23 =	vadd.f32 v27, v25;
	v26 =	vadd.f32 v28, v22  }
0x5a: {  	s24 =	simm.s32 $0x800;
	v22 =	vld [tilespmem:s23+$0x4100];
	v25 =	vadd.f32 v30, v17;
	v27 =	vmul.f32 $1.767766920e-01, v29;
	v17 =	vpop (erf)  }
.LBB2_5:
0x5b: {  	p1 =	sne.s32 s24, $0xFE00;
	v28 =	vld [tilespmem:s23+$0x4130];
	v29 =	vperm.xlane v23, v2;
	v26 =	vmul.f32 $1.767766920e-01, v26;
	v30 =	vsel vm0, $0x0, v17;
	v31 =	vpop (erf);
	s25 =	smov.u32 s22;
	s22 =	smov.u32 s23  }
0x5c: {  	v34 =	vmovc v13;
	v13 =	vmovc v16;
	v32 =	vld [tilespmem:s22+$0x4110];
	v33 =	vperm.xlane v25, v2;
	v27 =	vmul.f32 $1.442695020e+00, v27;
	v30 =	vsel vm1, v31, v30  }
0x5d: {  	v35 =	vld [tilespmem:s22+$0x4140];
	v23 =	vadd.f32 v29, v23;
	v16 =	vmul.f32 $1.442695020e+00, v26;
	v26 =	vmul.f32 v31, v5;
	[tilespmem:s21+$0x8140] =	vst v30;
	v5 =	vmovc v8  }
0x5e: {  	v8 =	vmovc v15;
	v21 =	vmul.f32 v24, v21;
	v24 =	vld [tilespmem:s22+$0x4150];
	v25 =	vadd.f32 v33, v25;
	(erf) = vpow2.f32 v27  }
0x5f: {  	v27 =	vld [tilespmem:s22+$0x4160];
	v30 =	vperm.xlane v23, v3;
	(erf) = vpow2.f32 v16;
	[tilespmem:s21+$0x8100] =	vst v26  }
0x60: {  	v20 =	vmul.f32 v28, v20;
	v16 =	vld [tilespmem:s22+$0x4170];
	v26 =	vperm.xlane v25, v3  }
0x61: {  	s23 =	sshra.s32 s24, $0x2;
	v22 =	vmul.f32 v22, v18;
	v28 =	vmul.f32 v32, v19;
	v23 =	vadd.f32 v30, v23  }
0x62: {  	v18 =	vld [tilespmem:s23+$0x100];
	v29 =	vadd.f32 v20, v21;
	v25 =	vadd.f32 v26, v25;
	v20 =	vmul.f32 v31, v6;
	v15 =	vmovc v35  }
.Ltmp1:
0x63: {  	v33 =	vmul.f32 v11, v17;
	v6 =	vmovc v9;
	v19 =	vld [tilespmem:s23+$0x110];
	v28 =	vadd.f32 v28, v22;
	v22 =	vperm.xlane v23, v4;
	(pc) =	sbr.rel @p1 .LBB2_5-.Ltmp1, $4  }
0x64: {  	v9 =	vmovc v12;
	v12 =	vmov v24;
	v21 =	vld [tilespmem:s23+$0x120];
	v26 =	vperm.xlane v29, v1;
	v30 =	vperm.xlane v25, v4;
	[tilespmem:s21+$0x8110] =	vst v20  }
0x65: {  	v20 =	vld [tilespmem:s23+$0x130];
	v31 =	vperm.xlane v28, v1;
	v32 =	vadd.f32 v22, v23;
	[tilespmem:s21+$0x8120] =	vst v33;
	v33 =	vmul.f32 v10, v17  }
0x66: {  	v11 =	vmovc v7;
	v7 =	vmovc v14;
	v14 =	vmov v27;
	v24 =	vld [tilespmem:s23+$0x4120];
	v23 =	vadd.f32 v26, v29;
	v26 =	vadd.f32 v30, v25  }
0x67: {  	s24 =	sadd.s32 $0x200, s24;
	v10 =	vmov v34;
	v22 =	vld [tilespmem:s23+$0x4100];
	v25 =	vadd.f32 v31, v28;
	v27 =	vmul.f32 $1.767766920e-01, v32;
	v17 =	vpop (erf);
	[tilespmem:s21+$0x8130] =	vst v33;
	s21 =	smov.u32 s20;
	s20 =	smov.u32 s25  }
0x68: {  	v28 =	vld [tilespmem:s23+$0x4130]  }
0x69: {  	v29 =	vld [tilespmem:s23+$0x4110];
	_ =	sdelay $0x3  }
0x6a: {  	v21 =	vmul.f32 v24, v21;
	v20 =	vmul.f32 v28, v20  }
0x6b: {  	v18 =	vmul.f32 v22, v18;
	v19 =	vmul.f32 v29, v19  }
0x6c: {  	v20 =	vadd.f32 v20, v21  }
0x6d: {  	v37 =	vperm.xlane v23, v2;
	v18 =	vadd.f32 v19, v18  }
0x6e: {  	v38 =	vperm.xlane v25, v2;
	v39 =	vperm.xlane v20, v1  }
0x6f: {  	v21 =	vadd.f32 v37, v23;
	v40 =	vperm.xlane v18, v1  }
0x70: {  	v19 =	vadd.f32 v38, v25;
	v20 =	vadd.f32 v39, v20  }
0x71: {  	v41 =	vperm.xlane v21, v3;
	v18 =	vadd.f32 v40, v18  }
0x72: {  	v42 =	vperm.xlane v19, v3;
	v43 =	vperm.xlane v20, v2  }
0x73: {  	v21 =	vadd.f32 v41, v21;
	v44 =	vperm.xlane v18, v2  }
0x74: {  	v45 =	vmul.f32 $1.767766920e-01, v26;
	v19 =	vadd.f32 v42, v19;
	v20 =	vadd.f32 v43, v20  }
0x75: {  	v46 =	vmul.f32 $1.442695020e+00, v27;
	v47 =	vperm.xlane v21, v4;
	v18 =	vadd.f32 v44, v18  }
0x76: {  	v48 =	vperm.xlane v19, v4;
	v49 =	vperm.xlane v20, v3  }
0x77: {  	v25 =	vmul.f32 $1.442695020e+00, v45;
	v21 =	vadd.f32 v47, v21;
	v50 =	vperm.xlane v18, v3  }
0x78: {  	(erf) = vpow2.f32 v46;
	v19 =	vadd.f32 v48, v19;
	v20 =	vadd.f32 v49, v20  }
0x79: {  	(erf) = vpow2.f32 v25;
	v21 =	vmul.f32 $1.767766920e-01, v21;
	v18 =	vadd.f32 v50, v18  }
0x7a: {  	v19 =	vmul.f32 $1.767766920e-01, v19;
	v53 =	vperm.xlane v20, v4  }
0x7b: {  	v51 =	vsel vm0, $0x0, v17;
	v52 =	vpop (erf);
	v21 =	vmul.f32 $1.442695020e+00, v21;
	v55 =	vperm.xlane v18, v4  }
0x7c: {  	v22 =	vsel vm1, v52, v51;
	v19 =	vmul.f32 $1.442695020e+00, v19;
	v20 =	vadd.f32 v53, v20  }
0x7d: {  	v54 =	vld [tilespmem:s23+$0x4140];
	v5 =	vmul.f32 v52, v5;
	[tilespmem:s21+$0x8140] =	vst v22;
	(erf) = vpow2.f32 v21;
	v18 =	vadd.f32 v55, v18  }
0x7e: {  	v22 =	vld [tilespmem:s23+$0x4150];
	(erf) = vpow2.f32 v19;
	v57 =	vmul.f32 $1.767766920e-01, v20  }
0x7f: {  	v56 =	vld [tilespmem:s23+$0x4160];
	[tilespmem:s21+$0x8100] =	vst v5;
	v5 =	vmul.f32 v52, v6;
	v6 =	vmul.f32 $1.767766920e-01, v18  }
0x80: {  	v11 =	vmul.f32 v11, v17;
	v19 =	vmul.f32 $1.442695020e+00, v57  }
0x81: {  	v58 =	vld [tilespmem:s23+$0x4170];
	[tilespmem:s21+$0x8110] =	vst v5;
	v5 =	vmul.f32 v10, v17;
	v59 =	vpop (erf);
	v6 =	vmul.f32 $1.442695020e+00, v6  }
0x82: {  	[tilespmem:s21+$0x8120] =	vst v11;
	v60 =	vsel vm0, $0x0, v59;
	v61 =	vpop (erf);
	(erf) = vpow2.f32 v19  }
0x83: {  	[tilespmem:s21+$0x8130] =	vst v5;
	v5 =	vsel vm1, v61, v60;
	v8 =	vmul.f32 v61, v8;
	(erf) = vpow2.f32 v6  }
0x84: {  	[tilespmem:s20+$0x8140] =	vst v5;
	v5 =	vmul.f32 v61, v9  }
0x85: {  	[tilespmem:s20+$0x8100] =	vst v8;
	v6 =	vmul.f32 v7, v59  }
0x86: {  	[tilespmem:s20+$0x8110] =	vst v5;
	v5 =	vmul.f32 v13, v59;
	v7 =	vpop (erf)  }
0x87: {  	v62 =	vpop (erf);
	[tilespmem:s20+$0x8120] =	vst v6;
	v6 =	vsel vm0, $0x0, v7  }
0x88: {  	[tilespmem:s20+$0x8130] =	vst v5;
	v5 =	vsel vm1, v62, v6;
	v6 =	vmul.f32 v62, v15  }
0x89: {  	[tilespmem:s22+$0x8140] =	vst v5;
	v5 =	vmul.f32 v62, v12  }
0x8a: {  	[tilespmem:s22+$0x8100] =	vst v6;
	v6 =	vmul.f32 v14, v7  }
0x8b: {  	[tilespmem:s22+$0x8110] =	vst v5;
	v5 =	vmul.f32 v16, v7;
	v7 =	vpop (erf)  }
0x8c: {  	[tilespmem:s22+$0x8120] =	vst v6;
	v6 =	vsel vm0, $0x0, v7;
	v63 =	vpop (erf)  }
0x8d: {  	[tilespmem:s22+$0x8130] =	vst v5;
	v5 =	vsel vm1, v63, v6;
	v6 =	vmul.f32 v63, v54  }
0x8e: {  	[tilespmem:s23+$0x8140] =	vst v5;
	v5 =	vmul.f32 v63, v22  }
0x8f: {  	[tilespmem:s23+$0x8100] =	vst v6;
	v6 =	vmul.f32 v56, v7  }
0x90: {  	s19 =	sadd.s32 $0x1, s19;
	[tilespmem:s23+$0x8110] =	vst v5;
	v5 =	vmul.f32 v58, v7  }
0x91: {  	p1 =	sne.s32 s19, $0x4F;
	[tilespmem:s23+$0x8120] =	vst v6  }
.Ltmp2:
0x92: {  	[tilespmem:s23+$0x8130] =	vst v5;
	(pc) =	sbr.rel @p1 .LBB2_4-.Ltmp2, $4  }
0x93: {  	[spmem:s1] =	stream.indirect.scatter.add.f32 [tilespmem:s17], [sflag:$0x2], $0x80, s12, s12, $0xb8;
	[tilespmem:$0x1F9C0] =	vst v63  }
0x94: {  	_ =	swait.ge [sflag:s13], $0x4000  }
0x95: {  	[sflag:s13] =	ssyncset.done $0x0  }
0x96: {  	[sflag:s13] =	ssyncadd.s32 $0xFFFFC000  }
0x97: {  	[bflag:$0x0] =	sbarrier.arrive $0xFFFF;
	s18 =	simm.s32 @!p0 $0x1C02;
	s2 =	sadd.s32 $0x1, s2  }
0x98: {  	[hbm:s9], [sflag:s18] =	dma.local @!p0 [spmem:s11], $0x27180  }
0x99: {  	p1 =	sne.s32 s2, s10  }
.Ltmp3:
0x9a: {  	_ = 	snop;
	(pc) =	sbr.rel @p1 .LBB2_1-.Ltmp3, $4  }
0x9b: {  	s18 =	simm.s32 @!p0 $0x2  }
0x9c: {  	_ =	swait.ge @!p0 [sflag:s18], $0x27180  }
0x9d: {  	[sflag:s18] =	ssyncset.done @!p0 $0x0  }
0x9e: {  	[sflag:s18] =	ssyncadd.s32 @!p0 $0xFFFD8E80  }
0x9f: {  	_ =	sfence.sel $0x180000  }
0xa0: {  	[bflag:$0x0] =	sbarrier.arrive $0xFFFF  }
0xa1: {  	_ =	strace $0x9000004A  }
0xa2: {  	s0 =	sadd.s32 @!p0 $0x100000, s0;
	[bflag:$0x2] =	sbarrier.arrive $0xFFFF  }
0xa3: {  	[sflag:s0] =	ssyncadd.tile.s32 @!p0 $0x1;
	_ =	shalt  }
.Lfunc_end2:
_tile_overlayer_lowered:
.L_overlay_start_2:
0xa4: {  	(tag) =	ssettag $0x2  }
0xa5: {  	s0 =	rddreg [dreg:$0x0];
	s2 =	stileid.u32  }
0xa6: {  	s1 =	rddreg [dreg:$0x1];
	p0 =	sne.s32 s2, $0x0  }
0xa7: {  	s3 =	rddreg [dreg:$0x2];
	[bflag:$0x3] =	sbarrier.arrive $0xFFFF;
	s2 =	simm.s32 @!p0 $0x1C02  }
0xa8: {  	[timem:s3], [sflag:s2] =	dma.local @!p0 [hbm:s0], s1  }
0xa9: {  	s0 =	simm.s32 @!p0 $0x2  }
0xaa: {  	_ =	swait.ge @!p0 [sflag:s0], s1  }
0xab: {  	s1 =	ssub.s32 @!p0 $0x0, s1;
	[sflag:s0] =	ssyncset.done @!p0 $0x0  }
0xac: {  	[sflag:s0] =	ssyncadd.s32 @!p0 s1  }
0xad: {  	[bflag:$0x3] =	sbarrier.arrive $0xFFFF  }
0xae: {  	_ =	shalt  }

// kernel: kernel.22.cloned.1.call-start
scs
__scs_entry_jumppad:
0x0: {  	(pc) =	sbr.rel $0x88, $3  }
0x1: {  	(tag) =	ssettag $0x0;
	lr =	simm.s32 $0x1  }
0x2: {  	[smem:$0x3F7D] =	sst lr;
	_ =	strace $0xD0000000  }
0x3: {  	_ = 	snop  }
0x4: {  	_ = 	snop  }
0x5: {  	_ = 	snop  }
0x6: {  	_ = 	snop  }
0x7: {  	_ = 	snop  }
__scs_overlays_trampoline_lowered:
0x8: {  	[smem:$0x3F8C] =	sst s0  }
0x9: {  	[smem:$0x3F8D] =	sst s1  }
0xa: {  	[smem:$0x3F8E] =	sst s2  }
0xb: {  	[smem:$0x3F8F] =	sst s3  }
0xc: {  	[smem:$0x3F90] =	sst s4  }
0xd: {  	[smem:$0x3F91] =	sst s5  }
0xe: {  	[smem:$0x3F92] =	sst s6  }
0xf: {  	[smem:$0x3F93] =	sst s7  }
0x10: {  	[smem:$0x3F94] =	sst s8  }
0x11: {  	[smem:$0x3F95] =	sst s9;
	s0 =	simm.s32 @!p0 $0x0  }
0x12: {  	s1 =	sld [smem:$0x3F7B];
	s0 =	simm.s32 @p0 $0x1  }
0x13: {  	[smem:$0x3F96] =	sst s0;
	s0 =	simm.s32 @!p1 $0x0  }
0x14: {  	s2 =	sld [smem:$0x3F7A];
	s0 =	simm.s32 @p1 $0x1  }
0x15: {  	[smem:$0x3F97] =	sst s0;
	s0 =	simm.s32 @!p2 $0x0  }
0x16: {  	s3 =	sld [smem:$0x3FDB];
	s0 =	simm.s32 @p2 $0x1  }
0x17: {  	s4 =	simm.s32 $0x1BF5;
	[smem:$0x3F99] =	sst s0  }
0x18: {  	s0 =	sld [smem:$0x3F7C];
	_ =	swait.ge [sflag:s4], $0x0  }
0x19: {  	s7 =	sld [smem:$0x3F7D]  }
0x1a: {  	s8 =	sadd.s32 $0xFFFFE003, lr  }
0x1b: {  	s9 =	sadd.s32 $0xFFFFFEF7, lr;
	s5 =	simm.s32 $0xFFFFFFFF;
	p2 =	slt.u32 s8, $0xFFFFF086  }
0x1c: {  	p1 =	slt.u32 s9, $0xF7A;
	s5 =	simm.s32 @!p2 $0x0  }
0x1d: {  	s5 =	simm.s32 @p1 $0x1;
	p0 =	seq.s32 s7, s2  }
0x1e: {  	s7 =	smul.u32 @!p0 $0xF7A, s2;
	p2 =	seq.s32 @!p0 s5, $0x0  }
0x1f: {  	s9 =	smul.u32 $0xF7A, s1;
	s8 =	simm.s32 @!p0 $0x1BF5;
	p2 =	por !p2, p0  }
0x20: {  	[sflag:s8] =	ssyncset.s32 @!p0 $0xFFFFF086;
	s6 =	sadd.s32 @!p0 s3, s7;
	s7 =	simm.s32 @!p0 $0x108  }
0x21: {  	s3 =	sadd.s32 s3, s9;
	s6 =	sadd.s32 @!p0 $0x88, s6;
	s7 =	simm.s32 @p2 $0x1082  }
0x22: {  	[simem:s7], [sflag:s8] =	dma.local @!p0 [hbm:s6], $0xF7A  }
0x23: {  	s9 =	sor.u32 $0xD0000000, s2;
	s6 =	simm.s32 $0x108;
	_ =	swait.ge @!p0 [sflag:s8], $0x0  }
0x24: {  	s3 =	sadd.s32 $0x88, s3;
	s6 =	simm.s32 @!p1 $0x1082;
	[sflag:s4] =	ssyncset.s32 $0xFFFFF086  }
0x25: {  	[simem:s6], [sflag:s4] =	dma.local [hbm:s3], $0xF7A  }
0x26: {  	[smem:$0x3F7D] =	sst s1;
	(tag) =	ssettag s2;
	_ =	strace s9  }
0x27: {  	s1 =	sld [smem:$0x3F8D]  }
0x28: {  	s2 =	sld [smem:$0x3F8E]  }
0x29: {  	s4 =	sld [smem:$0x3F90]  }
0x2a: {  	p0 =	seq.s32 s5, $0x0;
	s5 =	sld [smem:$0x3F91]  }
0x2b: {  	s6 =	sld [smem:$0x3F92]  }
0x2c: {  	s7 =	sld [smem:$0x3F93]  }
0x2d: {  	s3 =	simm.s32 $0x108;
	s8 =	sld [smem:$0x3F94]  }
0x2e: {  	s3 =	simm.s32 @!p0 $0x1082;
	s9 =	sld [smem:$0x3F95]  }
0x2f: {  	lr =	sadd.s32 s0, s3;
	s0 =	sld [smem:$0x3F8C]  }
0x30: {  	s3 =	sld [smem:$0x3F8F]  }
0x31: {  	[smem:$0x3F98] =	sst s10  }
0x32: {  	s10 =	sld [smem:$0x3F96];
	_ =	sdelay $0x3  }
0x33: {  	p0 =	seq.s32 s10, $0x1;
	s10 =	sld [smem:$0x3F98];
	_ =	sdelay $0x3  }
0x34: {  	[smem:$0x3F98] =	sst s10  }
0x35: {  	s10 =	sld [smem:$0x3F97];
	_ =	sdelay $0x3  }
0x36: {  	p1 =	seq.s32 s10, $0x1;
	s10 =	sld [smem:$0x3F98];
	_ =	sdelay $0x3  }
0x37: {  	[smem:$0x3F98] =	sst s10  }
0x38: {  	s10 =	sld [smem:$0x3F99]  }
0x39: {  	_ = 	snop;
	(pc) =	sbr.ind lr, $3  }
0x3a: {  	_ = 	snop  }
0x3b: {  	_ = 	snop  }
0x3c: {  	p2 =	seq.s32 s10, $0x1;
	s10 =	sld [smem:$0x3F98]  }
0x3d: {  	_ =	shalt  }
0x3e: {  	_ =	shalt  }
0x3f: {  	_ =	shalt  }
0x40: {  	_ =	shalt  }
0x41: {  	_ =	shalt  }
0x42: {  	_ =	shalt  }
0x43: {  	_ =	shalt  }
0x44: {  	_ =	shalt  }
0x45: {  	_ =	shalt  }
0x46: {  	_ =	shalt  }
0x47: {  	_ =	shalt  }
0x48: {  	_ =	shalt  }
0x49: {  	_ =	shalt  }
0x4a: {  	_ =	shalt  }
0x4b: {  	_ =	shalt  }
0x4c: {  	_ =	shalt  }
0x4d: {  	_ =	shalt  }
0x4e: {  	_ =	shalt  }
0x4f: {  	_ =	shalt  }
0x50: {  	_ =	shalt  }
0x51: {  	_ =	shalt  }
0x52: {  	_ =	shalt  }
0x53: {  	_ =	shalt  }
0x54: {  	_ =	shalt  }
0x55: {  	_ =	shalt  }
0x56: {  	_ =	shalt  }
0x57: {  	_ =	shalt  }
0x58: {  	_ =	shalt  }
0x59: {  	_ =	shalt  }
0x5a: {  	_ =	shalt  }
0x5b: {  	_ =	shalt  }
0x5c: {  	_ =	shalt  }
0x5d: {  	_ =	shalt  }
0x5e: {  	_ =	shalt  }
0x5f: {  	_ =	shalt  }
0x60: {  	_ =	shalt  }
0x61: {  	_ =	shalt  }
0x62: {  	_ =	shalt  }
0x63: {  	_ =	shalt  }
0x64: {  	_ =	shalt  }
0x65: {  	_ =	shalt  }
0x66: {  	_ =	shalt  }
0x67: {  	_ =	shalt  }
0x68: {  	_ =	shalt  }
0x69: {  	_ =	shalt  }
0x6a: {  	_ =	shalt  }
0x6b: {  	_ =	shalt  }
0x6c: {  	_ =	shalt  }
0x6d: {  	_ =	shalt  }
0x6e: {  	_ =	shalt  }
0x6f: {  	_ =	shalt  }
0x70: {  	_ =	shalt  }
0x71: {  	_ =	shalt  }
0x72: {  	_ =	shalt  }
0x73: {  	_ =	shalt  }
0x74: {  	_ =	shalt  }
0x75: {  	_ =	shalt  }
0x76: {  	_ =	shalt  }
0x77: {  	_ =	shalt  }
0x78: {  	_ =	shalt  }
0x79: {  	_ =	shalt  }
0x7a: {  	_ =	shalt  }
0x7b: {  	_ =	shalt  }
0x7c: {  	_ =	shalt  }
0x7d: {  	_ =	shalt  }
0x7e: {  	_ =	shalt  }
0x7f: {  	_ =	shalt  }
0x80: {  	_ =	shalt  }
0x81: {  	_ =	shalt  }
0x82: {  	_ =	shalt  }
0x83: {  	_ =	shalt  }
0x84: {  	_ =	shalt  }
0x85: {  	_ =	shalt  }
0x86: {  	_ =	shalt  }
0x87: {  	_ =	shalt  }
.Lfunc_end0:
.L_simem_size_0:
called_computation.2_lowered:
.L_overlay_start_0:
0x88: {  	s2 =	sld [smem:$0x3FD9]  }
0x89: {  	s3 =	sld [smem:$0x3FFE];
	_ =	sdelay $0x1  }
0x8a: {  	s1 =	srdreg.scid  }
0x8b: {  	s0 =	sand.u32 $0x1, s1  }
0x8c: {  	s17 =	sshll.u32 s0, $0xA;
	s2 =	sadd.s32 s3, s2  }
0x8d: {  	s2 =	sadd.s32 s2, s17  }
0x8e: {  	[smem:$0x3FA4] =	sst s2  }
0x8f: {  	_ = 	snop  }
0x90: {  	(tm) =	ssettm $0x1  }
0x91: {  	s18 =	sld [smem:$0x3FFB];
	_ =	sdelay $0x3  }
0x92: {  	_ =	strace s18  }
0x93: {  	s2 =	sld [smem:$0x3FFC];
	_ =	sdelay $0x3  }
0x94: {  	_ =	strace s2  }
0x95: {  	s2 =	sld [smem:$0x3FFD];
	_ =	sdelay $0x3  }
0x96: {  	_ =	strace s2  }
0x97: {  	_ =	strace $0x8FFFFFFF  }
0x98: {  	s19 =	sld [smem:$0x3FDB];
	_ =	sdelay $0x1  }
0x99: {  	s20 =	simm.s32 $_scs_section_size  }
0x9a: {  	s4 =	simm.s32 $_size__tile_overlayer_lowered;
	s5 =	simm.s32 $_tile_overlayer_lowered  }
0x9b: {  	s6 =	simm.s32 $0x1BFF;
	s21 =	sshll.u32 s5, $0x1;
	s3 =	sadd.s32 s20, s19  }
0x9c: {  	s22 =	simm.s32 $0x0;
	s4 =	sshll.u32 s4, $0x1;
	s5 =	sadd.s32 s21, s3  }
0x9d: {  	[timem:s22], [sflag:s6] =	dma.local [hbm:s5], s4  }
0x9e: {  	_ =	swait.ge [sflag:s6], s4  }
0x9f: {  	s4 =	ssub.s32 $0x0, s4;
	[sflag:s6] =	ssyncset.done $0x0  }
0xa0: {  	[sflag:s6] =	ssyncadd.s32 s4;
	_ =	sdelay $0x1  }
0xa1: {  	s23 =	simm.s32 $0x1B8B  }
0xa2: {  	_ =	swait.ge [sflag:s23], $0x1  }
0xa3: {  	[sflag:s23] =	ssyncset.done $0x0  }
0xa4: {  	[sflag:s23] =	ssyncadd.s32 $0xFFFFFFFF  }
0xa5: {  	s4 =	sld [smem:$0x0]  }
0xa6: {  	s5 =	sand.u32 $0xFFFFFFFE, s1  }
0xa7: {  	p0 =	sne.s32 s1, s5  }
0xa8: {  	s5 =	sshll.u32 @p0 s5, $0xE  }
0xa9: {  	s5 =	sadd.s32 @p0 $0x11B8D, s5;
	s6 =	sshll.u32 @p0 s4, $0x11  }
0xaa: {  	s5 =	sor.u32 @p0 s6, s5  }
0xab: {  	[sflag:s5] =	ssyncadd.remote.s32 @p0 $0x1;
	_ =	sdelay $0x1  }
0xac: {  	s5 =	simm.s32 @p0 $0x1B8D  }
0xad: {  	_ =	swait.eq @p0 [sflag:s5], $0x1  }
0xae: {  	[sflag:s5] =	ssyncadd.s32 @p0 $0xFFFFFFFF  }
0xaf: {  	s6 =	sshll.u32 @!p0 s1, $0xE  }
0xb0: {  	s6 =	sor.u32 @!p0 $0x4000, s6;
	s5 =	simm.s32 @!p0 $0x1B8D  }
0xb1: {  	s4 =	sshll.u32 @!p0 s4, $0x11;
	s6 =	sadd.s32 @!p0 $0x11B8D, s6;
	_ =	swait.eq @!p0 [sflag:s5], $0x1  }
0xb2: {  	s4 =	sor.u32 @!p0 s4, s6;
	[sflag:s5] =	ssyncadd.s32 @!p0 $0xFFFFFFFF  }
0xb3: {  	s25 =	simm.s32 $0x1B8E;
	s24 =	sld [smem:$0x3FFE];
	[sflag:s4] =	ssyncadd.remote.s32 @!p0 $0x1  }
0xb4: {  	s26 =	simm.s32 $execute0_lowered;
	[smem:$0x3FD2] =	sst s25  }
0xb5: {  	s5 =	sshll.u32 s26, $0x1;
	_ =	strace $0x8000004F;
	[dreg:$0x1] =	wrdreg $0xFFFFFFFF  }
0xb6: {  	s28 =	simm.s32 $_size_execute0_lowered;
	s3 =	sadd.s32 s3, s5;
	[dreg:$0x0] =	wrdreg $0x0  }
0xb7: {  	s5 =	sshll.u32 s28, $0x1;
	[dreg:$0x2] =	wrdreg s3  }
0xb8: {  	[dreg:$0x3] =	wrdreg s5  }
0xb9: {  	[dreg:$0x4] =	wrdreg $0xC0  }
0xba: {  	_ =	task [dreg:s22], $0x5FFFF  }
0xbb: {  	[dreg:$0x1] =	wrdreg $0xFFFFFFFF  }
0xbc: {  	[dreg:$0x0] =	wrdreg $0x60  }
0xbd: {  	[dreg:$0x2] =	wrdreg s24  }
0xbe: {  	[dreg:$0x3] =	wrdreg $0xC1000  }
0xbf: {  	[dreg:$0x4] =	wrdreg $0x9  }
0xc0: {  	_ =	task.clear_ibuf [dreg:s22], $0x5FFFF;
	_ =	strace $0x9000004F  }
0xc1: {  	s29 =	simm.s32 $0x9;
	_ =	strace $0x80000051  }
0xc2: {  	_ =	swait.ge [sflag:s29], $0x1  }
0xc3: {  	[sflag:s29] =	ssyncadd.s32 $0xFFFFFFFF  }
0xc4: {  	_ =	strace $0x90000051  }
0xc5: {  	_ =	sfence  }
0xc6: {  	s30 =	sld [smem:$0x0];
	_ =	sdelay $0x2  }
0xc7: {  	s31 =	sshll.u32 s1, $0xD;
	s1 =	sshrl.u32 s1, $0x2  }
0xc8: {  	s4 =	sand.u32 $0x4000, s31;
	s1 =	sadd.s32 s1, s30  }
0xc9: {  	s0 =	sor.u32 s4, s0;
	s1 =	sshll.u32 s1, $0x11  }
0xca: {  	s0 =	sor.u32 s1, s0  }
0xcb: {  	s0 =	sadd.s32 $0x8F2B, s0  }
0xcc: {  	[sflag:s0] =	ssyncadd.remote.s32 $0x1  }
0xcd: {  	_ =	sfence.sel $0xFFFF  }
0xce: {  	[dreg:$0x0] =	wrdreg $0xFFFFFFFF;
	(pc) =	sbr.abs _section_cstart, $3  }
0xcf: {  	[dreg:$0x1] =	wrdreg $0xFFFFFFFF  }
0xd0: {  	_ =	task.clear_ibuf [dreg:s22], $0x2FFFF;
	_ =	strace $0x9FFFFFFF  }
0xd1: {  	(tm) =	ssettm $0x7FFFFFFF  }
tec
execute0_lowered:
.L_overlay_start_1:
0x0: {  	(tag) =	ssettag $0x1  }
0x1: {  	v0 =	vimm.s32 $0xEFCDAB89;
	s8 =	rddreg [dreg:$0x0];
	v1 =	vimm.s32 $0x67452301;
	v2 =	vimm.s32 $0xDCFE98BA  }
0x2: {  	s1 =	rddreg [dreg:$0x1];
	v3 =	vimm.s32 $0x54761032;
	v4 =	vimm.s32 $0xBA98FEDC;
	v5 =	vimm.s32 $0x32107654  }
0x3: {  	s0 =	rddreg [dreg:$0x2];
	s2 =	simm.s32 $0x0;
	s6 =	srdreg.scid;
	v6 =	vimm.s32 $0xFEDCBA98;
	v7 =	vimm.s32 $0x76543210;
	v0 =	vunpack.c.l.s4.s8 v0  }
0x4: {  	s11 =	stileid.u32;
	s14 =	simm.s32 $0x100;
	s15 =	simm.s32 $0x1;
	v1 =	vunpack.c.l.s4.s8 v1;
	v2 =	vunpack.c.l.s4.s8 v2;
	v3 =	vunpack.c.l.s4.s8 v3  }
0x5: {  	s16 =	simm.s32 $0x4100;
	s17 =	simm.s32 $0x8100;
	[smem:$0x7FF] =	sst s2;
	v4 =	vunpack.c.l.s4.s8 v4;
	v5 =	vunpack.c.l.s4.s8 v5;
	v6 =	vunpack.c.l.s4.s8 v6  }
0x6: {  	s3 =	sadd.s32 $0x14FC00, s8;
	s4 =	sadd.s32 $0x2A400, s8;
	s5 =	sadd.s32 $0x51600, s8;
	v0 =	vunpack.c.0.s8.s32 v0;
	v1 =	vunpack.c.0.s8.s32 v1;
	v2 =	vunpack.c.0.s8.s32 v2  }
0x7: {  	s9 =	sand.u32 $0x1, s6;
	s6 =	sadd.s32 $0x5B400, s8;
	s7 =	sadd.s32 $0x65200, s8;
	v3 =	vunpack.c.0.s8.s32 v3;
	v4 =	vunpack.c.0.s8.s32 v4;
	v5 =	vunpack.c.0.s8.s32 v5  }
0x8: {  	s13 =	sshll.u32 s11, $0x1;
	v7 =	vunpack.c.l.s4.s8 v7;
	p0 =	sne.s32 s11, $0x0;
	_ =	strace $0x80000050;
	v1 =	vcombine.low v1, v0  }
0x9: {  	s10 =	smul.u32 $0x27180, s9;
	s12 =	ssub.s32 $0x2, s9;
	s9 =	sor.u32 s9, s13;
	v2 =	vcombine.low v3, v2;
	v3 =	vcombine.low v5, v4;
	v4 =	vunpack.c.0.s8.s32 v6  }
0xa: {  	vm0 =	vcmask $0x3F08;
	vm1 =	vmmov $0x1;
	s11 =	sshrl.u32 @!p0 s1, $0x3;
	s13 =	simm.s32 $0x2;
	s31 =	sshrl.u32 s12, $0x1;
	v5 =	vunpack.c.0.s8.s32 v7  }
0xb: {  	s10 =	sadd.s32 s10, s8;
	s12 =	ssub.s32 s12, s31;
	s8 =	smul.u32 $0x4F, s9;
	v0 =	vimm.f32 $0.0e+00;
	v1 =	vand.u32 $0xF, v1;
	v4 =	vand.u32 $0xF, v4  }
0xc: {  	s9 =	sadd.s32 $0x18AA00, s10;
	s10 =	smax.u32 s12, $0x1;
	s12 =	simm.s32 $0x80;
	v2 =	vand.u32 $0xF, v2;
	v3 =	vand.u32 $0xF, v3;
	v4 =	vcombine.low v4, v5  }
.LBB2_1:
0xd: {  	s18 =	simm.s32 @!p0 $0x1C02  }
0xe: {  	[spmem:s11], [sflag:s18] =	dma.local @!p0 [hbm:s7], $0x27180  }
0xf: {  	s18 =	simm.s32 @!p0 $0x2  }
0x10: {  	_ =	swait.ge @!p0 [sflag:s18], $0x27180  }
0x11: {  	[sflag:s18] =	ssyncset.done @!p0 $0x0  }
0x12: {  	s19 =	simm.s32 $0xFFFFC000;
	[sflag:s18] =	ssyncadd.s32 @!p0 $0xFFFD8E80;
	s18 =	simm.s32 $0xFFFF0200  }
.LBB2_2:
0x13: {  	p1 =	sne.s32 s18, $0xFFFFFE00;
	[tilespmem:s19+$0xC170] =	vst v0;
	s20 =	smov.u32 s18;
	s18 =	sadd.s32 $0x200, s18  }
.Ltmp0:
0x14: {  	[tilespmem:s19+$0xC150] =	vst v0;
	(pc) =	sbr.rel @p1 .LBB2_2-.Ltmp0, $2  }
0x15: {  	[tilespmem:s19+$0xC160] =	vst v0;
	_ =	sdelay $0x2  }
0x16: {  	s19 =	sshra.s32 s20, $0x2  }
0x17: {  	[tilespmem:s19+$0xC170] =	vst v0  }
0x18: {  	[tilespmem:s19+$0xC150] =	vst v0  }
0x19: {  	[tilespmem:s19+$0xC160] =	vst v0  }
0x1a: {  	s18 =	simm.s32 $0x0;
	s19 =	simm.s32 $0x0;
	[bflag:$0x0] =	sbarrier.arrive $0xFFFF  }
.LBB2_4:
0x1b: {  	s20 =	sadd.s32 s8, s19  }
0x1c: {  	s20 =	sshll.u32 s20, $0x4  }
0x1d: {  	s21 =	sadd.s32 s6, s20  }
0x1e: {  	[tilespmem:s12], [sflag:$0x2] =	stream.linear.gather [hbm4b:s21+s18], $0x80, $0x38;
	[tilespmem:$0x1F9C0] =	vst v63  }
0x1f: {  	_ =	swait.ge [sflag:s13], $0x80  }
0x20: {  	[sflag:s13] =	ssyncset.done $0x0  }
0x21: {  	[sflag:s13] =	ssyncadd.s32 $0xFFFFFF80  }
0x22: {  	[tilespmem:s14], [sflag:$0x1] =	stream.indirect.gather [hbm4b:s3+s12], $0x80, s12, s12, $0xb8;
	[tilespmem:$0x1F9C0] =	vst v63  }
0x23: {  	_ =	swait.ge [sflag:s15], $0x4000  }
0x24: {  	[sflag:s15] =	ssyncset.done $0x0  }
0x25: {  	s20 =	sadd.s32 s5, s20;
	[sflag:s15] =	ssyncadd.s32 $0xFFFFC000  }
0x26: {  	[tilespmem:s18], [sflag:$0x2] =	stream.linear.gather [hbm4b:s20+s18], $0x80, $0x38;
	[tilespmem:$0x1F9C0] =	vst v63  }
0x27: {  	_ =	swait.ge [sflag:s13], $0x80  }
0x28: {  	[sflag:s13] =	ssyncset.done $0x0  }
0x29: {  	[sflag:s13] =	ssyncadd.s32 $0xFFFFFF80  }
0x2a: {  	[tilespmem:s16], [sflag:$0x1] =	stream.indirect.gather [hbm4b:s4+s12], $0x80, s18, s12, $0xb8;
	[tilespmem:$0x1F9C0] =	vst v63  }
0x2b: {  	_ =	swait.ge [sflag:s15], $0x4000  }
0x2c: {  	[sflag:s15] =	ssyncset.done $0x0  }
0x2d: {  	s21 =	simm.s32 $0x0;
	[sflag:s15] =	ssyncadd.s32 $0xFFFFC000  }
0x2e: {  	v6 =	vld [tilespmem:s21+$0x120]  }
0x2f: {  	v7 =	vld [tilespmem:s21+$0x130]  }
0x30: {  	v8 =	vld [tilespmem:s21+$0x4120]  }
0x31: {  	v9 =	vld [tilespmem:s21+$0x4130];
	_ =	sdelay $0x1  }
0x32: {  	v10 =	vld [tilespmem:s21+$0x100]  }
0x33: {  	v11 =	vld [tilespmem:s21+$0x110]  }
0x34: {  	v12 =	vld [tilespmem:s21+$0x4100]  }
0x35: {  	s20 =	simm.s32 $0x80;
	v13 =	vld [tilespmem:s21+$0x4110];
	v8 =	vmul.f32 v8, v6;
	v7 =	vmul.f32 v9, v7  }
0x36: {  	v14 =	vld [tilespmem:s20+$0x100]  }
0x37: {  	v15 =	vld [tilespmem:s20+$0x110];
	v7 =	vadd.f32 v7, v8  }
0x38: {  	v16 =	vld [tilespmem:s20+$0x130]  }
0x39: {  	v17 =	vld [tilespmem:s20+$0x4120];
	v8 =	vperm.xlane v7, v1  }
0x3a: {  	v20 =	vld [tilespmem:s20+$0x4110]  }
0x3b: {  	v9 =	vld [tilespmem:s20+$0x120];
	v7 =	vadd.f32 v8, v7;
	v8 =	vmul.f32 v12, v10;
	v10 =	vmul.f32 v13, v11  }
0x3c: {  	v13 =	vld [tilespmem:s20+$0x4130]  }
0x3d: {  	v12 =	vld [tilespmem:s20+$0x4100];
	v18 =	vperm.xlane v7, v2;
	v19 =	vadd.f32 v10, v8;
	_ =	sdelay $0x1  }
0x3e: {  	v18 =	vadd.f32 v18, v7;
	v7 =	vperm.xlane v19, v1  }
0x3f: {  	v17 =	vmul.f32 v17, v9  }
0x40: {  	v13 =	vmul.f32 v13, v16;
	v21 =	vperm.xlane v18, v3;
	v19 =	vadd.f32 v7, v19  }
0x41: {  	s22 =	simm.s32 $0x100;
	v5 =	vld [tilespmem:s21+$0x4140];
	v12 =	vmul.f32 v12, v14;
	v14 =	vmul.f32 v20, v15  }
0x42: {  	v23 =	vld [tilespmem:s22+$0x4120];
	v13 =	vadd.f32 v13, v17;
	v15 =	vadd.f32 v21, v18;
	v16 =	vperm.xlane v19, v2  }
0x43: {  	v25 =	vld [tilespmem:s22+$0x4110];
	v12 =	vadd.f32 v14, v12  }
0x44: {  	v6 =	vld [tilespmem:s21+$0x4150];
	v21 =	vperm.xlane v13, v1;
	v14 =	vperm.xlane v15, v4;
	v16 =	vadd.f32 v16, v19  }
0x45: {  	v9 =	vld [tilespmem:s20+$0x4150]  }
0x46: {  	v11 =	vld [tilespmem:s21+$0x4160];
	v14 =	vadd.f32 v14, v15;
	v15 =	vadd.f32 v21, v13;
	v13 =	vperm.xlane v16, v3  }
0x47: {  	v20 =	vld [tilespmem:s22+$0x120]  }
0x48: {  	v10 =	vld [tilespmem:s21+$0x4170];
	v24 =	vperm.xlane v15, v2;
	v16 =	vadd.f32 v13, v16  }
0x49: {  	v8 =	vld [tilespmem:s20+$0x4140]  }
0x4a: {  	v7 =	vld [tilespmem:s20+$0x4160];
	v24 =	vadd.f32 v24, v15;
	v27 =	vperm.xlane v16, v4  }
0x4b: {  	v18 =	vld [tilespmem:s22+$0x100];
	v22 =	vperm.xlane v12, v1  }
0x4c: {  	v19 =	vld [tilespmem:s22+$0x130];
	v20 =	vmul.f32 v23, v20;
	v23 =	vperm.xlane v24, v3;
	v27 =	vadd.f32 v27, v16  }
0x4d: {  	v12 =	vadd.f32 v22, v12;
	v22 =	vld [tilespmem:s22+$0x4130];
	v14 =	vmul.f32 $1.767766920e-01, v14  }
0x4e: {  	v21 =	vld [tilespmem:s22+$0x4100];
	v23 =	vadd.f32 v23, v24;
	v24 =	vmul.f32 $1.767766920e-01, v27  }
0x4f: {  	v17 =	vld [tilespmem:s22+$0x110];
	v26 =	vperm.xlane v12, v2;
	v14 =	vmul.f32 $1.442695020e+00, v14  }
0x50: {  	v13 =	vld [tilespmem:s20+$0x4170];
	v24 =	vmul.f32 $1.442695020e+00, v24  }
0x51: {  	v26 =	vadd.f32 v26, v12;
	v12 =	vld [tilespmem:s22+$0x4150];
	(erf) = vpow2.f32 v14  }
0x52: {  	s23 =	simm.s32 $0x180;
	v15 =	vld [tilespmem:s22+$0x4140];
	v19 =	vmul.f32 v22, v19;
	(erf) = vpow2.f32 v24  }
0x53: {  	v22 =	vperm.xlane v26, v3;
	v21 =	vmul.f32 v21, v18;
	v18 =	vld [tilespmem:s23+$0x100]  }
0x54: {  	v17 =	vmul.f32 v25, v17;
	v14 =	vld [tilespmem:s22+$0x4160]  }
0x55: {  	v16 =	vld [tilespmem:s22+$0x4170];
	v25 =	vadd.f32 v19, v20;
	v22 =	vadd.f32 v22, v26  }
0x56: {  	v19 =	vld [tilespmem:s23+$0x110];
	v17 =	vadd.f32 v17, v21;
	v26 =	vperm.xlane v23, v4  }
0x57: {  	v20 =	vld [tilespmem:s23+$0x130];
	v27 =	vperm.xlane v25, v1;
	v28 =	vperm.xlane v22, v4  }
0x58: {  	v21 =	vld [tilespmem:s23+$0x120];
	v30 =	vperm.xlane v17, v1;
	v29 =	vadd.f32 v26, v23  }
0x59: {  	v24 =	vld [tilespmem:s23+$0x4120];
	v23 =	vadd.f32 v27, v25;
	v26 =	vadd.f32 v28, v22  }
0x5a: {  	s24 =	simm.s32 $0x800;
	v22 =	vld [tilespmem:s23+$0x4100];
	v25 =	vadd.f32 v30, v17;
	v27 =	vmul.f32 $1.767766920e-01, v29;
	v17 =	vpop (erf)  }
.LBB2_5:
0x5b: {  	p1 =	sne.s32 s24, $0xFE00;
	v28 =	vld [tilespmem:s23+$0x4130];
	v29 =	vperm.xlane v23, v2;
	v26 =	vmul.f32 $1.767766920e-01, v26;
	v30 =	vsel vm0, $0x0, v17;
	v31 =	vpop (erf);
	s25 =	smov.u32 s22;
	s22 =	smov.u32 s23  }
0x5c: {  	v34 =	vmovc v13;
	v13 =	vmovc v16;
	v32 =	vld [tilespmem:s22+$0x4110];
	v33 =	vperm.xlane v25, v2;
	v27 =	vmul.f32 $1.442695020e+00, v27;
	v30 =	vsel vm1, v31, v30  }
0x5d: {  	v35 =	vld [tilespmem:s22+$0x4140];
	v23 =	vadd.f32 v29, v23;
	v16 =	vmul.f32 $1.442695020e+00, v26;
	v26 =	vmul.f32 v31, v5;
	[tilespmem:s21+$0x8140] =	vst v30;
	v5 =	vmovc v8  }
0x5e: {  	v8 =	vmovc v15;
	v21 =	vmul.f32 v24, v21;
	v24 =	vld [tilespmem:s22+$0x4150];
	v25 =	vadd.f32 v33, v25;
	(erf) = vpow2.f32 v27  }
0x5f: {  	v27 =	vld [tilespmem:s22+$0x4160];
	v30 =	vperm.xlane v23, v3;
	(erf) = vpow2.f32 v16;
	[tilespmem:s21+$0x8100] =	vst v26  }
0x60: {  	v20 =	vmul.f32 v28, v20;
	v16 =	vld [tilespmem:s22+$0x4170];
	v26 =	vperm.xlane v25, v3  }
0x61: {  	s23 =	sshra.s32 s24, $0x2;
	v22 =	vmul.f32 v22, v18;
	v28 =	vmul.f32 v32, v19;
	v23 =	vadd.f32 v30, v23  }
0x62: {  	v18 =	vld [tilespmem:s23+$0x100];
	v29 =	vadd.f32 v20, v21;
	v25 =	vadd.f32 v26, v25;
	v20 =	vmul.f32 v31, v6;
	v15 =	vmovc v35  }
.Ltmp1:
0x63: {  	v33 =	vmul.f32 v11, v17;
	v6 =	vmovc v9;
	v19 =	vld [tilespmem:s23+$0x110];
	v28 =	vadd.f32 v28, v22;
	v22 =	vperm.xlane v23, v4;
	(pc) =	sbr.rel @p1 .LBB2_5-.Ltmp1, $4  }
0x64: {  	v9 =	vmovc v12;
	v12 =	vmov v24;
	v21 =	vld [tilespmem:s23+$0x120];
	v26 =	vperm.xlane v29, v1;
	v30 =	vperm.xlane v25, v4;
	[tilespmem:s21+$0x8110] =	vst v20  }
0x65: {  	v20 =	vld [tilespmem:s23+$0x130];
	v31 =	vperm.xlane v28, v1;
	v32 =	vadd.f32 v22, v23;
	[tilespmem:s21+$0x8120] =	vst v33;
	v33 =	vmul.f32 v10, v17  }
0x66: {  	v11 =	vmovc v7;
	v7 =	vmovc v14;
	v14 =	vmov v27;
	v24 =	vld [tilespmem:s23+$0x4120];
	v23 =	vadd.f32 v26, v29;
	v26 =	vadd.f32 v30, v25  }
0x67: {  	s24 =	sadd.s32 $0x200, s24;
	v10 =	vmov v34;
	v22 =	vld [tilespmem:s23+$0x4100];
	v25 =	vadd.f32 v31, v28;
	v27 =	vmul.f32 $1.767766920e-01, v32;
	v17 =	vpop (erf);
	[tilespmem:s21+$0x8130] =	vst v33;
	s21 =	smov.u32 s20;
	s20 =	smov.u32 s25  }
0x68: {  	v28 =	vld [tilespmem:s23+$0x4130]  }
0x69: {  	v29 =	vld [tilespmem:s23+$0x4110];
	_ =	sdelay $0x3  }
0x6a: {  	v21 =	vmul.f32 v24, v21;
	v20 =	vmul.f32 v28, v20  }
0x6b: {  	v18 =	vmul.f32 v22, v18;
	v19 =	vmul.f32 v29, v19  }
0x6c: {  	v20 =	vadd.f32 v20, v21  }
0x6d: {  	v37 =	vperm.xlane v23, v2;
	v18 =	vadd.f32 v19, v18  }
0x6e: {  	v38 =	vperm.xlane v25, v2;
	v39 =	vperm.xlane v20, v1  }
0x6f: {  	v21 =	vadd.f32 v37, v23;
	v40 =	vperm.xlane v18, v1  }
0x70: {  	v19 =	vadd.f32 v38, v25;
	v20 =	vadd.f32 v39, v20  }
0x71: {  	v41 =	vperm.xlane v21, v3;
	v18 =	vadd.f32 v40, v18  }
0x72: {  	v42 =	vperm.xlane v19, v3;
	v43 =	vperm.xlane v20, v2  }
0x73: {  	v21 =	vadd.f32 v41, v21;
	v44 =	vperm.xlane v18, v2  }
0x74: {  	v45 =	vmul.f32 $1.767766920e-01, v26;
	v19 =	vadd.f32 v42, v19;
	v20 =	vadd.f32 v43, v20  }
0x75: {  	v46 =	vmul.f32 $1.442695020e+00, v27;
	v47 =	vperm.xlane v21, v4;
	v18 =	vadd.f32 v44, v18  }
0x76: {  	v48 =	vperm.xlane v19, v4;
	v49 =	vperm.xlane v20, v3  }
0x77: {  	v25 =	vmul.f32 $1.442695020e+00, v45;
	v21 =	vadd.f32 v47, v21;
	v50 =	vperm.xlane v18, v3  }
0x78: {  	(erf) = vpow2.f32 v46;
	v19 =	vadd.f32 v48, v19;
	v20 =	vadd.f32 v49, v20  }
0x79: {  	(erf) = vpow2.f32 v25;
	v21 =	vmul.f32 $1.767766920e-01, v21;
	v18 =	vadd.f32 v50, v18  }
0x7a: {  	v19 =	vmul.f32 $1.767766920e-01, v19;
	v53 =	vperm.xlane v20, v4  }
0x7b: {  	v51 =	vsel vm0, $0x0, v17;
	v52 =	vpop (erf);
	v21 =	vmul.f32 $1.442695020e+00, v21;
	v55 =	vperm.xlane v18, v4  }
0x7c: {  	v22 =	vsel vm1, v52, v51;
	v19 =	vmul.f32 $1.442695020e+00, v19;
	v20 =	vadd.f32 v53, v20  }
0x7d: {  	v54 =	vld [tilespmem:s23+$0x4140];
	v5 =	vmul.f32 v52, v5;
	[tilespmem:s21+$0x8140] =	vst v22;
	(erf) = vpow2.f32 v21;
	v18 =	vadd.f32 v55, v18  }
0x7e: {  	v22 =	vld [tilespmem:s23+$0x4150];
	(erf) = vpow2.f32 v19;
	v57 =	vmul.f32 $1.767766920e-01, v20  }
0x7f: {  	v56 =	vld [tilespmem:s23+$0x4160];
	[tilespmem:s21+$0x8100] =	vst v5;
	v5 =	vmul.f32 v52, v6;
	v6 =	vmul.f32 $1.767766920e-01, v18  }
0x80: {  	v11 =	vmul.f32 v11, v17;
	v19 =	vmul.f32 $1.442695020e+00, v57  }
0x81: {  	v58 =	vld [tilespmem:s23+$0x4170];
	[tilespmem:s21+$0x8110] =	vst v5;
	v5 =	vmul.f32 v10, v17;
	v59 =	vpop (erf);
	v6 =	vmul.f32 $1.442695020e+00, v6  }
0x82: {  	[tilespmem:s21+$0x8120] =	vst v11;
	v60 =	vsel vm0, $0x0, v59;
	v61 =	vpop (erf);
	(erf) = vpow2.f32 v19  }
0x83: {  	[tilespmem:s21+$0x8130] =	vst v5;
	v5 =	vsel vm1, v61, v60;
	v8 =	vmul.f32 v61, v8;
	(erf) = vpow2.f32 v6  }
0x84: {  	[tilespmem:s20+$0x8140] =	vst v5;
	v5 =	vmul.f32 v61, v9  }
0x85: {  	[tilespmem:s20+$0x8100] =	vst v8;
	v6 =	vmul.f32 v7, v59  }
0x86: {  	[tilespmem:s20+$0x8110] =	vst v5;
	v5 =	vmul.f32 v13, v59;
	v7 =	vpop (erf)  }
0x87: {  	v62 =	vpop (erf);
	[tilespmem:s20+$0x8120] =	vst v6;
	v6 =	vsel vm0, $0x0, v7  }
0x88: {  	[tilespmem:s20+$0x8130] =	vst v5;
	v5 =	vsel vm1, v62, v6;
	v6 =	vmul.f32 v62, v15  }
0x89: {  	[tilespmem:s22+$0x8140] =	vst v5;
	v5 =	vmul.f32 v62, v12  }
0x8a: {  	[tilespmem:s22+$0x8100] =	vst v6;
	v6 =	vmul.f32 v14, v7  }
0x8b: {  	[tilespmem:s22+$0x8110] =	vst v5;
	v5 =	vmul.f32 v16, v7;
	v7 =	vpop (erf)  }
0x8c: {  	[tilespmem:s22+$0x8120] =	vst v6;
	v6 =	vsel vm0, $0x0, v7;
	v63 =	vpop (erf)  }
0x8d: {  	[tilespmem:s22+$0x8130] =	vst v5;
	v5 =	vsel vm1, v63, v6;
	v6 =	vmul.f32 v63, v54  }
0x8e: {  	[tilespmem:s23+$0x8140] =	vst v5;
	v5 =	vmul.f32 v63, v22  }
0x8f: {  	[tilespmem:s23+$0x8100] =	vst v6;
	v6 =	vmul.f32 v56, v7  }
0x90: {  	s19 =	sadd.s32 $0x1, s19;
	[tilespmem:s23+$0x8110] =	vst v5;
	v5 =	vmul.f32 v58, v7  }
0x91: {  	p1 =	sne.s32 s19, $0x4F;
	[tilespmem:s23+$0x8120] =	vst v6  }
.Ltmp2:
0x92: {  	[tilespmem:s23+$0x8130] =	vst v5;
	(pc) =	sbr.rel @p1 .LBB2_4-.Ltmp2, $4  }
0x93: {  	[spmem:s1] =	stream.indirect.scatter.add.f32 [tilespmem:s17], [sflag:$0x2], $0x80, s12, s12, $0xb8;
	[tilespmem:$0x1F9C0] =	vst v63  }
0x94: {  	_ =	swait.ge [sflag:s13], $0x4000  }
0x95: {  	[sflag:s13] =	ssyncset.done $0x0  }
0x96: {  	[sflag:s13] =	ssyncadd.s32 $0xFFFFC000  }
0x97: {  	[bflag:$0x0] =	sbarrier.arrive $0xFFFF;
	s18 =	simm.s32 @!p0 $0x1C02;
	s2 =	sadd.s32 $0x1, s2  }
0x98: {  	[hbm:s9], [sflag:s18] =	dma.local @!p0 [spmem:s11], $0x27180  }
0x99: {  	p1 =	sne.s32 s2, s10  }
.Ltmp3:
0x9a: {  	_ = 	snop;
	(pc) =	sbr.rel @p1 .LBB2_1-.Ltmp3, $4  }
0x9b: {  	s18 =	simm.s32 @!p0 $0x2  }
0x9c: {  	_ =	swait.ge @!p0 [sflag:s18], $0x27180  }
0x9d: {  	[sflag:s18] =	ssyncset.done @!p0 $0x0  }
0x9e: {  	[sflag:s18] =	ssyncadd.s32 @!p0 $0xFFFD8E80  }
0x9f: {  	_ =	sfence.sel $0x180000  }
0xa0: {  	[bflag:$0x0] =	sbarrier.arrive $0xFFFF  }
0xa1: {  	_ =	strace $0x90000050  }
0xa2: {  	s0 =	sadd.s32 @!p0 $0x100000, s0;
	[bflag:$0x2] =	sbarrier.arrive $0xFFFF  }
0xa3: {  	[sflag:s0] =	ssyncadd.tile.s32 @!p0 $0x1;
	_ =	shalt  }
.Lfunc_end2:
_tile_overlayer_lowered:
.L_overlay_start_2:
0xa4: {  	(tag) =	ssettag $0x2  }
0xa5: {  	s0 =	rddreg [dreg:$0x0];
	s2 =	stileid.u32  }
0xa6: {  	s1 =	rddreg [dreg:$0x1];
	p0 =	sne.s32 s2, $0x0  }
0xa7: {  	s3 =	rddreg [dreg:$0x2];
	[bflag:$0x3] =	sbarrier.arrive $0xFFFF;
	s2 =	simm.s32 @!p0 $0x1C02  }
0xa8: {  	[timem:s3], [sflag:s2] =	dma.local @!p0 [hbm:s0], s1  }
0xa9: {  	s0 =	simm.s32 @!p0 $0x2  }
0xaa: {  	_ =	swait.ge @!p0 [sflag:s0], s1  }
0xab: {  	s1 =	ssub.s32 @!p0 $0x0, s1;
	[sflag:s0] =	ssyncset.done @!p0 $0x0  }
0xac: {  	[sflag:s0] =	ssyncadd.s32 @!p0 s1  }
0xad: {  	[bflag:$0x3] =	sbarrier.arrive $0xFFFF  }
0xae: {  	_ =	shalt  }

// kernel: kernel.25.cloned.1.call-start
scs
__scs_entry_jumppad:
0x0: {  	(pc) =	sbr.rel $0x88, $3  }
0x1: {  	(tag) =	ssettag $0x0;
	lr =	simm.s32 $0x1  }
0x2: {  	[smem:$0x3F7D] =	sst lr;
	_ =	strace $0xD0000000  }
0x3: {  	_ = 	snop  }
0x4: {  	_ = 	snop  }
0x5: {  	_ = 	snop  }
0x6: {  	_ = 	snop  }
0x7: {  	_ = 	snop  }
__scs_overlays_trampoline_lowered:
0x8: {  	[smem:$0x3F8C] =	sst s0  }
0x9: {  	[smem:$0x3F8D] =	sst s1  }
0xa: {  	[smem:$0x3F8E] =	sst s2  }
0xb: {  	[smem:$0x3F8F] =	sst s3  }
0xc: {  	[smem:$0x3F90] =	sst s4  }
0xd: {  	[smem:$0x3F91] =	sst s5  }
0xe: {  	[smem:$0x3F92] =	sst s6  }
0xf: {  	[smem:$0x3F93] =	sst s7  }
0x10: {  	[smem:$0x3F94] =	sst s8  }
0x11: {  	[smem:$0x3F95] =	sst s9;
	s0 =	simm.s32 @!p0 $0x0  }
0x12: {  	s1 =	sld [smem:$0x3F7B];
	s0 =	simm.s32 @p0 $0x1  }
0x13: {  	[smem:$0x3F96] =	sst s0;
	s0 =	simm.s32 @!p1 $0x0  }
0x14: {  	s2 =	sld [smem:$0x3F7A];
	s0 =	simm.s32 @p1 $0x1  }
0x15: {  	[smem:$0x3F97] =	sst s0;
	s0 =	simm.s32 @!p2 $0x0  }
0x16: {  	s3 =	sld [smem:$0x3FDB];
	s0 =	simm.s32 @p2 $0x1  }
0x17: {  	s4 =	simm.s32 $0x1BF5;
	[smem:$0x3F99] =	sst s0  }
0x18: {  	s0 =	sld [smem:$0x3F7C];
	_ =	swait.ge [sflag:s4], $0x0  }
0x19: {  	s7 =	sld [smem:$0x3F7D]  }
0x1a: {  	s8 =	sadd.s32 $0xFFFFE003, lr  }
0x1b: {  	s9 =	sadd.s32 $0xFFFFFEF7, lr;
	s5 =	simm.s32 $0xFFFFFFFF;
	p2 =	slt.u32 s8, $0xFFFFF086  }
0x1c: {  	p1 =	slt.u32 s9, $0xF7A;
	s5 =	simm.s32 @!p2 $0x0  }
0x1d: {  	s5 =	simm.s32 @p1 $0x1;
	p0 =	seq.s32 s7, s2  }
0x1e: {  	s7 =	smul.u32 @!p0 $0xF7A, s2;
	p2 =	seq.s32 @!p0 s5, $0x0  }
0x1f: {  	s9 =	smul.u32 $0xF7A, s1;
	s8 =	simm.s32 @!p0 $0x1BF5;
	p2 =	por !p2, p0  }
0x20: {  	[sflag:s8] =	ssyncset.s32 @!p0 $0xFFFFF086;
	s6 =	sadd.s32 @!p0 s3, s7;
	s7 =	simm.s32 @!p0 $0x108  }
0x21: {  	s3 =	sadd.s32 s3, s9;
	s6 =	sadd.s32 @!p0 $0x88, s6;
	s7 =	simm.s32 @p2 $0x1082  }
0x22: {  	[simem:s7], [sflag:s8] =	dma.local @!p0 [hbm:s6], $0xF7A  }
0x23: {  	s9 =	sor.u32 $0xD0000000, s2;
	s6 =	simm.s32 $0x108;
	_ =	swait.ge @!p0 [sflag:s8], $0x0  }
0x24: {  	s3 =	sadd.s32 $0x88, s3;
	s6 =	simm.s32 @!p1 $0x1082;
	[sflag:s4] =	ssyncset.s32 $0xFFFFF086  }
0x25: {  	[simem:s6], [sflag:s4] =	dma.local [hbm:s3], $0xF7A  }
0x26: {  	[smem:$0x3F7D] =	sst s1;
	(tag) =	ssettag s2;
	_ =	strace s9  }
0x27: {  	s1 =	sld [smem:$0x3F8D]  }
0x28: {  	s2 =	sld [smem:$0x3F8E]  }
0x29: {  	s4 =	sld [smem:$0x3F90]  }
0x2a: {  	p0 =	seq.s32 s5, $0x0;
	s5 =	sld [smem:$0x3F91]  }
0x2b: {  	s6 =	sld [smem:$0x3F92]  }
0x2c: {  	s7 =	sld [smem:$0x3F93]  }
0x2d: {  	s3 =	simm.s32 $0x108;
	s8 =	sld [smem:$0x3F94]  }
0x2e: {  	s3 =	simm.s32 @!p0 $0x1082;
	s9 =	sld [smem:$0x3F95]  }
0x2f: {  	lr =	sadd.s32 s0, s3;
	s0 =	sld [smem:$0x3F8C]  }
0x30: {  	s3 =	sld [smem:$0x3F8F]  }
0x31: {  	[smem:$0x3F98] =	sst s10  }
0x32: {  	s10 =	sld [smem:$0x3F96];
	_ =	sdelay $0x3  }
0x33: {  	p0 =	seq.s32 s10, $0x1;
	s10 =	sld [smem:$0x3F98];
	_ =	sdelay $0x3  }
0x34: {  	[smem:$0x3F98] =	sst s10  }
0x35: {  	s10 =	sld [smem:$0x3F97];
	_ =	sdelay $0x3  }
0x36: {  	p1 =	seq.s32 s10, $0x1;
	s10 =	sld [smem:$0x3F98];
	_ =	sdelay $0x3  }
0x37: {  	[smem:$0x3F98] =	sst s10  }
0x38: {  	s10 =	sld [smem:$0x3F99]  }
0x39: {  	_ = 	snop;
	(pc) =	sbr.ind lr, $3  }
0x3a: {  	_ = 	snop  }
0x3b: {  	_ = 	snop  }
0x3c: {  	p2 =	seq.s32 s10, $0x1;
	s10 =	sld [smem:$0x3F98]  }
0x3d: {  	_ =	shalt  }
0x3e: {  	_ =	shalt  }
0x3f: {  	_ =	shalt  }
0x40: {  	_ =	shalt  }
0x41: {  	_ =	shalt  }
0x42: {  	_ =	shalt  }
0x43: {  	_ =	shalt  }
0x44: {  	_ =	shalt  }
0x45: {  	_ =	shalt  }
0x46: {  	_ =	shalt  }
0x47: {  	_ =	shalt  }
0x48: {  	_ =	shalt  }
0x49: {  	_ =	shalt  }
0x4a: {  	_ =	shalt  }
0x4b: {  	_ =	shalt  }
0x4c: {  	_ =	shalt  }
0x4d: {  	_ =	shalt  }
0x4e: {  	_ =	shalt  }
0x4f: {  	_ =	shalt  }
0x50: {  	_ =	shalt  }
0x51: {  	_ =	shalt  }
0x52: {  	_ =	shalt  }
0x53: {  	_ =	shalt  }
0x54: {  	_ =	shalt  }
0x55: {  	_ =	shalt  }
0x56: {  	_ =	shalt  }
0x57: {  	_ =	shalt  }
0x58: {  	_ =	shalt  }
0x59: {  	_ =	shalt  }
0x5a: {  	_ =	shalt  }
0x5b: {  	_ =	shalt  }
0x5c: {  	_ =	shalt  }
0x5d: {  	_ =	shalt  }
0x5e: {  	_ =	shalt  }
0x5f: {  	_ =	shalt  }
0x60: {  	_ =	shalt  }
0x61: {  	_ =	shalt  }
0x62: {  	_ =	shalt  }
0x63: {  	_ =	shalt  }
0x64: {  	_ =	shalt  }
0x65: {  	_ =	shalt  }
0x66: {  	_ =	shalt  }
0x67: {  	_ =	shalt  }
0x68: {  	_ =	shalt  }
0x69: {  	_ =	shalt  }
0x6a: {  	_ =	shalt  }
0x6b: {  	_ =	shalt  }
0x6c: {  	_ =	shalt  }
0x6d: {  	_ =	shalt  }
0x6e: {  	_ =	shalt  }
0x6f: {  	_ =	shalt  }
0x70: {  	_ =	shalt  }
0x71: {  	_ =	shalt  }
0x72: {  	_ =	shalt  }
0x73: {  	_ =	shalt  }
0x74: {  	_ =	shalt  }
0x75: {  	_ =	shalt  }
0x76: {  	_ =	shalt  }
0x77: {  	_ =	shalt  }
0x78: {  	_ =	shalt  }
0x79: {  	_ =	shalt  }
0x7a: {  	_ =	shalt  }
0x7b: {  	_ =	shalt  }
0x7c: {  	_ =	shalt  }
0x7d: {  	_ =	shalt  }
0x7e: {  	_ =	shalt  }
0x7f: {  	_ =	shalt  }
0x80: {  	_ =	shalt  }
0x81: {  	_ =	shalt  }
0x82: {  	_ =	shalt  }
0x83: {  	_ =	shalt  }
0x84: {  	_ =	shalt  }
0x85: {  	_ =	shalt  }
0x86: {  	_ =	shalt  }
0x87: {  	_ =	shalt  }
.Lfunc_end0:
.L_simem_size_0:
called_computation.3_lowered:
.L_overlay_start_0:
0x88: {  	s2 =	sld [smem:$0x3FD9]  }
0x89: {  	s3 =	sld [smem:$0x3FFE];
	_ =	sdelay $0x1  }
0x8a: {  	s1 =	srdreg.scid  }
0x8b: {  	s0 =	sand.u32 $0x1, s1  }
0x8c: {  	s16 =	sshll.u32 s0, $0xA;
	s2 =	sadd.s32 s3, s2  }
0x8d: {  	s2 =	sadd.s32 s2, s16  }
0x8e: {  	[smem:$0x3FA4] =	sst s2  }
0x8f: {  	_ = 	snop  }
0x90: {  	(tm) =	ssettm $0x1  }
0x91: {  	s17 =	sld [smem:$0x3FFB];
	_ =	sdelay $0x3  }
0x92: {  	_ =	strace s17  }
0x93: {  	s2 =	sld [smem:$0x3FFC];
	_ =	sdelay $0x3  }
0x94: {  	_ =	strace s2  }
0x95: {  	s2 =	sld [smem:$0x3FFD];
	_ =	sdelay $0x3  }
0x96: {  	_ =	strace s2  }
0x97: {  	_ =	strace $0x8FFFFFFF  }
0x98: {  	s18 =	sld [smem:$0x3FDB];
	_ =	sdelay $0x1  }
0x99: {  	s19 =	simm.s32 $_scs_section_size  }
0x9a: {  	s4 =	simm.s32 $_size__tile_overlayer_lowered;
	s5 =	simm.s32 $_tile_overlayer_lowered  }
0x9b: {  	s22 =	simm.s32 $0x1BFF;
	s21 =	sshll.u32 s5, $0x1;
	s2 =	sadd.s32 s19, s18  }
0x9c: {  	s6 =	simm.s32 $0x0;
	s20 =	sshll.u32 s4, $0x1;
	s4 =	sadd.s32 s21, s2  }
0x9d: {  	[timem:s6], [sflag:s22] =	dma.local [hbm:s4], s20  }
0x9e: {  	_ =	swait.ge [sflag:s22], s20  }
0x9f: {  	s3 =	ssub.s32 $0x0, s20;
	[sflag:s22] =	ssyncset.done $0x0  }
0xa0: {  	[sflag:s22] =	ssyncadd.s32 s3;
	_ =	sdelay $0x1  }
0xa1: {  	s23 =	simm.s32 $0x1B8B  }
0xa2: {  	_ =	swait.ge [sflag:s23], $0x1  }
0xa3: {  	[sflag:s23] =	ssyncset.done $0x0  }
0xa4: {  	s25 =	simm.s32 $0x1B8E;
	s24 =	sld [smem:$0x3FFE];
	[sflag:s23] =	ssyncadd.s32 $0xFFFFFFFF  }
0xa5: {  	s26 =	simm.s32 $execute0_lowered;
	[smem:$0x3FD2] =	sst s25  }
0xa6: {  	s4 =	sshll.u32 s26, $0x1;
	_ =	strace $0x8000004C;
	[dreg:$0x1] =	wrdreg $0xFFFFFFFF  }
0xa7: {  	s28 =	simm.s32 $_size_execute0_lowered;
	s2 =	sadd.s32 s2, s4;
	[dreg:$0x0] =	wrdreg $0x0  }
0xa8: {  	s4 =	sshll.u32 s28, $0x1;
	[dreg:$0x2] =	wrdreg s2  }
0xa9: {  	[dreg:$0x3] =	wrdreg s4  }
0xaa: {  	[dreg:$0x4] =	wrdreg $0xC0  }
0xab: {  	_ =	task [dreg:s6], $0x5FFFF  }
0xac: {  	[dreg:$0x1] =	wrdreg $0xFFFFFFFF  }
0xad: {  	[dreg:$0x0] =	wrdreg $0x60  }
0xae: {  	[dreg:$0x2] =	wrdreg s24  }
0xaf: {  	[dreg:$0x3] =	wrdreg $0xC1000  }
0xb0: {  	[dreg:$0x4] =	wrdreg $0xA  }
0xb1: {  	_ =	task.clear_ibuf [dreg:s6], $0x5FFFF;
	_ =	strace $0x9000004C  }
0xb2: {  	s29 =	simm.s32 $0xA;
	_ =	strace $0x8000004E  }
0xb3: {  	_ =	swait.ge [sflag:s29], $0x1  }
0xb4: {  	[sflag:s29] =	ssyncadd.s32 $0xFFFFFFFF  }
0xb5: {  	_ =	strace $0x9000004E  }
0xb6: {  	_ =	sfence  }
0xb7: {  	s30 =	sld [smem:$0x0];
	_ =	sdelay $0x2  }
0xb8: {  	s31 =	sshll.u32 s1, $0xD;
	s1 =	sshrl.u32 s1, $0x2  }
0xb9: {  	s3 =	sand.u32 $0x4000, s31;
	s1 =	sadd.s32 s1, s30  }
0xba: {  	s0 =	sor.u32 s3, s0;
	s1 =	sshll.u32 s1, $0x11  }
0xbb: {  	s0 =	sor.u32 s1, s0  }
0xbc: {  	s0 =	sadd.s32 $0x8F2B, s0  }
0xbd: {  	[sflag:s0] =	ssyncadd.remote.s32 $0x1  }
0xbe: {  	_ =	sfence.sel $0xFFFF  }
0xbf: {  	[dreg:$0x0] =	wrdreg $0xFFFFFFFF;
	(pc) =	sbr.abs _section_cstart, $3  }
0xc0: {  	[dreg:$0x1] =	wrdreg $0xFFFFFFFF  }
0xc1: {  	_ =	task.clear_ibuf [dreg:s6], $0x2FFFF;
	_ =	strace $0x9FFFFFFF  }
0xc2: {  	(tm) =	ssettm $0x7FFFFFFF  }
0xc3: {  	_ =	shalt  }
tec
execute0_lowered:
.L_overlay_start_1:
0x0: {  	(tag) =	ssettag $0x1  }
0x1: {  	v0 =	vimm.s32 $0xEFCDAB89;
	s8 =	rddreg [dreg:$0x0];
	v1 =	vimm.s32 $0x67452301;
	v2 =	vimm.s32 $0xDCFE98BA  }
0x2: {  	s1 =	rddreg [dreg:$0x1];
	v3 =	vimm.s32 $0x54761032;
	v4 =	vimm.s32 $0xBA98FEDC;
	v5 =	vimm.s32 $0x32107654  }
0x3: {  	s0 =	rddreg [dreg:$0x2];
	s2 =	simm.s32 $0x0;
	s6 =	srdreg.scid;
	v6 =	vimm.s32 $0xFEDCBA98;
	v7 =	vimm.s32 $0x76543210;
	v0 =	vunpack.c.l.s4.s8 v0  }
0x4: {  	s11 =	stileid.u32;
	s14 =	simm.s32 $0x100;
	s15 =	simm.s32 $0x1;
	v1 =	vunpack.c.l.s4.s8 v1;
	v2 =	vunpack.c.l.s4.s8 v2;
	v3 =	vunpack.c.l.s4.s8 v3  }
0x5: {  	s16 =	simm.s32 $0x4100;
	s17 =	simm.s32 $0x8100;
	[smem:$0x7FF] =	sst s2;
	v4 =	vunpack.c.l.s4.s8 v4;
	v5 =	vunpack.c.l.s4.s8 v5;
	v6 =	vunpack.c.l.s4.s8 v6  }
0x6: {  	s3 =	sadd.s32 $0x3200, s8;
	s4 =	sadd.s32 $0xDA600, s8;
	s5 =	sadd.s32 $0x176E00, s8;
	v0 =	vunpack.c.0.s8.s32 v0;
	v1 =	vunpack.c.0.s8.s32 v1;
	v2 =	vunpack.c.0.s8.s32 v2  }
0x7: {  	s9 =	sand.u32 $0x1, s6;
	s6 =	sadd.s32 $0x180C00, s8;
	s7 =	sadd.s32 $0x65200, s8;
	v3 =	vunpack.c.0.s8.s32 v3;
	v4 =	vunpack.c.0.s8.s32 v4;
	v5 =	vunpack.c.0.s8.s32 v5  }
0x8: {  	s13 =	sshll.u32 s11, $0x1;
	v7 =	vunpack.c.l.s4.s8 v7;
	p0 =	sne.s32 s11, $0x0;
	_ =	strace $0x8000004D;
	v1 =	vcombine.low v1, v0  }
0x9: {  	s10 =	smul.u32 $0x27180, s9;
	s12 =	ssub.s32 $0x2, s9;
	s9 =	sor.u32 s9, s13;
	v2 =	vcombine.low v3, v2;
	v3 =	vcombine.low v5, v4;
	v4 =	vunpack.c.0.s8.s32 v6  }
0xa: {  	vm0 =	vcmask $0x3F08;
	vm1 =	vmmov $0x1;
	s11 =	sshrl.u32 @!p0 s1, $0x3;
	s13 =	simm.s32 $0x2;
	s31 =	sshrl.u32 s12, $0x1;
	v5 =	vunpack.c.0.s8.s32 v7  }
0xb: {  	s10 =	sadd.s32 s10, s8;
	s12 =	ssub.s32 s12, s31;
	s8 =	smul.u32 $0x4F, s9;
	v0 =	vimm.f32 $0.0e+00;
	v1 =	vand.u32 $0xF, v1;
	v4 =	vand.u32 $0xF, v4  }
0xc: {  	s9 =	sadd.s32 $0x101800, s10;
	s10 =	smax.u32 s12, $0x1;
	s12 =	simm.s32 $0x80;
	v2 =	vand.u32 $0xF, v2;
	v3 =	vand.u32 $0xF, v3;
	v4 =	vcombine.low v4, v5  }
.LBB2_1:
0xd: {  	s18 =	simm.s32 @!p0 $0x1C02  }
0xe: {  	[spmem:s11], [sflag:s18] =	dma.local @!p0 [hbm:s7], $0x27180  }
0xf: {  	s18 =	simm.s32 @!p0 $0x2  }
0x10: {  	_ =	swait.ge @!p0 [sflag:s18], $0x27180  }
0x11: {  	[sflag:s18] =	ssyncset.done @!p0 $0x0  }
0x12: {  	s19 =	simm.s32 $0xFFFFC000;
	[sflag:s18] =	ssyncadd.s32 @!p0 $0xFFFD8E80;
	s18 =	simm.s32 $0xFFFF0200  }
.LBB2_2:
0x13: {  	p1 =	sne.s32 s18, $0xFFFFFE00;
	[tilespmem:s19+$0xC170] =	vst v0;
	s20 =	smov.u32 s18;
	s18 =	sadd.s32 $0x200, s18  }
.Ltmp0:
0x14: {  	[tilespmem:s19+$0xC150] =	vst v0;
	(pc) =	sbr.rel @p1 .LBB2_2-.Ltmp0, $2  }
0x15: {  	[tilespmem:s19+$0xC160] =	vst v0;
	_ =	sdelay $0x2  }
0x16: {  	s19 =	sshra.s32 s20, $0x2  }
0x17: {  	[tilespmem:s19+$0xC170] =	vst v0  }
0x18: {  	[tilespmem:s19+$0xC150] =	vst v0  }
0x19: {  	[tilespmem:s19+$0xC160] =	vst v0  }
0x1a: {  	s18 =	simm.s32 $0x0;
	s19 =	simm.s32 $0x0;
	[bflag:$0x0] =	sbarrier.arrive $0xFFFF  }
.LBB2_4:
0x1b: {  	s20 =	sadd.s32 s8, s19  }
0x1c: {  	s20 =	sshll.u32 s20, $0x4  }
0x1d: {  	s21 =	sadd.s32 s6, s20  }
0x1e: {  	[tilespmem:s12], [sflag:$0x2] =	stream.linear.gather [hbm4b:s21+s18], $0x80, $0x38;
	[tilespmem:$0x1F9C0] =	vst v63  }
0x1f: {  	_ =	swait.ge [sflag:s13], $0x80  }
0x20: {  	[sflag:s13] =	ssyncset.done $0x0  }
0x21: {  	[sflag:s13] =	ssyncadd.s32 $0xFFFFFF80  }
0x22: {  	[tilespmem:s14], [sflag:$0x1] =	stream.indirect.gather [hbm4b:s3+s12], $0x80, s12, s12, $0xb8;
	[tilespmem:$0x1F9C0] =	vst v63  }
0x23: {  	_ =	swait.ge [sflag:s15], $0x4000  }
0x24: {  	[sflag:s15] =	ssyncset.done $0x0  }
0x25: {  	s20 =	sadd.s32 s5, s20;
	[sflag:s15] =	ssyncadd.s32 $0xFFFFC000  }
0x26: {  	[tilespmem:s18], [sflag:$0x2] =	stream.linear.gather [hbm4b:s20+s18], $0x80, $0x38;
	[tilespmem:$0x1F9C0] =	vst v63  }
0x27: {  	_ =	swait.ge [sflag:s13], $0x80  }
0x28: {  	[sflag:s13] =	ssyncset.done $0x0  }
0x29: {  	[sflag:s13] =	ssyncadd.s32 $0xFFFFFF80  }
0x2a: {  	[tilespmem:s16], [sflag:$0x1] =	stream.indirect.gather [hbm4b:s4+s12], $0x80, s18, s12, $0xb8;
	[tilespmem:$0x1F9C0] =	vst v63  }
0x2b: {  	_ =	swait.ge [sflag:s15], $0x4000  }
0x2c: {  	[sflag:s15] =	ssyncset.done $0x0  }
0x2d: {  	s21 =	simm.s32 $0x0;
	[sflag:s15] =	ssyncadd.s32 $0xFFFFC000  }
0x2e: {  	v6 =	vld [tilespmem:s21+$0x120]  }
0x2f: {  	v7 =	vld [tilespmem:s21+$0x130]  }
0x30: {  	v8 =	vld [tilespmem:s21+$0x4120]  }
0x31: {  	v9 =	vld [tilespmem:s21+$0x4130];
	_ =	sdelay $0x1  }
0x32: {  	v10 =	vld [tilespmem:s21+$0x100]  }
0x33: {  	v11 =	vld [tilespmem:s21+$0x110]  }
0x34: {  	v12 =	vld [tilespmem:s21+$0x4100]  }
0x35: {  	s20 =	simm.s32 $0x80;
	v13 =	vld [tilespmem:s21+$0x4110];
	v8 =	vmul.f32 v8, v6;
	v7 =	vmul.f32 v9, v7  }
0x36: {  	v14 =	vld [tilespmem:s20+$0x100]  }
0x37: {  	v15 =	vld [tilespmem:s20+$0x110];
	v7 =	vadd.f32 v7, v8  }
0x38: {  	v16 =	vld [tilespmem:s20+$0x130]  }
0x39: {  	v17 =	vld [tilespmem:s20+$0x4120];
	v8 =	vperm.xlane v7, v1  }
0x3a: {  	v20 =	vld [tilespmem:s20+$0x4110]  }
0x3b: {  	v9 =	vld [tilespmem:s20+$0x120];
	v7 =	vadd.f32 v8, v7;
	v8 =	vmul.f32 v12, v10;
	v10 =	vmul.f32 v13, v11  }
0x3c: {  	v13 =	vld [tilespmem:s20+$0x4130]  }
0x3d: {  	v12 =	vld [tilespmem:s20+$0x4100];
	v18 =	vperm.xlane v7, v2;
	v19 =	vadd.f32 v10, v8;
	_ =	sdelay $0x1  }
0x3e: {  	v18 =	vadd.f32 v18, v7;
	v7 =	vperm.xlane v19, v1  }
0x3f: {  	v17 =	vmul.f32 v17, v9  }
0x40: {  	v13 =	vmul.f32 v13, v16;
	v21 =	vperm.xlane v18, v3;
	v19 =	vadd.f32 v7, v19  }
0x41: {  	s22 =	simm.s32 $0x100;
	v5 =	vld [tilespmem:s21+$0x4140];
	v12 =	vmul.f32 v12, v14;
	v14 =	vmul.f32 v20, v15  }
0x42: {  	v23 =	vld [tilespmem:s22+$0x4120];
	v13 =	vadd.f32 v13, v17;
	v15 =	vadd.f32 v21, v18;
	v16 =	vperm.xlane v19, v2  }
0x43: {  	v25 =	vld [tilespmem:s22+$0x4110];
	v12 =	vadd.f32 v14, v12  }
0x44: {  	v6 =	vld [tilespmem:s21+$0x4150];
	v21 =	vperm.xlane v13, v1;
	v14 =	vperm.xlane v15, v4;
	v16 =	vadd.f32 v16, v19  }
0x45: {  	v9 =	vld [tilespmem:s20+$0x4150]  }
0x46: {  	v11 =	vld [tilespmem:s21+$0x4160];
	v14 =	vadd.f32 v14, v15;
	v15 =	vadd.f32 v21, v13;
	v13 =	vperm.xlane v16, v3  }
0x47: {  	v20 =	vld [tilespmem:s22+$0x120]  }
0x48: {  	v10 =	vld [tilespmem:s21+$0x4170];
	v24 =	vperm.xlane v15, v2;
	v16 =	vadd.f32 v13, v16  }
0x49: {  	v8 =	vld [tilespmem:s20+$0x4140]  }
0x4a: {  	v7 =	vld [tilespmem:s20+$0x4160];
	v24 =	vadd.f32 v24, v15;
	v27 =	vperm.xlane v16, v4  }
0x4b: {  	v18 =	vld [tilespmem:s22+$0x100];
	v22 =	vperm.xlane v12, v1  }
0x4c: {  	v19 =	vld [tilespmem:s22+$0x130];
	v20 =	vmul.f32 v23, v20;
	v23 =	vperm.xlane v24, v3;
	v27 =	vadd.f32 v27, v16  }
0x4d: {  	v12 =	vadd.f32 v22, v12;
	v22 =	vld [tilespmem:s22+$0x4130];
	v14 =	vmul.f32 $1.767766920e-01, v14  }
0x4e: {  	v21 =	vld [tilespmem:s22+$0x4100];
	v23 =	vadd.f32 v23, v24;
	v24 =	vmul.f32 $1.767766920e-01, v27  }
0x4f: {  	v17 =	vld [tilespmem:s22+$0x110];
	v26 =	vperm.xlane v12, v2;
	v14 =	vmul.f32 $1.442695020e+00, v14  }
0x50: {  	v13 =	vld [tilespmem:s20+$0x4170];
	v24 =	vmul.f32 $1.442695020e+00, v24  }
0x51: {  	v26 =	vadd.f32 v26, v12;
	v12 =	vld [tilespmem:s22+$0x4150];
	(erf) = vpow2.f32 v14  }
0x52: {  	s23 =	simm.s32 $0x180;
	v15 =	vld [tilespmem:s22+$0x4140];
	v19 =	vmul.f32 v22, v19;
	(erf) = vpow2.f32 v24  }
0x53: {  	v22 =	vperm.xlane v26, v3;
	v21 =	vmul.f32 v21, v18;
	v18 =	vld [tilespmem:s23+$0x100]  }
0x54: {  	v17 =	vmul.f32 v25, v17;
	v14 =	vld [tilespmem:s22+$0x4160]  }
0x55: {  	v16 =	vld [tilespmem:s22+$0x4170];
	v25 =	vadd.f32 v19, v20;
	v22 =	vadd.f32 v22, v26  }
0x56: {  	v19 =	vld [tilespmem:s23+$0x110];
	v17 =	vadd.f32 v17, v21;
	v26 =	vperm.xlane v23, v4  }
0x57: {  	v20 =	vld [tilespmem:s23+$0x130];
	v27 =	vperm.xlane v25, v1;
	v28 =	vperm.xlane v22, v4  }
0x58: {  	v21 =	vld [tilespmem:s23+$0x120];
	v30 =	vperm.xlane v17, v1;
	v29 =	vadd.f32 v26, v23  }
0x59: {  	v24 =	vld [tilespmem:s23+$0x4120];
	v23 =	vadd.f32 v27, v25;
	v26 =	vadd.f32 v28, v22  }
0x5a: {  	s24 =	simm.s32 $0x800;
	v22 =	vld [tilespmem:s23+$0x4100];
	v25 =	vadd.f32 v30, v17;
	v27 =	vmul.f32 $1.767766920e-01, v29;
	v17 =	vpop (erf)  }
.LBB2_5:
0x5b: {  	p1 =	sne.s32 s24, $0xFE00;
	v28 =	vld [tilespmem:s23+$0x4130];
	v29 =	vperm.xlane v23, v2;
	v26 =	vmul.f32 $1.767766920e-01, v26;
	v30 =	vsel vm0, $0x0, v17;
	v31 =	vpop (erf);
	s25 =	smov.u32 s22;
	s22 =	smov.u32 s23  }
0x5c: {  	v34 =	vmovc v13;
	v13 =	vmovc v16;
	v32 =	vld [tilespmem:s22+$0x4110];
	v33 =	vperm.xlane v25, v2;
	v27 =	vmul.f32 $1.442695020e+00, v27;
	v30 =	vsel vm1, v31, v30  }
0x5d: {  	v35 =	vld [tilespmem:s22+$0x4140];
	v23 =	vadd.f32 v29, v23;
	v16 =	vmul.f32 $1.442695020e+00, v26;
	v26 =	vmul.f32 v31, v5;
	[tilespmem:s21+$0x8140] =	vst v30;
	v5 =	vmovc v8  }
0x5e: {  	v8 =	vmovc v15;
	v21 =	vmul.f32 v24, v21;
	v24 =	vld [tilespmem:s22+$0x4150];
	v25 =	vadd.f32 v33, v25;
	(erf) = vpow2.f32 v27  }
0x5f: {  	v27 =	vld [tilespmem:s22+$0x4160];
	v30 =	vperm.xlane v23, v3;
	(erf) = vpow2.f32 v16;
	[tilespmem:s21+$0x8100] =	vst v26  }
0x60: {  	v20 =	vmul.f32 v28, v20;
	v16 =	vld [tilespmem:s22+$0x4170];
	v26 =	vperm.xlane v25, v3  }
0x61: {  	s23 =	sshra.s32 s24, $0x2;
	v22 =	vmul.f32 v22, v18;
	v28 =	vmul.f32 v32, v19;
	v23 =	vadd.f32 v30, v23  }
0x62: {  	v18 =	vld [tilespmem:s23+$0x100];
	v29 =	vadd.f32 v20, v21;
	v25 =	vadd.f32 v26, v25;
	v20 =	vmul.f32 v31, v6;
	v15 =	vmovc v35  }
.Ltmp1:
0x63: {  	v33 =	vmul.f32 v11, v17;
	v6 =	vmovc v9;
	v19 =	vld [tilespmem:s23+$0x110];
	v28 =	vadd.f32 v28, v22;
	v22 =	vperm.xlane v23, v4;
	(pc) =	sbr.rel @p1 .LBB2_5-.Ltmp1, $4  }
0x64: {  	v9 =	vmovc v12;
	v12 =	vmov v24;
	v21 =	vld [tilespmem:s23+$0x120];
	v26 =	vperm.xlane v29, v1;
	v30 =	vperm.xlane v25, v4;
	[tilespmem:s21+$0x8110] =	vst v20  }
0x65: {  	v20 =	vld [tilespmem:s23+$0x130];
	v31 =	vperm.xlane v28, v1;
	v32 =	vadd.f32 v22, v23;
	[tilespmem:s21+$0x8120] =	vst v33;
	v33 =	vmul.f32 v10, v17  }
0x66: {  	v11 =	vmovc v7;
	v7 =	vmovc v14;
	v14 =	vmov v27;
	v24 =	vld [tilespmem:s23+$0x4120];
	v23 =	vadd.f32 v26, v29;
	v26 =	vadd.f32 v30, v25  }
0x67: {  	s24 =	sadd.s32 $0x200, s24;
	v10 =	vmov v34;
	v22 =	vld [tilespmem:s23+$0x4100];
	v25 =	vadd.f32 v31, v28;
	v27 =	vmul.f32 $1.767766920e-01, v32;
	v17 =	vpop (erf);
	[tilespmem:s21+$0x8130] =	vst v33;
	s21 =	smov.u32 s20;
	s20 =	smov.u32 s25  }
0x68: {  	v28 =	vld [tilespmem:s23+$0x4130]  }
0x69: {  	v29 =	vld [tilespmem:s23+$0x4110];
	_ =	sdelay $0x3  }
0x6a: {  	v21 =	vmul.f32 v24, v21;
	v20 =	vmul.f32 v28, v20  }
0x6b: {  	v18 =	vmul.f32 v22, v18;
	v19 =	vmul.f32 v29, v19  }
0x6c: {  	v20 =	vadd.f32 v20, v21  }
0x6d: {  	v37 =	vperm.xlane v23, v2;
	v18 =	vadd.f32 v19, v18  }
0x6e: {  	v38 =	vperm.xlane v25, v2;
	v39 =	vperm.xlane v20, v1  }
0x6f: {  	v21 =	vadd.f32 v37, v23;
	v40 =	vperm.xlane v18, v1  }
0x70: {  	v19 =	vadd.f32 v38, v25;
	v20 =	vadd.f32 v39, v20  }
0x71: {  	v41 =	vperm.xlane v21, v3;
	v18 =	vadd.f32 v40, v18  }
0x72: {  	v42 =	vperm.xlane v19, v3;
	v43 =	vperm.xlane v20, v2  }
0x73: {  	v21 =	vadd.f32 v41, v21;
	v44 =	vperm.xlane v18, v2  }
0x74: {  	v45 =	vmul.f32 $1.767766920e-01, v26;
	v19 =	vadd.f32 v42, v19;
	v20 =	vadd.f32 v43, v20  }
0x75: {  	v46 =	vmul.f32 $1.442695020e+00, v27;
	v47 =	vperm.xlane v21, v4;
	v18 =	vadd.f32 v44, v18  }
0x76: {  	v48 =	vperm.xlane v19, v4;
	v49 =	vperm.xlane v20, v3  }
0x77: {  	v25 =	vmul.f32 $1.442695020e+00, v45;
	v21 =	vadd.f32 v47, v21;
	v50 =	vperm.xlane v18, v3  }
0x78: {  	(erf) = vpow2.f32 v46;
	v19 =	vadd.f32 v48, v19;
	v20 =	vadd.f32 v49, v20  }
0x79: {  	(erf) = vpow2.f32 v25;
	v21 =	vmul.f32 $1.767766920e-01, v21;
	v18 =	vadd.f32 v50, v18  }
0x7a: {  	v19 =	vmul.f32 $1.767766920e-01, v19;
	v53 =	vperm.xlane v20, v4  }
0x7b: {  	v51 =	vsel vm0, $0x0, v17;
	v52 =	vpop (erf);
	v21 =	vmul.f32 $1.442695020e+00, v21;
	v55 =	vperm.xlane v18, v4  }
0x7c: {  	v22 =	vsel vm1, v52, v51;
	v19 =	vmul.f32 $1.442695020e+00, v19;
	v20 =	vadd.f32 v53, v20  }
0x7d: {  	v54 =	vld [tilespmem:s23+$0x4140];
	v5 =	vmul.f32 v52, v5;
	[tilespmem:s21+$0x8140] =	vst v22;
	(erf) = vpow2.f32 v21;
	v18 =	vadd.f32 v55, v18  }
0x7e: {  	v22 =	vld [tilespmem:s23+$0x4150];
	(erf) = vpow2.f32 v19;
	v57 =	vmul.f32 $1.767766920e-01, v20  }
0x7f: {  	v56 =	vld [tilespmem:s23+$0x4160];
	[tilespmem:s21+$0x8100] =	vst v5;
	v5 =	vmul.f32 v52, v6;
	v6 =	vmul.f32 $1.767766920e-01, v18  }
0x80: {  	v11 =	vmul.f32 v11, v17;
	v19 =	vmul.f32 $1.442695020e+00, v57  }
0x81: {  	v58 =	vld [tilespmem:s23+$0x4170];
	[tilespmem:s21+$0x8110] =	vst v5;
	v5 =	vmul.f32 v10, v17;
	v59 =	vpop (erf);
	v6 =	vmul.f32 $1.442695020e+00, v6  }
0x82: {  	[tilespmem:s21+$0x8120] =	vst v11;
	v60 =	vsel vm0, $0x0, v59;
	v61 =	vpop (erf);
	(erf) = vpow2.f32 v19  }
0x83: {  	[tilespmem:s21+$0x8130] =	vst v5;
	v5 =	vsel vm1, v61, v60;
	v8 =	vmul.f32 v61, v8;
	(erf) = vpow2.f32 v6  }
0x84: {  	[tilespmem:s20+$0x8140] =	vst v5;
	v5 =	vmul.f32 v61, v9  }
0x85: {  	[tilespmem:s20+$0x8100] =	vst v8;
	v6 =	vmul.f32 v7, v59  }
0x86: {  	[tilespmem:s20+$0x8110] =	vst v5;
	v5 =	vmul.f32 v13, v59;
	v7 =	vpop (erf)  }
0x87: {  	v62 =	vpop (erf);
	[tilespmem:s20+$0x8120] =	vst v6;
	v6 =	vsel vm0, $0x0, v7  }
0x88: {  	[tilespmem:s20+$0x8130] =	vst v5;
	v5 =	vsel vm1, v62, v6;
	v6 =	vmul.f32 v62, v15  }
0x89: {  	[tilespmem:s22+$0x8140] =	vst v5;
	v5 =	vmul.f32 v62, v12  }
0x8a: {  	[tilespmem:s22+$0x8100] =	vst v6;
	v6 =	vmul.f32 v14, v7  }
0x8b: {  	[tilespmem:s22+$0x8110] =	vst v5;
	v5 =	vmul.f32 v16, v7;
	v7 =	vpop (erf)  }
0x8c: {  	[tilespmem:s22+$0x8120] =	vst v6;
	v6 =	vsel vm0, $0x0, v7;
	v63 =	vpop (erf)  }
0x8d: {  	[tilespmem:s22+$0x8130] =	vst v5;
	v5 =	vsel vm1, v63, v6;
	v6 =	vmul.f32 v63, v54  }
0x8e: {  	[tilespmem:s23+$0x8140] =	vst v5;
	v5 =	vmul.f32 v63, v22  }
0x8f: {  	[tilespmem:s23+$0x8100] =	vst v6;
	v6 =	vmul.f32 v56, v7  }
0x90: {  	s19 =	sadd.s32 $0x1, s19;
	[tilespmem:s23+$0x8110] =	vst v5;
	v5 =	vmul.f32 v58, v7  }
0x91: {  	p1 =	sne.s32 s19, $0x4F;
	[tilespmem:s23+$0x8120] =	vst v6  }
.Ltmp2:
0x92: {  	[tilespmem:s23+$0x8130] =	vst v5;
	(pc) =	sbr.rel @p1 .LBB2_4-.Ltmp2, $4  }
0x93: {  	[spmem:s1] =	stream.indirect.scatter.add.f32 [tilespmem:s17], [sflag:$0x2], $0x80, s12, s12, $0xb8;
	[tilespmem:$0x1F9C0] =	vst v63  }
0x94: {  	_ =	swait.ge [sflag:s13], $0x4000  }
0x95: {  	[sflag:s13] =	ssyncset.done $0x0  }
0x96: {  	[sflag:s13] =	ssyncadd.s32 $0xFFFFC000  }
0x97: {  	[bflag:$0x0] =	sbarrier.arrive $0xFFFF;
	s18 =	simm.s32 @!p0 $0x1C02;
	s2 =	sadd.s32 $0x1, s2  }
0x98: {  	[hbm:s9], [sflag:s18] =	dma.local @!p0 [spmem:s11], $0x27180  }
0x99: {  	p1 =	sne.s32 s2, s10  }
.Ltmp3:
0x9a: {  	_ = 	snop;
	(pc) =	sbr.rel @p1 .LBB2_1-.Ltmp3, $4  }
0x9b: {  	s18 =	simm.s32 @!p0 $0x2  }
0x9c: {  	_ =	swait.ge @!p0 [sflag:s18], $0x27180  }
0x9d: {  	[sflag:s18] =	ssyncset.done @!p0 $0x0  }
0x9e: {  	[sflag:s18] =	ssyncadd.s32 @!p0 $0xFFFD8E80  }
0x9f: {  	_ =	sfence.sel $0x180000  }
0xa0: {  	[bflag:$0x0] =	sbarrier.arrive $0xFFFF  }
0xa1: {  	_ =	strace $0x9000004D  }
0xa2: {  	s0 =	sadd.s32 @!p0 $0x100000, s0;
	[bflag:$0x2] =	sbarrier.arrive $0xFFFF  }
0xa3: {  	[sflag:s0] =	ssyncadd.tile.s32 @!p0 $0x1;
	_ =	shalt  }
.Lfunc_end2:
_tile_overlayer_lowered:
.L_overlay_start_2:
0xa4: {  	(tag) =	ssettag $0x2  }
0xa5: {  	s0 =	rddreg [dreg:$0x0];
	s2 =	stileid.u32  }
0xa6: {  	s1 =	rddreg [dreg:$0x1];
	p0 =	sne.s32 s2, $0x0  }
0xa7: {  	s3 =	rddreg [dreg:$0x2];
	[bflag:$0x3] =	sbarrier.arrive $0xFFFF;
	s2 =	simm.s32 @!p0 $0x1C02  }
0xa8: {  	[timem:s3], [sflag:s2] =	dma.local @!p0 [hbm:s0], s1  }
0xa9: {  	s0 =	simm.s32 @!p0 $0x2  }
0xaa: {  	_ =	swait.ge @!p0 [sflag:s0], s1  }
0xab: {  	s1 =	ssub.s32 @!p0 $0x0, s1;
	[sflag:s0] =	ssyncset.done @!p0 $0x0  }
0xac: {  	[sflag:s0] =	ssyncadd.s32 @!p0 s1  }
0xad: {  	[bflag:$0x3] =	sbarrier.arrive $0xFFFF  }
0xae: {  	_ =	shalt  }

// kernel: kernel.28.cloned.1.call-start
scs
__scs_entry_jumppad:
0x0: {  	(pc) =	sbr.rel $0x88, $3  }
0x1: {  	(tag) =	ssettag $0x0;
	lr =	simm.s32 $0x1  }
0x2: {  	[smem:$0x3F7D] =	sst lr;
	_ =	strace $0xD0000000  }
0x3: {  	_ = 	snop  }
0x4: {  	_ = 	snop  }
0x5: {  	_ = 	snop  }
0x6: {  	_ = 	snop  }
0x7: {  	_ = 	snop  }
__scs_overlays_trampoline_lowered:
0x8: {  	[smem:$0x3F8C] =	sst s0  }
0x9: {  	[smem:$0x3F8D] =	sst s1  }
0xa: {  	[smem:$0x3F8E] =	sst s2  }
0xb: {  	[smem:$0x3F8F] =	sst s3  }
0xc: {  	[smem:$0x3F90] =	sst s4  }
0xd: {  	[smem:$0x3F91] =	sst s5  }
0xe: {  	[smem:$0x3F92] =	sst s6  }
0xf: {  	[smem:$0x3F93] =	sst s7  }
0x10: {  	[smem:$0x3F94] =	sst s8  }
0x11: {  	[smem:$0x3F95] =	sst s9;
	s0 =	simm.s32 @!p0 $0x0  }
0x12: {  	s1 =	sld [smem:$0x3F7B];
	s0 =	simm.s32 @p0 $0x1  }
0x13: {  	[smem:$0x3F96] =	sst s0;
	s0 =	simm.s32 @!p1 $0x0  }
0x14: {  	s2 =	sld [smem:$0x3F7A];
	s0 =	simm.s32 @p1 $0x1  }
0x15: {  	[smem:$0x3F97] =	sst s0;
	s0 =	simm.s32 @!p2 $0x0  }
0x16: {  	s3 =	sld [smem:$0x3FDB];
	s0 =	simm.s32 @p2 $0x1  }
0x17: {  	s4 =	simm.s32 $0x1BF5;
	[smem:$0x3F99] =	sst s0  }
0x18: {  	s0 =	sld [smem:$0x3F7C];
	_ =	swait.ge [sflag:s4], $0x0  }
0x19: {  	s7 =	sld [smem:$0x3F7D]  }
0x1a: {  	s8 =	sadd.s32 $0xFFFFE003, lr  }
0x1b: {  	s9 =	sadd.s32 $0xFFFFFEF7, lr;
	s5 =	simm.s32 $0xFFFFFFFF;
	p2 =	slt.u32 s8, $0xFFFFF086  }
0x1c: {  	p1 =	slt.u32 s9, $0xF7A;
	s5 =	simm.s32 @!p2 $0x0  }
0x1d: {  	s5 =	simm.s32 @p1 $0x1;
	p0 =	seq.s32 s7, s2  }
0x1e: {  	s7 =	smul.u32 @!p0 $0xF7A, s2;
	p2 =	seq.s32 @!p0 s5, $0x0  }
0x1f: {  	s9 =	smul.u32 $0xF7A, s1;
	s8 =	simm.s32 @!p0 $0x1BF5;
	p2 =	por !p2, p0  }
0x20: {  	[sflag:s8] =	ssyncset.s32 @!p0 $0xFFFFF086;
	s6 =	sadd.s32 @!p0 s3, s7;
	s7 =	simm.s32 @!p0 $0x108  }
0x21: {  	s3 =	sadd.s32 s3, s9;
	s6 =	sadd.s32 @!p0 $0x88, s6;
	s7 =	simm.s32 @p2 $0x1082  }
0x22: {  	[simem:s7], [sflag:s8] =	dma.local @!p0 [hbm:s6], $0xF7A  }
0x23: {  	s9 =	sor.u32 $0xD0000000, s2;
	s6 =	simm.s32 $0x108;
	_ =	swait.ge @!p0 [sflag:s8], $0x0  }
0x24: {  	s3 =	sadd.s32 $0x88, s3;
	s6 =	simm.s32 @!p1 $0x1082;
	[sflag:s4] =	ssyncset.s32 $0xFFFFF086  }
0x25: {  	[simem:s6], [sflag:s4] =	dma.local [hbm:s3], $0xF7A  }
0x26: {  	[smem:$0x3F7D] =	sst s1;
	(tag) =	ssettag s2;
	_ =	strace s9  }
0x27: {  	s1 =	sld [smem:$0x3F8D]  }
0x28: {  	s2 =	sld [smem:$0x3F8E]  }
0x29: {  	s4 =	sld [smem:$0x3F90]  }
0x2a: {  	p0 =	seq.s32 s5, $0x0;
	s5 =	sld [smem:$0x3F91]  }
0x2b: {  	s6 =	sld [smem:$0x3F92]  }
0x2c: {  	s7 =	sld [smem:$0x3F93]  }
0x2d: {  	s3 =	simm.s32 $0x108;
	s8 =	sld [smem:$0x3F94]  }
0x2e: {  	s3 =	simm.s32 @!p0 $0x1082;
	s9 =	sld [smem:$0x3F95]  }
0x2f: {  	lr =	sadd.s32 s0, s3;
	s0 =	sld [smem:$0x3F8C]  }
0x30: {  	s3 =	sld [smem:$0x3F8F]  }
0x31: {  	[smem:$0x3F98] =	sst s10  }
0x32: {  	s10 =	sld [smem:$0x3F96];
	_ =	sdelay $0x3  }
0x33: {  	p0 =	seq.s32 s10, $0x1;
	s10 =	sld [smem:$0x3F98];
	_ =	sdelay $0x3  }
0x34: {  	[smem:$0x3F98] =	sst s10  }
0x35: {  	s10 =	sld [smem:$0x3F97];
	_ =	sdelay $0x3  }
0x36: {  	p1 =	seq.s32 s10, $0x1;
	s10 =	sld [smem:$0x3F98];
	_ =	sdelay $0x3  }
0x37: {  	[smem:$0x3F98] =	sst s10  }
0x38: {  	s10 =	sld [smem:$0x3F99]  }
0x39: {  	_ = 	snop;
	(pc) =	sbr.ind lr, $3  }
0x3a: {  	_ = 	snop  }
0x3b: {  	_ = 	snop  }
0x3c: {  	p2 =	seq.s32 s10, $0x1;
	s10 =	sld [smem:$0x3F98]  }
0x3d: {  	_ =	shalt  }
0x3e: {  	_ =	shalt  }
0x3f: {  	_ =	shalt  }
0x40: {  	_ =	shalt  }
0x41: {  	_ =	shalt  }
0x42: {  	_ =	shalt  }
0x43: {  	_ =	shalt  }
0x44: {  	_ =	shalt  }
0x45: {  	_ =	shalt  }
0x46: {  	_ =	shalt  }
0x47: {  	_ =	shalt  }
0x48: {  	_ =	shalt  }
0x49: {  	_ =	shalt  }
0x4a: {  	_ =	shalt  }
0x4b: {  	_ =	shalt  }
0x4c: {  	_ =	shalt  }
0x4d: {  	_ =	shalt  }
0x4e: {  	_ =	shalt  }
0x4f: {  	_ =	shalt  }
0x50: {  	_ =	shalt  }
0x51: {  	_ =	shalt  }
0x52: {  	_ =	shalt  }
0x53: {  	_ =	shalt  }
0x54: {  	_ =	shalt  }
0x55: {  	_ =	shalt  }
0x56: {  	_ =	shalt  }
0x57: {  	_ =	shalt  }
0x58: {  	_ =	shalt  }
0x59: {  	_ =	shalt  }
0x5a: {  	_ =	shalt  }
0x5b: {  	_ =	shalt  }
0x5c: {  	_ =	shalt  }
0x5d: {  	_ =	shalt  }
0x5e: {  	_ =	shalt  }
0x5f: {  	_ =	shalt  }
0x60: {  	_ =	shalt  }
0x61: {  	_ =	shalt  }
0x62: {  	_ =	shalt  }
0x63: {  	_ =	shalt  }
0x64: {  	_ =	shalt  }
0x65: {  	_ =	shalt  }
0x66: {  	_ =	shalt  }
0x67: {  	_ =	shalt  }
0x68: {  	_ =	shalt  }
0x69: {  	_ =	shalt  }
0x6a: {  	_ =	shalt  }
0x6b: {  	_ =	shalt  }
0x6c: {  	_ =	shalt  }
0x6d: {  	_ =	shalt  }
0x6e: {  	_ =	shalt  }
0x6f: {  	_ =	shalt  }
0x70: {  	_ =	shalt  }
0x71: {  	_ =	shalt  }
0x72: {  	_ =	shalt  }
0x73: {  	_ =	shalt  }
0x74: {  	_ =	shalt  }
0x75: {  	_ =	shalt  }
0x76: {  	_ =	shalt  }
0x77: {  	_ =	shalt  }
0x78: {  	_ =	shalt  }
0x79: {  	_ =	shalt  }
0x7a: {  	_ =	shalt  }
0x7b: {  	_ =	shalt  }
0x7c: {  	_ =	shalt  }
0x7d: {  	_ =	shalt  }
0x7e: {  	_ =	shalt  }
0x7f: {  	_ =	shalt  }
0x80: {  	_ =	shalt  }
0x81: {  	_ =	shalt  }
0x82: {  	_ =	shalt  }
0x83: {  	_ =	shalt  }
0x84: {  	_ =	shalt  }
0x85: {  	_ =	shalt  }
0x86: {  	_ =	shalt  }
0x87: {  	_ =	shalt  }
.Lfunc_end0:
.L_simem_size_0:
called_computation.4_lowered:
.L_overlay_start_0:
0x88: {  	s2 =	sld [smem:$0x3FD9]  }
0x89: {  	s3 =	sld [smem:$0x3FFE];
	_ =	sdelay $0x1  }
0x8a: {  	s1 =	srdreg.scid  }
0x8b: {  	s0 =	sand.u32 $0x1, s1  }
0x8c: {  	s17 =	sshll.u32 s0, $0xA;
	s2 =	sadd.s32 s3, s2  }
0x8d: {  	s2 =	sadd.s32 s2, s17  }
0x8e: {  	[smem:$0x3FA4] =	sst s2  }
0x8f: {  	_ = 	snop  }
0x90: {  	(tm) =	ssettm $0x1  }
0x91: {  	s18 =	sld [smem:$0x3FFB];
	_ =	sdelay $0x3  }
0x92: {  	_ =	strace s18  }
0x93: {  	s2 =	sld [smem:$0x3FFC];
	_ =	sdelay $0x3  }
0x94: {  	_ =	strace s2  }
0x95: {  	s2 =	sld [smem:$0x3FFD];
	_ =	sdelay $0x3  }
0x96: {  	_ =	strace s2  }
0x97: {  	_ =	strace $0x8FFFFFFF  }
0x98: {  	s19 =	sld [smem:$0x3FDB];
	_ =	sdelay $0x1  }
0x99: {  	s20 =	simm.s32 $_scs_section_size  }
0x9a: {  	s4 =	simm.s32 $_size__tile_overlayer_lowered;
	s5 =	simm.s32 $_tile_overlayer_lowered  }
0x9b: {  	s6 =	simm.s32 $0x1BFF;
	s21 =	sshll.u32 s5, $0x1;
	s3 =	sadd.s32 s20, s19  }
0x9c: {  	s22 =	simm.s32 $0x0;
	s4 =	sshll.u32 s4, $0x1;
	s5 =	sadd.s32 s21, s3  }
0x9d: {  	[timem:s22], [sflag:s6] =	dma.local [hbm:s5], s4  }
0x9e: {  	_ =	swait.ge [sflag:s6], s4  }
0x9f: {  	s4 =	ssub.s32 $0x0, s4;
	[sflag:s6] =	ssyncset.done $0x0  }
0xa0: {  	[sflag:s6] =	ssyncadd.s32 s4;
	_ =	sdelay $0x1  }
0xa1: {  	s23 =	simm.s32 $0x1B8B  }
0xa2: {  	_ =	swait.ge [sflag:s23], $0x1  }
0xa3: {  	[sflag:s23] =	ssyncset.done $0x0  }
0xa4: {  	[sflag:s23] =	ssyncadd.s32 $0xFFFFFFFF  }
0xa5: {  	s4 =	sld [smem:$0x0]  }
0xa6: {  	s5 =	sand.u32 $0xFFFFFFFE, s1  }
0xa7: {  	p0 =	sne.s32 s1, s5  }
0xa8: {  	s5 =	sshll.u32 @p0 s5, $0xE  }
0xa9: {  	s5 =	sadd.s32 @p0 $0x11B8D, s5;
	s6 =	sshll.u32 @p0 s4, $0x11  }
0xaa: {  	s5 =	sor.u32 @p0 s6, s5  }
0xab: {  	[sflag:s5] =	ssyncadd.remote.s32 @p0 $0x1;
	_ =	sdelay $0x1  }
0xac: {  	s5 =	simm.s32 @p0 $0x1B8D  }
0xad: {  	_ =	swait.eq @p0 [sflag:s5], $0x1  }
0xae: {  	[sflag:s5] =	ssyncadd.s32 @p0 $0xFFFFFFFF  }
0xaf: {  	s6 =	sshll.u32 @!p0 s1, $0xE  }
0xb0: {  	s6 =	sor.u32 @!p0 $0x4000, s6;
	s5 =	simm.s32 @!p0 $0x1B8D  }
0xb1: {  	s4 =	sshll.u32 @!p0 s4, $0x11;
	s6 =	sadd.s32 @!p0 $0x11B8D, s6;
	_ =	swait.eq @!p0 [sflag:s5], $0x1  }
0xb2: {  	s4 =	sor.u32 @!p0 s4, s6;
	[sflag:s5] =	ssyncadd.s32 @!p0 $0xFFFFFFFF  }
0xb3: {  	s25 =	simm.s32 $0x1B8E;
	s24 =	sld [smem:$0x3FFE];
	[sflag:s4] =	ssyncadd.remote.s32 @!p0 $0x1  }
0xb4: {  	s26 =	simm.s32 $execute0_lowered;
	[smem:$0x3FD2] =	sst s25  }
0xb5: {  	s5 =	sshll.u32 s26, $0x1;
	_ =	strace $0x80000055;
	[dreg:$0x1] =	wrdreg $0xFFFFFFFF  }
0xb6: {  	s28 =	simm.s32 $_size_execute0_lowered;
	s3 =	sadd.s32 s3, s5;
	[dreg:$0x0] =	wrdreg $0x0  }
0xb7: {  	s5 =	sshll.u32 s28, $0x1;
	[dreg:$0x2] =	wrdreg s3  }
0xb8: {  	[dreg:$0x3] =	wrdreg s5  }
0xb9: {  	[dreg:$0x4] =	wrdreg $0xC0  }
0xba: {  	_ =	task [dreg:s22], $0x5FFFF  }
0xbb: {  	[dreg:$0x1] =	wrdreg $0xFFFFFFFF  }
0xbc: {  	[dreg:$0x0] =	wrdreg $0x60  }
0xbd: {  	[dreg:$0x2] =	wrdreg s24  }
0xbe: {  	[dreg:$0x3] =	wrdreg $0x41000  }
0xbf: {  	[dreg:$0x4] =	wrdreg $0x9  }
0xc0: {  	_ =	task.clear_ibuf [dreg:s22], $0x5FFFF;
	_ =	strace $0x90000055  }
0xc1: {  	s29 =	simm.s32 $0x9;
	_ =	strace $0x80000057  }
0xc2: {  	_ =	swait.ge [sflag:s29], $0x1  }
0xc3: {  	[sflag:s29] =	ssyncadd.s32 $0xFFFFFFFF  }
0xc4: {  	_ =	strace $0x90000057  }
0xc5: {  	_ =	sfence  }
0xc6: {  	s30 =	sld [smem:$0x0];
	_ =	sdelay $0x2  }
0xc7: {  	s31 =	sshll.u32 s1, $0xD;
	s1 =	sshrl.u32 s1, $0x2  }
0xc8: {  	s4 =	sand.u32 $0x4000, s31;
	s1 =	sadd.s32 s1, s30  }
0xc9: {  	s0 =	sor.u32 s4, s0;
	s1 =	sshll.u32 s1, $0x11  }
0xca: {  	s0 =	sor.u32 s1, s0  }
0xcb: {  	s0 =	sadd.s32 $0x8F2B, s0  }
0xcc: {  	[sflag:s0] =	ssyncadd.remote.s32 $0x1  }
0xcd: {  	_ =	sfence.sel $0xFFFF  }
0xce: {  	[dreg:$0x0] =	wrdreg $0xFFFFFFFF;
	(pc) =	sbr.abs _section_cstart, $3  }
0xcf: {  	[dreg:$0x1] =	wrdreg $0xFFFFFFFF  }
0xd0: {  	_ =	task.clear_ibuf [dreg:s22], $0x2FFFF;
	_ =	strace $0x9FFFFFFF  }
0xd1: {  	(tm) =	ssettm $0x7FFFFFFF  }
tec
execute0_lowered:
.L_overlay_start_1:
0x0: {  	(tag) =	ssettag $0x1  }
0x1: {  	s5 =	rddreg [dreg:$0x0]  }
0x2: {  	s1 =	rddreg [dreg:$0x1]  }
0x3: {  	s0 =	rddreg [dreg:$0x2];
	s2 =	simm.s32 $0x0  }
0x4: {  	s9 =	stileid.u32;
	s3 =	srdreg.scid;
	s13 =	simm.s32 $0x1  }
0x5: {  	s14 =	simm.s32 $0x0;
	[smem:$0x7FF] =	sst s2;
	s4 =	smul.u32 $0x9E0, s9  }
0x6: {  	s6 =	sand.u32 $0x1, s3;
	s3 =	sadd.s32 $0x2A400, s5;
	p0 =	sne.s32 s9, $0x0  }
0x7: {  	_ =	strace $0x80000056;
	s7 =	smul.u32 $0x27180, s6;
	s8 =	ssub.s32 $0x2, s6  }
0x8: {  	s12 =	smul.u32 $0x4F0, s6;
	s9 =	sshrl.u32 @!p0 s1, $0x3;
	s10 =	sadd.s32 s4, s5  }
0x9: {  	s11 =	sshrl.u32 s8, $0x1;
	s4 =	sadd.s32 $0x65200, s5;
	s5 =	sadd.s32 s7, s5  }
0xa: {  	s30 =	ssub.s32 s8, s11;
	s31 =	sadd.s32 s12, s10;
	s10 =	simm.s32 $0x2  }
0xb: {  	s11 =	simm.s32 $0x80;
	s12 =	simm.s32 $0x100;
	s5 =	sadd.s32 $0xDA800, s5  }
0xc: {  	s6 =	smax.u32 s30, $0x1;
	s7 =	sadd.s32 $0x5B400, s31;
	s8 =	sadd.s32 $0x51600, s31  }
.LBB2_1:
0xd: {  	s15 =	simm.s32 @!p0 $0x1C02  }
0xe: {  	[spmem:s9], [sflag:s15] =	dma.local @!p0 [hbm:s4], $0x27180  }
0xf: {  	s15 =	simm.s32 @!p0 $0x2  }
0x10: {  	_ =	swait.ge @!p0 [sflag:s15], $0x27180  }
0x11: {  	[sflag:s15] =	ssyncset.done @!p0 $0x0  }
0x12: {  	[sflag:s15] =	ssyncadd.s32 @!p0 $0xFFFD8E80  }
0x13: {  	s30 =	sadd.s32 $0x0, s8;
	[bflag:$0x0] =	sbarrier.arrive $0xFFFF  }
0x14: {  	[tilespmem:s2], [sflag:$0x2] =	stream.linear.gather [hbm4b:s30+s2], $0x80, $0x38;
	[tilespmem:$0x179C0] =	vst v63  }
0x15: {  	_ =	swait.ge [sflag:s10], $0x80  }
0x16: {  	[sflag:s10] =	ssyncset.done $0x0  }
0x17: {  	[sflag:s10] =	ssyncadd.s32 $0xFFFFFF80  }
0x18: {  	[tilespmem:s12], [sflag:$0x1] =	stream.indirect.gather [hbm4b:s3+s11], $0x80, s2, s11, $0xb8;
	[tilespmem:$0x179C0] =	vst v63  }
0x19: {  	_ =	swait.ge [sflag:s13], $0x4000  }
0x1a: {  	[sflag:s13] =	ssyncset.done $0x0  }
0x1b: {  	s31 =	sadd.s32 $0x0, s7;
	[sflag:s13] =	ssyncadd.s32 $0xFFFFC000  }
0x1c: {  	[tilespmem:s11], [sflag:$0x2] =	stream.linear.gather [hbm4b:s31+s2], $0x80, $0x38;
	[tilespmem:$0x179C0] =	vst v63  }
0x1d: {  	_ =	swait.ge [sflag:s10], $0x80  }
0x1e: {  	[sflag:s10] =	ssyncset.done $0x0  }
0x1f: {  	[sflag:s10] =	ssyncadd.s32 $0xFFFFFF80  }
0x20: {  	[spmem:s1] =	stream.indirect.scatter.add.f32 [tilespmem:s12], [sflag:$0x2], $0x80, s11, s11, $0xb8;
	[tilespmem:$0x179C0] =	vst v63  }
0x21: {  	_ =	swait.ge [sflag:s10], $0x4000  }
0x22: {  	s16 =	simm.s32 $0x20;
	s15 =	simm.s32 $0x10;
	[sflag:s10] =	ssyncset.done $0x0  }
.LBB2_2:
0x23: {  	s17 =	sadd.s32 s15, s8  }
0x24: {  	[sflag:s10] =	ssyncadd.s32 $0xFFFFC000;
	s18 =	smov.u32 s16;
	s19 =	sadd.s32 $0x10, s16  }
0x25: {  	[tilespmem:s2], [sflag:$0x2] =	stream.linear.gather [hbm4b:s17+s2], $0x80, $0x38;
	[tilespmem:$0x179C0] =	vst v63  }
0x26: {  	p1 =	sne.s32 s16, $0x4E0;
	_ =	swait.ge [sflag:s10], $0x80  }
0x27: {  	[sflag:s10] =	ssyncset.done $0x0  }
0x28: {  	[sflag:s10] =	ssyncadd.s32 $0xFFFFFF80  }
0x29: {  	[tilespmem:s12], [sflag:$0x1] =	stream.indirect.gather [hbm4b:s3+s11], $0x80, s2, s11, $0xb8;
	[tilespmem:$0x179C0] =	vst v63  }
0x2a: {  	_ =	swait.ge [sflag:s13], $0x4000  }
0x2b: {  	[sflag:s13] =	ssyncset.done $0x0  }
0x2c: {  	s16 =	sadd.s32 s15, s7;
	s15 =	smov.u32 s18;
	[sflag:s13] =	ssyncadd.s32 $0xFFFFC000  }
0x2d: {  	[tilespmem:s11], [sflag:$0x2] =	stream.linear.gather [hbm4b:s16+s2], $0x80, $0x38;
	[tilespmem:$0x179C0] =	vst v63  }
0x2e: {  	_ =	swait.ge [sflag:s10], $0x80  }
.Ltmp0:
0x2f: {  	[sflag:s10] =	ssyncset.done $0x0;
	(pc) =	sbr.rel @p1 .LBB2_2-.Ltmp0, $4  }
0x30: {  	[sflag:s10] =	ssyncadd.s32 $0xFFFFFF80  }
0x31: {  	[spmem:s1] =	stream.indirect.scatter.add.f32 [tilespmem:s12], [sflag:$0x2], $0x80, s11, s11, $0xb8;
	[tilespmem:$0x179C0] =	vst v63  }
0x32: {  	_ =	swait.ge [sflag:s10], $0x4000  }
0x33: {  	s16 =	smov.u32 s19;
	[sflag:s10] =	ssyncset.done $0x0  }
0x34: {  	s16 =	sadd.s32 s15, s8;
	[sflag:s10] =	ssyncadd.s32 $0xFFFFC000  }
0x35: {  	[tilespmem:s2], [sflag:$0x2] =	stream.linear.gather [hbm4b:s16+s2], $0x80, $0x38;
	[tilespmem:$0x179C0] =	vst v63  }
0x36: {  	_ =	swait.ge [sflag:s10], $0x80  }
0x37: {  	[sflag:s10] =	ssyncset.done $0x0  }
0x38: {  	[sflag:s10] =	ssyncadd.s32 $0xFFFFFF80  }
0x39: {  	[tilespmem:s12], [sflag:$0x1] =	stream.indirect.gather [hbm4b:s3+s11], $0x80, s2, s11, $0xb8;
	[tilespmem:$0x179C0] =	vst v63  }
0x3a: {  	_ =	swait.ge [sflag:s13], $0x4000  }
0x3b: {  	[sflag:s13] =	ssyncset.done $0x0  }
0x3c: {  	s31 =	sadd.s32 s15, s7;
	[sflag:s13] =	ssyncadd.s32 $0xFFFFC000  }
0x3d: {  	[tilespmem:s11], [sflag:$0x2] =	stream.linear.gather [hbm4b:s31+s2], $0x80, $0x38;
	[tilespmem:$0x179C0] =	vst v63  }
0x3e: {  	_ =	swait.ge [sflag:s10], $0x80  }
0x3f: {  	[sflag:s10] =	ssyncset.done $0x0  }
0x40: {  	[sflag:s10] =	ssyncadd.s32 $0xFFFFFF80  }
0x41: {  	[spmem:s1] =	stream.indirect.scatter.add.f32 [tilespmem:s12], [sflag:$0x2], $0x80, s11, s11, $0xb8;
	[tilespmem:$0x179C0] =	vst v63  }
0x42: {  	_ =	swait.ge [sflag:s10], $0x4000  }
0x43: {  	[sflag:s10] =	ssyncset.done $0x0  }
0x44: {  	s14 =	sadd.s32 $0x1, s14;
	[sflag:s10] =	ssyncadd.s32 $0xFFFFC000  }
0x45: {  	s15 =	simm.s32 @!p0 $0x1C02;
	p1 =	sne.s32 s14, s6;
	[bflag:$0x0] =	sbarrier.arrive $0xFFFF  }
0x46: {  	[hbm:s5], [sflag:s15] =	dma.local @!p0 [spmem:s9], $0x27180  }
.Ltmp1:
0x47: {  	_ = 	snop;
	(pc) =	sbr.rel @p1 .LBB2_1-.Ltmp1, $4  }
0x48: {  	s15 =	simm.s32 @!p0 $0x2  }
0x49: {  	_ =	swait.ge @!p0 [sflag:s15], $0x27180  }
0x4a: {  	[sflag:s15] =	ssyncset.done @!p0 $0x0  }
0x4b: {  	[sflag:s15] =	ssyncadd.s32 @!p0 $0xFFFD8E80  }
0x4c: {  	_ =	sfence.sel $0x180000  }
0x4d: {  	[bflag:$0x0] =	sbarrier.arrive $0xFFFF  }
0x4e: {  	_ =	strace $0x90000056  }
0x4f: {  	s0 =	sadd.s32 @!p0 $0x100000, s0;
	[bflag:$0x2] =	sbarrier.arrive $0xFFFF  }
0x50: {  	[sflag:s0] =	ssyncadd.tile.s32 @!p0 $0x1;
	_ =	shalt  }
.Lfunc_end2:
_tile_overlayer_lowered:
.L_overlay_start_2:
0x51: {  	(tag) =	ssettag $0x2  }
0x52: {  	s0 =	rddreg [dreg:$0x0];
	s2 =	stileid.u32  }
0x53: {  	s1 =	rddreg [dreg:$0x1];
	p0 =	sne.s32 s2, $0x0  }
0x54: {  	s3 =	rddreg [dreg:$0x2];
	[bflag:$0x3] =	sbarrier.arrive $0xFFFF;
	s2 =	simm.s32 @!p0 $0x1C02  }
0x55: {  	[timem:s3], [sflag:s2] =	dma.local @!p0 [hbm:s0], s1  }
0x56: {  	s0 =	simm.s32 @!p0 $0x2  }
0x57: {  	_ =	swait.ge @!p0 [sflag:s0], s1  }
0x58: {  	s1 =	ssub.s32 @!p0 $0x0, s1;
	[sflag:s0] =	ssyncset.done @!p0 $0x0  }
0x59: {  	[sflag:s0] =	ssyncadd.s32 @!p0 s1  }
0x5a: {  	[bflag:$0x3] =	sbarrier.arrive $0xFFFF  }
0x5b: {  	_ =	shalt  }

// kernel: kernel.31.cloned.1.call-start
scs
__scs_entry_jumppad:
0x0: {  	(pc) =	sbr.rel $0x88, $3  }
0x1: {  	(tag) =	ssettag $0x0;
	lr =	simm.s32 $0x1  }
0x2: {  	[smem:$0x3F7D] =	sst lr;
	_ =	strace $0xD0000000  }
0x3: {  	_ = 	snop  }
0x4: {  	_ = 	snop  }
0x5: {  	_ = 	snop  }
0x6: {  	_ = 	snop  }
0x7: {  	_ = 	snop  }
__scs_overlays_trampoline_lowered:
0x8: {  	[smem:$0x3F8C] =	sst s0  }
0x9: {  	[smem:$0x3F8D] =	sst s1  }
0xa: {  	[smem:$0x3F8E] =	sst s2  }
0xb: {  	[smem:$0x3F8F] =	sst s3  }
0xc: {  	[smem:$0x3F90] =	sst s4  }
0xd: {  	[smem:$0x3F91] =	sst s5  }
0xe: {  	[smem:$0x3F92] =	sst s6  }
0xf: {  	[smem:$0x3F93] =	sst s7  }
0x10: {  	[smem:$0x3F94] =	sst s8  }
0x11: {  	[smem:$0x3F95] =	sst s9;
	s0 =	simm.s32 @!p0 $0x0  }
0x12: {  	s1 =	sld [smem:$0x3F7B];
	s0 =	simm.s32 @p0 $0x1  }
0x13: {  	[smem:$0x3F96] =	sst s0;
	s0 =	simm.s32 @!p1 $0x0  }
0x14: {  	s2 =	sld [smem:$0x3F7A];
	s0 =	simm.s32 @p1 $0x1  }
0x15: {  	[smem:$0x3F97] =	sst s0;
	s0 =	simm.s32 @!p2 $0x0  }
0x16: {  	s3 =	sld [smem:$0x3FDB];
	s0 =	simm.s32 @p2 $0x1  }
0x17: {  	s4 =	simm.s32 $0x1BF5;
	[smem:$0x3F99] =	sst s0  }
0x18: {  	s0 =	sld [smem:$0x3F7C];
	_ =	swait.ge [sflag:s4], $0x0  }
0x19: {  	s7 =	sld [smem:$0x3F7D]  }
0x1a: {  	s8 =	sadd.s32 $0xFFFFE003, lr  }
0x1b: {  	s9 =	sadd.s32 $0xFFFFFEF7, lr;
	s5 =	simm.s32 $0xFFFFFFFF;
	p2 =	slt.u32 s8, $0xFFFFF086  }
0x1c: {  	p1 =	slt.u32 s9, $0xF7A;
	s5 =	simm.s32 @!p2 $0x0  }
0x1d: {  	s5 =	simm.s32 @p1 $0x1;
	p0 =	seq.s32 s7, s2  }
0x1e: {  	s7 =	smul.u32 @!p0 $0xF7A, s2;
	p2 =	seq.s32 @!p0 s5, $0x0  }
0x1f: {  	s9 =	smul.u32 $0xF7A, s1;
	s8 =	simm.s32 @!p0 $0x1BF5;
	p2 =	por !p2, p0  }
0x20: {  	[sflag:s8] =	ssyncset.s32 @!p0 $0xFFFFF086;
	s6 =	sadd.s32 @!p0 s3, s7;
	s7 =	simm.s32 @!p0 $0x108  }
0x21: {  	s3 =	sadd.s32 s3, s9;
	s6 =	sadd.s32 @!p0 $0x88, s6;
	s7 =	simm.s32 @p2 $0x1082  }
0x22: {  	[simem:s7], [sflag:s8] =	dma.local @!p0 [hbm:s6], $0xF7A  }
0x23: {  	s9 =	sor.u32 $0xD0000000, s2;
	s6 =	simm.s32 $0x108;
	_ =	swait.ge @!p0 [sflag:s8], $0x0  }
0x24: {  	s3 =	sadd.s32 $0x88, s3;
	s6 =	simm.s32 @!p1 $0x1082;
	[sflag:s4] =	ssyncset.s32 $0xFFFFF086  }
0x25: {  	[simem:s6], [sflag:s4] =	dma.local [hbm:s3], $0xF7A  }
0x26: {  	[smem:$0x3F7D] =	sst s1;
	(tag) =	ssettag s2;
	_ =	strace s9  }
0x27: {  	s1 =	sld [smem:$0x3F8D]  }
0x28: {  	s2 =	sld [smem:$0x3F8E]  }
0x29: {  	s4 =	sld [smem:$0x3F90]  }
0x2a: {  	p0 =	seq.s32 s5, $0x0;
	s5 =	sld [smem:$0x3F91]  }
0x2b: {  	s6 =	sld [smem:$0x3F92]  }
0x2c: {  	s7 =	sld [smem:$0x3F93]  }
0x2d: {  	s3 =	simm.s32 $0x108;
	s8 =	sld [smem:$0x3F94]  }
0x2e: {  	s3 =	simm.s32 @!p0 $0x1082;
	s9 =	sld [smem:$0x3F95]  }
0x2f: {  	lr =	sadd.s32 s0, s3;
	s0 =	sld [smem:$0x3F8C]  }
0x30: {  	s3 =	sld [smem:$0x3F8F]  }
0x31: {  	[smem:$0x3F98] =	sst s10  }
0x32: {  	s10 =	sld [smem:$0x3F96];
	_ =	sdelay $0x3  }
0x33: {  	p0 =	seq.s32 s10, $0x1;
	s10 =	sld [smem:$0x3F98];
	_ =	sdelay $0x3  }
0x34: {  	[smem:$0x3F98] =	sst s10  }
0x35: {  	s10 =	sld [smem:$0x3F97];
	_ =	sdelay $0x3  }
0x36: {  	p1 =	seq.s32 s10, $0x1;
	s10 =	sld [smem:$0x3F98];
	_ =	sdelay $0x3  }
0x37: {  	[smem:$0x3F98] =	sst s10  }
0x38: {  	s10 =	sld [smem:$0x3F99]  }
0x39: {  	_ = 	snop;
	(pc) =	sbr.ind lr, $3  }
0x3a: {  	_ = 	snop  }
0x3b: {  	_ = 	snop  }
0x3c: {  	p2 =	seq.s32 s10, $0x1;
	s10 =	sld [smem:$0x3F98]  }
0x3d: {  	_ =	shalt  }
0x3e: {  	_ =	shalt  }
0x3f: {  	_ =	shalt  }
0x40: {  	_ =	shalt  }
0x41: {  	_ =	shalt  }
0x42: {  	_ =	shalt  }
0x43: {  	_ =	shalt  }
0x44: {  	_ =	shalt  }
0x45: {  	_ =	shalt  }
0x46: {  	_ =	shalt  }
0x47: {  	_ =	shalt  }
0x48: {  	_ =	shalt  }
0x49: {  	_ =	shalt  }
0x4a: {  	_ =	shalt  }
0x4b: {  	_ =	shalt  }
0x4c: {  	_ =	shalt  }
0x4d: {  	_ =	shalt  }
0x4e: {  	_ =	shalt  }
0x4f: {  	_ =	shalt  }
0x50: {  	_ =	shalt  }
0x51: {  	_ =	shalt  }
0x52: {  	_ =	shalt  }
0x53: {  	_ =	shalt  }
0x54: {  	_ =	shalt  }
0x55: {  	_ =	shalt  }
0x56: {  	_ =	shalt  }
0x57: {  	_ =	shalt  }
0x58: {  	_ =	shalt  }
0x59: {  	_ =	shalt  }
0x5a: {  	_ =	shalt  }
0x5b: {  	_ =	shalt  }
0x5c: {  	_ =	shalt  }
0x5d: {  	_ =	shalt  }
0x5e: {  	_ =	shalt  }
0x5f: {  	_ =	shalt  }
0x60: {  	_ =	shalt  }
0x61: {  	_ =	shalt  }
0x62: {  	_ =	shalt  }
0x63: {  	_ =	shalt  }
0x64: {  	_ =	shalt  }
0x65: {  	_ =	shalt  }
0x66: {  	_ =	shalt  }
0x67: {  	_ =	shalt  }
0x68: {  	_ =	shalt  }
0x69: {  	_ =	shalt  }
0x6a: {  	_ =	shalt  }
0x6b: {  	_ =	shalt  }
0x6c: {  	_ =	shalt  }
0x6d: {  	_ =	shalt  }
0x6e: {  	_ =	shalt  }
0x6f: {  	_ =	shalt  }
0x70: {  	_ =	shalt  }
0x71: {  	_ =	shalt  }
0x72: {  	_ =	shalt  }
0x73: {  	_ =	shalt  }
0x74: {  	_ =	shalt  }
0x75: {  	_ =	shalt  }
0x76: {  	_ =	shalt  }
0x77: {  	_ =	shalt  }
0x78: {  	_ =	shalt  }
0x79: {  	_ =	shalt  }
0x7a: {  	_ =	shalt  }
0x7b: {  	_ =	shalt  }
0x7c: {  	_ =	shalt  }
0x7d: {  	_ =	shalt  }
0x7e: {  	_ =	shalt  }
0x7f: {  	_ =	shalt  }
0x80: {  	_ =	shalt  }
0x81: {  	_ =	shalt  }
0x82: {  	_ =	shalt  }
0x83: {  	_ =	shalt  }
0x84: {  	_ =	shalt  }
0x85: {  	_ =	shalt  }
0x86: {  	_ =	shalt  }
0x87: {  	_ =	shalt  }
.Lfunc_end0:
.L_simem_size_0:
called_computation.5_lowered:
.L_overlay_start_0:
0x88: {  	s2 =	sld [smem:$0x3FD9]  }
0x89: {  	s3 =	sld [smem:$0x3FFE];
	_ =	sdelay $0x1  }
0x8a: {  	s1 =	srdreg.scid  }
0x8b: {  	s0 =	sand.u32 $0x1, s1  }
0x8c: {  	s17 =	sshll.u32 s0, $0xA;
	s2 =	sadd.s32 s3, s2  }
0x8d: {  	s2 =	sadd.s32 s2, s17  }
0x8e: {  	[smem:$0x3FA4] =	sst s2  }
0x8f: {  	_ = 	snop  }
0x90: {  	(tm) =	ssettm $0x1  }
0x91: {  	s18 =	sld [smem:$0x3FFB];
	_ =	sdelay $0x3  }
0x92: {  	_ =	strace s18  }
0x93: {  	s2 =	sld [smem:$0x3FFC];
	_ =	sdelay $0x3  }
0x94: {  	_ =	strace s2  }
0x95: {  	s2 =	sld [smem:$0x3FFD];
	_ =	sdelay $0x3  }
0x96: {  	_ =	strace s2  }
0x97: {  	_ =	strace $0x8FFFFFFF  }
0x98: {  	s19 =	sld [smem:$0x3FDB];
	_ =	sdelay $0x1  }
0x99: {  	s20 =	simm.s32 $_scs_section_size  }
0x9a: {  	s4 =	simm.s32 $_size__tile_overlayer_lowered;
	s5 =	simm.s32 $_tile_overlayer_lowered  }
0x9b: {  	s6 =	simm.s32 $0x1BFF;
	s21 =	sshll.u32 s5, $0x1;
	s3 =	sadd.s32 s20, s19  }
0x9c: {  	s22 =	simm.s32 $0x0;
	s4 =	sshll.u32 s4, $0x1;
	s5 =	sadd.s32 s21, s3  }
0x9d: {  	[timem:s22], [sflag:s6] =	dma.local [hbm:s5], s4  }
0x9e: {  	_ =	swait.ge [sflag:s6], s4  }
0x9f: {  	s4 =	ssub.s32 $0x0, s4;
	[sflag:s6] =	ssyncset.done $0x0  }
0xa0: {  	[sflag:s6] =	ssyncadd.s32 s4;
	_ =	sdelay $0x1  }
0xa1: {  	s23 =	simm.s32 $0x1B8B  }
0xa2: {  	_ =	swait.ge [sflag:s23], $0x1  }
0xa3: {  	[sflag:s23] =	ssyncset.done $0x0  }
0xa4: {  	[sflag:s23] =	ssyncadd.s32 $0xFFFFFFFF  }
0xa5: {  	s4 =	sld [smem:$0x0]  }
0xa6: {  	s5 =	sand.u32 $0xFFFFFFFE, s1  }
0xa7: {  	p0 =	sne.s32 s1, s5  }
0xa8: {  	s5 =	sshll.u32 @p0 s5, $0xE  }
0xa9: {  	s5 =	sadd.s32 @p0 $0x11B8D, s5;
	s6 =	sshll.u32 @p0 s4, $0x11  }
0xaa: {  	s5 =	sor.u32 @p0 s6, s5  }
0xab: {  	[sflag:s5] =	ssyncadd.remote.s32 @p0 $0x1;
	_ =	sdelay $0x1  }
0xac: {  	s5 =	simm.s32 @p0 $0x1B8D  }
0xad: {  	_ =	swait.eq @p0 [sflag:s5], $0x1  }
0xae: {  	[sflag:s5] =	ssyncadd.s32 @p0 $0xFFFFFFFF  }
0xaf: {  	s6 =	sshll.u32 @!p0 s1, $0xE  }
0xb0: {  	s6 =	sor.u32 @!p0 $0x4000, s6;
	s5 =	simm.s32 @!p0 $0x1B8D  }
0xb1: {  	s4 =	sshll.u32 @!p0 s4, $0x11;
	s6 =	sadd.s32 @!p0 $0x11B8D, s6;
	_ =	swait.eq @!p0 [sflag:s5], $0x1  }
0xb2: {  	s4 =	sor.u32 @!p0 s4, s6;
	[sflag:s5] =	ssyncadd.s32 @!p0 $0xFFFFFFFF  }
0xb3: {  	s25 =	simm.s32 $0x1B8E;
	s24 =	sld [smem:$0x3FFE];
	[sflag:s4] =	ssyncadd.remote.s32 @!p0 $0x1  }
0xb4: {  	s26 =	simm.s32 $execute0_lowered;
	[smem:$0x3FD2] =	sst s25  }
0xb5: {  	s5 =	sshll.u32 s26, $0x1;
	_ =	strace $0x80000052;
	[dreg:$0x1] =	wrdreg $0xFFFFFFFF  }
0xb6: {  	s28 =	simm.s32 $_size_execute0_lowered;
	s3 =	sadd.s32 s3, s5;
	[dreg:$0x0] =	wrdreg $0x0  }
0xb7: {  	s5 =	sshll.u32 s28, $0x1;
	[dreg:$0x2] =	wrdreg s3  }
0xb8: {  	[dreg:$0x3] =	wrdreg s5  }
0xb9: {  	[dreg:$0x4] =	wrdreg $0xC0  }
0xba: {  	_ =	task [dreg:s22], $0x5FFFF  }
0xbb: {  	[dreg:$0x1] =	wrdreg $0xFFFFFFFF  }
0xbc: {  	[dreg:$0x0] =	wrdreg $0x60  }
0xbd: {  	[dreg:$0x2] =	wrdreg s24  }
0xbe: {  	[dreg:$0x3] =	wrdreg $0x41000  }
0xbf: {  	[dreg:$0x4] =	wrdreg $0xA  }
0xc0: {  	_ =	task.clear_ibuf [dreg:s22], $0x5FFFF;
	_ =	strace $0x90000052  }
0xc1: {  	s29 =	simm.s32 $0xA;
	_ =	strace $0x80000054  }
0xc2: {  	_ =	swait.ge [sflag:s29], $0x1  }
0xc3: {  	[sflag:s29] =	ssyncadd.s32 $0xFFFFFFFF  }
0xc4: {  	_ =	strace $0x90000054  }
0xc5: {  	_ =	sfence  }
0xc6: {  	s30 =	sld [smem:$0x0];
	_ =	sdelay $0x2  }
0xc7: {  	s31 =	sshll.u32 s1, $0xD;
	s1 =	sshrl.u32 s1, $0x2  }
0xc8: {  	s4 =	sand.u32 $0x4000, s31;
	s1 =	sadd.s32 s1, s30  }
0xc9: {  	s0 =	sor.u32 s4, s0;
	s1 =	sshll.u32 s1, $0x11  }
0xca: {  	s0 =	sor.u32 s1, s0  }
0xcb: {  	s0 =	sadd.s32 $0x8F2B, s0  }
0xcc: {  	[sflag:s0] =	ssyncadd.remote.s32 $0x1  }
0xcd: {  	_ =	sfence.sel $0xFFFF  }
0xce: {  	[dreg:$0x0] =	wrdreg $0xFFFFFFFF;
	(pc) =	sbr.abs _section_cstart, $3  }
0xcf: {  	[dreg:$0x1] =	wrdreg $0xFFFFFFFF  }
0xd0: {  	_ =	task.clear_ibuf [dreg:s22], $0x2FFFF;
	_ =	strace $0x9FFFFFFF  }
0xd1: {  	(tm) =	ssettm $0x7FFFFFFF  }
tec
execute0_lowered:
.L_overlay_start_1:
0x0: {  	(tag) =	ssettag $0x1  }
0x1: {  	s5 =	rddreg [dreg:$0x0]  }
0x2: {  	s1 =	rddreg [dreg:$0x1]  }
0x3: {  	s0 =	rddreg [dreg:$0x2];
	s2 =	simm.s32 $0x0  }
0x4: {  	s9 =	stileid.u32;
	s3 =	srdreg.scid;
	s13 =	simm.s32 $0x1  }
0x5: {  	s14 =	simm.s32 $0x0;
	[smem:$0x7FF] =	sst s2;
	s4 =	smul.u32 $0x9E0, s9  }
0x6: {  	s6 =	sand.u32 $0x1, s3;
	s3 =	sadd.s32 $0x3200, s5;
	p0 =	sne.s32 s9, $0x0  }
0x7: {  	_ =	strace $0x80000053;
	s7 =	smul.u32 $0x27180, s6;
	s8 =	ssub.s32 $0x2, s6  }
0x8: {  	s12 =	smul.u32 $0x4F0, s6;
	s9 =	sshrl.u32 @!p0 s1, $0x3;
	s10 =	sadd.s32 s4, s5  }
0x9: {  	s11 =	sshrl.u32 s8, $0x1;
	s4 =	sadd.s32 $0x65200, s5;
	s5 =	sadd.s32 s7, s5  }
0xa: {  	s30 =	ssub.s32 s8, s11;
	s31 =	sadd.s32 s12, s10;
	s10 =	simm.s32 $0x2  }
0xb: {  	s11 =	simm.s32 $0x80;
	s12 =	simm.s32 $0x100;
	s5 =	sadd.s32 $0x8C400, s5  }
0xc: {  	s6 =	smax.u32 s30, $0x1;
	s7 =	sadd.s32 $0x180C00, s31;
	s8 =	sadd.s32 $0x176E00, s31  }
.LBB2_1:
0xd: {  	s15 =	simm.s32 @!p0 $0x1C02  }
0xe: {  	[spmem:s9], [sflag:s15] =	dma.local @!p0 [hbm:s4], $0x27180  }
0xf: {  	s15 =	simm.s32 @!p0 $0x2  }
0x10: {  	_ =	swait.ge @!p0 [sflag:s15], $0x27180  }
0x11: {  	[sflag:s15] =	ssyncset.done @!p0 $0x0  }
0x12: {  	[sflag:s15] =	ssyncadd.s32 @!p0 $0xFFFD8E80  }
0x13: {  	s30 =	sadd.s32 $0x0, s8;
	[bflag:$0x0] =	sbarrier.arrive $0xFFFF  }
0x14: {  	[tilespmem:s2], [sflag:$0x2] =	stream.linear.gather [hbm4b:s30+s2], $0x80, $0x38;
	[tilespmem:$0x179C0] =	vst v63  }
0x15: {  	_ =	swait.ge [sflag:s10], $0x80  }
0x16: {  	[sflag:s10] =	ssyncset.done $0x0  }
0x17: {  	[sflag:s10] =	ssyncadd.s32 $0xFFFFFF80  }
0x18: {  	[tilespmem:s12], [sflag:$0x1] =	stream.indirect.gather [hbm4b:s3+s11], $0x80, s2, s11, $0xb8;
	[tilespmem:$0x179C0] =	vst v63  }
0x19: {  	_ =	swait.ge [sflag:s13], $0x4000  }
0x1a: {  	[sflag:s13] =	ssyncset.done $0x0  }
0x1b: {  	s31 =	sadd.s32 $0x0, s7;
	[sflag:s13] =	ssyncadd.s32 $0xFFFFC000  }
0x1c: {  	[tilespmem:s11], [sflag:$0x2] =	stream.linear.gather [hbm4b:s31+s2], $0x80, $0x38;
	[tilespmem:$0x179C0] =	vst v63  }
0x1d: {  	_ =	swait.ge [sflag:s10], $0x80  }
0x1e: {  	[sflag:s10] =	ssyncset.done $0x0  }
0x1f: {  	[sflag:s10] =	ssyncadd.s32 $0xFFFFFF80  }
0x20: {  	[spmem:s1] =	stream.indirect.scatter.add.f32 [tilespmem:s12], [sflag:$0x2], $0x80, s11, s11, $0xb8;
	[tilespmem:$0x179C0] =	vst v63  }
0x21: {  	_ =	swait.ge [sflag:s10], $0x4000  }
0x22: {  	s16 =	simm.s32 $0x20;
	s15 =	simm.s32 $0x10;
	[sflag:s10] =	ssyncset.done $0x0  }
.LBB2_2:
0x23: {  	s17 =	sadd.s32 s15, s8  }
0x24: {  	[sflag:s10] =	ssyncadd.s32 $0xFFFFC000;
	s18 =	smov.u32 s16;
	s19 =	sadd.s32 $0x10, s16  }
0x25: {  	[tilespmem:s2], [sflag:$0x2] =	stream.linear.gather [hbm4b:s17+s2], $0x80, $0x38;
	[tilespmem:$0x179C0] =	vst v63  }
0x26: {  	p1 =	sne.s32 s16, $0x4E0;
	_ =	swait.ge [sflag:s10], $0x80  }
0x27: {  	[sflag:s10] =	ssyncset.done $0x0  }
0x28: {  	[sflag:s10] =	ssyncadd.s32 $0xFFFFFF80  }
0x29: {  	[tilespmem:s12], [sflag:$0x1] =	stream.indirect.gather [hbm4b:s3+s11], $0x80, s2, s11, $0xb8;
	[tilespmem:$0x179C0] =	vst v63  }
0x2a: {  	_ =	swait.ge [sflag:s13], $0x4000  }
0x2b: {  	[sflag:s13] =	ssyncset.done $0x0  }
0x2c: {  	s16 =	sadd.s32 s15, s7;
	s15 =	smov.u32 s18;
	[sflag:s13] =	ssyncadd.s32 $0xFFFFC000  }
0x2d: {  	[tilespmem:s11], [sflag:$0x2] =	stream.linear.gather [hbm4b:s16+s2], $0x80, $0x38;
	[tilespmem:$0x179C0] =	vst v63  }
0x2e: {  	_ =	swait.ge [sflag:s10], $0x80  }
.Ltmp0:
0x2f: {  	[sflag:s10] =	ssyncset.done $0x0;
	(pc) =	sbr.rel @p1 .LBB2_2-.Ltmp0, $4  }
0x30: {  	[sflag:s10] =	ssyncadd.s32 $0xFFFFFF80  }
0x31: {  	[spmem:s1] =	stream.indirect.scatter.add.f32 [tilespmem:s12], [sflag:$0x2], $0x80, s11, s11, $0xb8;
	[tilespmem:$0x179C0] =	vst v63  }
0x32: {  	_ =	swait.ge [sflag:s10], $0x4000  }
0x33: {  	s16 =	smov.u32 s19;
	[sflag:s10] =	ssyncset.done $0x0  }
0x34: {  	s16 =	sadd.s32 s15, s8;
	[sflag:s10] =	ssyncadd.s32 $0xFFFFC000  }
0x35: {  	[tilespmem:s2], [sflag:$0x2] =	stream.linear.gather [hbm4b:s16+s2], $0x80, $0x38;
	[tilespmem:$0x179C0] =	vst v63  }
0x36: {  	_ =	swait.ge [sflag:s10], $0x80  }
0x37: {  	[sflag:s10] =	ssyncset.done $0x0  }
0x38: {  	[sflag:s10] =	ssyncadd.s32 $0xFFFFFF80  }
0x39: {  	[tilespmem:s12], [sflag:$0x1] =	stream.indirect.gather [hbm4b:s3+s11], $0x80, s2, s11, $0xb8;
	[tilespmem:$0x179C0] =	vst v63  }
0x3a: {  	_ =	swait.ge [sflag:s13], $0x4000  }
0x3b: {  	[sflag:s13] =	ssyncset.done $0x0  }
0x3c: {  	s31 =	sadd.s32 s15, s7;
	[sflag:s13] =	ssyncadd.s32 $0xFFFFC000  }
0x3d: {  	[tilespmem:s11], [sflag:$0x2] =	stream.linear.gather [hbm4b:s31+s2], $0x80, $0x38;
	[tilespmem:$0x179C0] =	vst v63  }
0x3e: {  	_ =	swait.ge [sflag:s10], $0x80  }
0x3f: {  	[sflag:s10] =	ssyncset.done $0x0  }
0x40: {  	[sflag:s10] =	ssyncadd.s32 $0xFFFFFF80  }
0x41: {  	[spmem:s1] =	stream.indirect.scatter.add.f32 [tilespmem:s12], [sflag:$0x2], $0x80, s11, s11, $0xb8;
	[tilespmem:$0x179C0] =	vst v63  }
0x42: {  	_ =	swait.ge [sflag:s10], $0x4000  }
0x43: {  	[sflag:s10] =	ssyncset.done $0x0  }
0x44: {  	s14 =	sadd.s32 $0x1, s14;
	[sflag:s10] =	ssyncadd.s32 $0xFFFFC000  }
0x45: {  	s15 =	simm.s32 @!p0 $0x1C02;
	p1 =	sne.s32 s14, s6;
	[bflag:$0x0] =	sbarrier.arrive $0xFFFF  }
0x46: {  	[hbm:s5], [sflag:s15] =	dma.local @!p0 [spmem:s9], $0x27180  }
.Ltmp1:
0x47: {  	_ = 	snop;
	(pc) =	sbr.rel @p1 .LBB2_1-.Ltmp1, $4  }
0x48: {  	s15 =	simm.s32 @!p0 $0x2  }
0x49: {  	_ =	swait.ge @!p0 [sflag:s15], $0x27180  }
0x4a: {  	[sflag:s15] =	ssyncset.done @!p0 $0x0  }
0x4b: {  	[sflag:s15] =	ssyncadd.s32 @!p0 $0xFFFD8E80  }
0x4c: {  	_ =	sfence.sel $0x180000  }
0x4d: {  	[bflag:$0x0] =	sbarrier.arrive $0xFFFF  }
0x4e: {  	_ =	strace $0x90000053  }
0x4f: {  	s0 =	sadd.s32 @!p0 $0x100000, s0;
	[bflag:$0x2] =	sbarrier.arrive $0xFFFF  }
0x50: {  	[sflag:s0] =	ssyncadd.tile.s32 @!p0 $0x1;
	_ =	shalt  }
.Lfunc_end2:
_tile_overlayer_lowered:
.L_overlay_start_2:
0x51: {  	(tag) =	ssettag $0x2  }
0x52: {  	s0 =	rddreg [dreg:$0x0];
	s2 =	stileid.u32  }
0x53: {  	s1 =	rddreg [dreg:$0x1];
	p0 =	sne.s32 s2, $0x0  }
0x54: {  	s3 =	rddreg [dreg:$0x2];
	[bflag:$0x3] =	sbarrier.arrive $0xFFFF;
	s2 =	simm.s32 @!p0 $0x1C02  }
0x55: {  	[timem:s3], [sflag:s2] =	dma.local @!p0 [hbm:s0], s1  }
0x56: {  	s0 =	simm.s32 @!p0 $0x2  }
0x57: {  	_ =	swait.ge @!p0 [sflag:s0], s1  }
0x58: {  	s1 =	ssub.s32 @!p0 $0x0, s1;
	[sflag:s0] =	ssyncset.done @!p0 $0x0  }
0x59: {  	[sflag:s0] =	ssyncadd.s32 @!p0 s1  }
0x5a: {  	[bflag:$0x3] =	sbarrier.arrive $0xFFFF  }
0x5b: {  	_ =	shalt  }

</sc_bundles>
